<compile_context>
chip_gen: v7x
topology: tpu7x:2x2x1
jax: 0.10.2.dev20260603
libtpu: 0.0.44.dev20260713+nightly
codegen_flags: <defaults>
</compile_context>

<pallas_src>
import functools

import jax
import jax.numpy as jnp
from jax import lax
from jax.experimental import pallas as pl
from jax.experimental.pallas import tpu as pltpu
from jax.experimental.pallas import tpu_sc as plsc

N = 10000
E = 320000
D = 128
G = 64

NC = 2
NS = 16
NW = NC * NS

NP = 10240
DUMMY = N
C = 128
K = 80
EP = NW * K * C
RPS = NP // NS

_mesh = plsc.VectorSubcoreMesh(core_axis_name="c", subcore_axis_name="s")


HR = NP // D


@functools.partial(
    pl.kernel,
    out_type=jax.ShapeDtypeStruct((NC, HR, D), jnp.float32),
    mesh=_mesh,
    scratch_types=[
        pltpu.VMEM((K, C), jnp.int32),
        pltpu.VMEM((HR, D), jnp.float32),
        pltpu.VMEM((1, HR), jnp.int32),
        pltpu.VMEM_SHARED((HR, D), jnp.float32),
        pltpu.SemaphoreType.DMA,
    ],
    compiler_params=pltpu.CompilerParams(needs_layout_passes=False),
)
def _sc_hist(dst_hbm, zeros_hbm, iota_hbm, out_hbm,
             didx, local_h, idxv, hist_s, sem):
    c = lax.axis_index("c")
    s = lax.axis_index("s")
    wid = s * NC + c
    pltpu.sync_copy(dst_hbm.at[pl.ds(wid * K, K)], didx)
    pltpu.sync_copy(iota_hbm, idxv)
    pltpu.sync_copy(zeros_hbm.at[pl.ds(0, HR)], local_h)

    @pl.when(s == 0)
    def _():
        pltpu.sync_copy(zeros_hbm.at[pl.ds(0, HR)], hist_s)

    ones16 = jnp.full((16,), 1.0, jnp.float32)

    def body(t, carry):
        j = t // (C // 16)
        k = t % (C // 16)
        v = didx[j, pl.ds(k * 16, 16)]
        plsc.addupdate_scatter(local_h, [v >> 7, v & 127], ones16)
        return carry

    lax.fori_loop(0, K * (C // 16), body, 0)
    plsc.subcore_barrier()
    pltpu.sync_copy(local_h, hist_s.at[idxv.at[0]], add=True)
    plsc.subcore_barrier()

    @pl.when(s < HR // 8)
    def _():
        pltpu.sync_copy(hist_s.at[pl.ds(s * 8, 8)],
                        out_hbm.at[c, pl.ds(s * 8, 8)])


@functools.partial(
    pl.kernel,
    out_type=jax.ShapeDtypeStruct((NC, NP, D), jnp.float32),
    mesh=_mesh,
    scratch_types=[
        pltpu.VMEM((K // 2, C), jnp.int32),
        pltpu.VMEM((K // 2, C), jnp.int32),
        pltpu.VMEM((C, D), jnp.float32),
        pltpu.VMEM((C, D), jnp.float32),
        pltpu.VMEM_SHARED((NP, D), jnp.float32),
        pltpu.SemaphoreType.DMA,
        pltpu.SemaphoreType.DMA,
        pltpu.SemaphoreType.DMA,
    ],
)
def _sc_edge(g_hbm, src_hbm, dst_hbm, zeros_hbm, out_hbm,
             sidx, didx, rows, rows2, acc_s, sem, sem2, ss2):
    c = lax.axis_index("c")
    s = lax.axis_index("s")
    wid = s * NC + c
    KH = K // 2

    @pl.when(c == 0)
    def _():
        pltpu.sync_copy(g_hbm.at[pl.ds(s * RPS, RPS)],
                        acc_s.at[pl.ds(s * RPS, RPS)])

    @pl.when(c != 0)
    def _():
        pltpu.sync_copy(zeros_hbm.at[pl.ds(s * RPS, RPS)],
                        acc_s.at[pl.ds(s * RPS, RPS)])

    plsc.subcore_barrier()

    for p in range(2):
        pltpu.sync_copy(src_hbm.at[pl.ds(wid * K + p * KH, KH)], sidx)
        pltpu.sync_copy(dst_hbm.at[pl.ds(wid * K + p * KH, KH)], didx)
        pltpu.async_copy(g_hbm.at[sidx.at[0]], rows, sem)

        def body(jj, carry):
            j = 2 * jj

            @pl.when(jj > 0)
            def _():
                pltpu.make_async_copy(rows2, acc_s.at[didx.at[j - 1]],
                                      ss2).wait()

            pltpu.async_copy(g_hbm.at[sidx.at[j + 1]], rows2, sem2)
            pltpu.make_async_copy(g_hbm.at[sidx.at[j]], rows, sem).wait()
            pltpu.sync_copy(rows, acc_s.at[didx.at[j]], add=True)

            @pl.when(jj < KH // 2 - 1)
            def _():
                pltpu.async_copy(g_hbm.at[sidx.at[j + 2]], rows, sem)

            pltpu.make_async_copy(g_hbm.at[sidx.at[j + 1]], rows2, sem2).wait()
            pltpu.async_copy(rows2, acc_s.at[didx.at[j + 1]], ss2, add=True)
            return carry

        lax.fori_loop(0, KH // 2, body, 0)
        pltpu.make_async_copy(rows2, acc_s.at[didx.at[KH - 1]], ss2).wait()
    plsc.subcore_barrier()
    pltpu.sync_copy(acc_s.at[pl.ds(s * RPS, RPS)],
                    out_hbm.at[c, pl.ds(s * RPS, RPS)])


BM = 1024
GRID = NP // BM

_acc_spec = pl.BlockSpec((NC, BM, D), lambda j: (0, j, 0))
_hist_spec = pl.BlockSpec((NC, BM // D, D), lambda j: (0, j, 0))
_row_spec = pl.BlockSpec((BM, D), lambda j: (j, 0))
_w_spec = pl.BlockSpec((D, D), lambda j: (0, 0))
_vec_spec = pl.BlockSpec((1, D), lambda j: (0, 0))


def _dinv_of(hist_ref):
    cnt = _expand_packed(hist_ref[0] + hist_ref[1], 0.0)
    return lax.rsqrt(cnt + 1.0)


def _tc_stage1_body(hist_ref, x_ref, w1_ref, o_ref):
    dinv = _dinv_of(hist_ref)
    h = jnp.dot(x_ref[...], w1_ref[...], preferred_element_type=jnp.float32)
    o_ref[...] = h * dinv


def _tc_stage2_body(hist_ref, a1_ref, b1_ref, gamma_ref, beta_ref,
                    rm_ref, rv_ref, w2_ref, o_ref):
    dinv = _dinv_of(hist_ref)
    out1 = dinv * (a1_ref[0] + a1_ref[1]) + b1_ref[...]
    scale = gamma_ref[...] * lax.rsqrt(rv_ref[...] + 1e-5)
    bn = (out1 - rm_ref[...]) * scale + beta_ref[...]
    e = jnp.where(bn > 0, bn, jnp.exp(bn) - 1.0)
    h = jnp.dot(e, w2_ref[...], preferred_element_type=jnp.float32)
    o_ref[...] = h * dinv


def _expand_packed(pk, zero):
    rep = jnp.concatenate(
        [jnp.broadcast_to(pk[q:q + 1, :], (D, D)) for q in range(BM // D)],
        axis=0)
    row = lax.broadcasted_iota(jnp.int32, (BM, D), 0)
    lane = lax.broadcasted_iota(jnp.int32, (BM, D), 1)
    sel = jnp.where((row % D) == lane, rep, zero)
    return jnp.sum(sel, axis=1, keepdims=True)


def _tc_stage3_body(hist_ref, a2_ref, b2_ref, batch_ref,
                    o_ref, grep_ref, sums_acc, cnt_acc):
    j = pl.program_id(0)
    dinv = _dinv_of(hist_ref)
    out = dinv * (a2_ref[0] + a2_ref[1]) + b2_ref[...]
    o_ref[...] = out

    bcol = _expand_packed(batch_ref[...], 0)
    gid = lax.broadcasted_iota(jnp.int32, (BM, G), 1)
    p = jnp.where(gid == bcol, 1.0, 0.0)
    dn = (((0,), (0,)), ((), ()))
    psum = lax.dot_general(p, out, dn,
                           preferred_element_type=jnp.float32)
    pcnt = lax.dot_general(p, jnp.ones((BM, D), jnp.float32), dn,
                           preferred_element_type=jnp.float32)

    @pl.when(j == 0)
    def _():
        sums_acc[...] = psum
        cnt_acc[...] = pcnt

    @pl.when(j > 0)
    def _():
        sums_acc[...] += psum
        cnt_acc[...] += pcnt

    grep_ref[...] = sums_acc[...] / jnp.maximum(cnt_acc[...], 1.0)


_tc_stage1 = pl.pallas_call(
    _tc_stage1_body,
    grid=(GRID,),
    in_specs=[_hist_spec, _row_spec, _w_spec],
    out_specs=_row_spec,
    out_shape=jax.ShapeDtypeStruct((NP, D), jnp.float32),
)

_tc_stage2 = pl.pallas_call(
    _tc_stage2_body,
    grid=(GRID,),
    in_specs=[_hist_spec, _acc_spec, _vec_spec, _vec_spec,
              _vec_spec, _vec_spec, _vec_spec, _w_spec],
    out_specs=_row_spec,
    out_shape=jax.ShapeDtypeStruct((NP, D), jnp.float32),
)

_tc_stage3 = pl.pallas_call(
    _tc_stage3_body,
    grid=(GRID,),
    in_specs=[_hist_spec, _acc_spec, _vec_spec,
              pl.BlockSpec((BM // D, D), lambda j: (j, 0))],
    out_specs=[_row_spec, pl.BlockSpec((G, D), lambda j: (0, 0))],
    out_shape=[jax.ShapeDtypeStruct((NP, D), jnp.float32),
               jax.ShapeDtypeStruct((G, D), jnp.float32)],
    scratch_shapes=[pltpu.VMEM((G, D), jnp.float32),
                    pltpu.VMEM((G, D), jnp.float32)],
)


def kernel(x, edge_index, batch, W1, b1, gamma, beta, rm, rv, W2, b2):
    src = edge_index[0]
    dst = edge_index[1]
    pad_e = N + jnp.arange(EP - E, dtype=jnp.int32) % (NP - N)
    src_p = jnp.concatenate([src, pad_e]).reshape(NW * K, C)
    dst_p = jnp.concatenate([dst, pad_e]).reshape(NW * K, C)
    batch_pk = jnp.concatenate(
        [batch, jnp.full((NP - N,), G, dtype=jnp.int32)]
    ).reshape(HR, D)
    x_p = jnp.pad(x, ((0, NP - N), (0, 0)))

    zeros = jnp.zeros((NP, D), jnp.float32)
    iota_h = jnp.arange(HR, dtype=jnp.int32).reshape(1, HR)

    hist = _sc_hist(dst_p, zeros, iota_h)
    g1 = _tc_stage1(hist, x_p, W1)
    a1 = _sc_edge(g1, src_p, dst_p, zeros)
    g2 = _tc_stage2(hist, a1, b1.reshape(1, D), gamma.reshape(1, D),
                    beta.reshape(1, D), rm.reshape(1, D), rv.reshape(1, D), W2)
    a2 = _sc_edge(g2, src_p, dst_p, zeros)
    out_p, graph_rep = _tc_stage3(hist, a2, b2.reshape(1, D), batch_pk)
    return out_p[:N], graph_rep

# --- scband reference (transcript-rebuilt; emitter-appended) ---
"""Pipeline reference for scband-gcnencoder-88029649698964 (READ-ONLY COPY).

The authoritative reference and input builder live on the scoring server;
editing this copy changes nothing except your own understanding.
"""

import jax, jax.numpy as jnp
import numpy as np

N = 10000
E = 320000
D_IN = 128
D_HID = 128
D_OUT = 128
G = 64


def _gcn_conv(x, src, dst, W, b, n):
    # PyG GCNConv: x @ W, add self loops, symmetric normalization, scatter-add to dst, + bias
    loop = jnp.arange(n, dtype=src.dtype)
    s = jnp.concatenate([src, loop])
    d = jnp.concatenate([dst, loop])
    deg = jax.ops.segment_sum(jnp.ones(s.shape[0], dtype=x.dtype), d, num_segments=n)
    dinv = jnp.where(deg > 0, deg ** -0.5, 0.0)
    norm = dinv[s] * dinv[d]
    h = x @ W
    out = jax.ops.segment_sum(h[s] * norm[:, None], d, num_segments=n)
    return out + b


def _batchnorm_eval(x, gamma, beta, rm, rv, eps=1e-5):
    return (x - rm) / jnp.sqrt(rv + eps) * gamma + beta


def setup_inputs(seed: int = 0):
    key = jax.random.key(seed)
    ks = jax.random.split(key, 8)
    x = jax.random.normal(ks[0], (N, D_IN), dtype=jnp.float32)
    edge_index = jax.random.randint(ks[1], (2, E), 0, N, dtype=jnp.int32)
    batch = jnp.sort(jax.random.randint(ks[2], (N,), 0, G, dtype=jnp.int32))
    W1 = jax.random.normal(ks[3], (D_IN, D_HID), dtype=jnp.float32) / np.sqrt(D_IN)
    b1 = jnp.zeros((D_HID,), dtype=jnp.float32)
    gamma = jnp.ones((D_HID,), dtype=jnp.float32)
    beta = jnp.zeros((D_HID,), dtype=jnp.float32)
    rm = jnp.zeros((D_HID,), dtype=jnp.float32)
    rv = jnp.ones((D_HID,), dtype=jnp.float32)
    W2 = jax.random.normal(ks[4], (D_HID, D_OUT), dtype=jnp.float32) / np.sqrt(D_HID)
    b2 = jnp.zeros((D_OUT,), dtype=jnp.float32)
    return {"x": x, "edge_index": edge_index, "batch": batch, "W1": W1, "b1": b1, "gamma": gamma, "beta": beta, "rm": rm, "rv": rv, "W2": W2, "b2": b2}


def reference(x, edge_index, batch, W1, b1, gamma, beta, rm, rv, W2, b2):
    src, dst = edge_index[0], edge_index[1]
    h = _gcn_conv(x, src, dst, W1, b1, N)
    h = _batchnorm_eval(h, gamma, beta, rm, rv)
    h = jax.nn.elu(h)
    # dropout: identity in eval mode
    out = _gcn_conv(h, src, dst, W2, b2, N)
    sums = jax.ops.segment_sum(out, batch, num_segments=G)
    cnt = jax.ops.segment_sum(jnp.ones((N,), dtype=out.dtype), batch, num_segments=G)
    graph_rep = sums / jnp.maximum(cnt, 1.0)[:, None]
    return (out, graph_rep)

if __name__ == "__main__":
    import jax
    _d = setup_inputs()
    print(jax.jit(kernel)(*tuple(_d.values())))

</pallas_src>

<mosaic_0001>
#map = affine_map<(d0, d1) -> (0, 0)>
#map1 = affine_map<(d0, d1) -> (0, 0, 0)>
module attributes {stable_mosaic.version = 14 : i64} {
  func.func @_sc_hist(%arg0: i32, %arg1: i32, %arg2: memref<2560x128xi32, #tpu.memory_space<hbm>>, %arg3: memref<10240x128xf32, #tpu.memory_space<hbm>>, %arg4: memref<1x80xi32, #tpu.memory_space<hbm>>, %arg5: memref<2x80x128xf32, #tpu.memory_space<hbm>>, %arg6: memref<80x128xi32, #tpu.memory_space<vmem>>, %arg7: memref<80x128xf32, #tpu.memory_space<vmem>>, %arg8: memref<1x80xi32, #tpu.memory_space<vmem>>, %arg9: memref<80x128xf32, #tpu.memory_space<vmem_shared>>, %arg10: memref<!tpu.dma_semaphore, #tpu.memory_space<semaphore_mem>>) attributes {dimension_semantics = [#tpu.dimension_semantics<core_parallel>, #tpu.dimension_semantics<subcore_parallel>], iteration_bounds = array<i64: 2, 16>, scalar_prefetch = 0 : i64, scratch_operands = 5 : i64, tpu.core_type = #tpu.core_type<sc_vector_subcore>, window_params = [{transform_indices = #map}, {transform_indices = #map}, {transform_indices = #map}, {transform_indices = #map1}]} {
    %mul3A = arith.constant 2 : i32
    %mul3A_0 = arith.muli %arg1, %mul3A : i32
    %add3A = arith.addi %mul3A_0, %arg0 : i32
    %mul3A_1 = arith.constant 80 : i32
    %mul3A_2 = arith.muli %add3A, %mul3A_1 : i32
    "tpu.region"() ({
      %run_scoped3A_16 = tpu.sem_alloc : memref<!tpu.dma_semaphore, #tpu.memory_space<semaphore_mem>>
      %dma_start3A = arith.constant 0 : i32
      %dma_start3A_17 = tpu.memref_slice %arg2[%mul3A_2, %dma_start3A] : memref<2560x128xi32, #tpu.memory_space<hbm>> -> memref<80x128xi32, #tpu.memory_space<hbm>>
      %dma_start3A_18 = arith.constant 0 : i32
      %dma_start3A_19 = tpu.memref_slice %arg2[%mul3A_2, %dma_start3A_18] : memref<2560x128xi32, #tpu.memory_space<hbm>> -> memref<80x128xi32, #tpu.memory_space<hbm>>
      tpu.enqueue_dma source(%dma_start3A_19 : memref<80x128xi32, #tpu.memory_space<hbm>>) target(%arg6 : memref<80x128xi32, #tpu.memory_space<vmem>>) target_semaphore(%run_scoped3A_16 : memref<!tpu.dma_semaphore, #tpu.memory_space<semaphore_mem>>)
      %dma_wait3A = arith.constant 0 : i32
      %dma_wait3A_20 = tpu.memref_slice %arg2[%mul3A_2, %dma_wait3A] : memref<2560x128xi32, #tpu.memory_space<hbm>> -> memref<80x128xi32, #tpu.memory_space<hbm>>
      %dma_wait3A_21 = arith.constant 0 : i32
      %dma_wait3A_22 = tpu.memref_slice %arg2[%mul3A_2, %dma_wait3A_21] : memref<2560x128xi32, #tpu.memory_space<hbm>> -> memref<80x128xi32, #tpu.memory_space<hbm>>
      tpu.wait_dma2 semaphore(%run_scoped3A_16 : memref<!tpu.dma_semaphore, #tpu.memory_space<semaphore_mem>>) src(%dma_wait3A_22 : memref<80x128xi32, #tpu.memory_space<hbm>>) dst(%arg6 : memref<80x128xi32, #tpu.memory_space<vmem>>)
      tpu.yield
    }) : () -> ()
    "tpu.region"() ({
      %run_scoped3A_16 = tpu.sem_alloc : memref<!tpu.dma_semaphore, #tpu.memory_space<semaphore_mem>>
      tpu.enqueue_dma source(%arg4 : memref<1x80xi32, #tpu.memory_space<hbm>>) target(%arg8 : memref<1x80xi32, #tpu.memory_space<vmem>>) target_semaphore(%run_scoped3A_16 : memref<!tpu.dma_semaphore, #tpu.memory_space<semaphore_mem>>)
      tpu.wait_dma2 semaphore(%run_scoped3A_16 : memref<!tpu.dma_semaphore, #tpu.memory_space<semaphore_mem>>) src(%arg4 : memref<1x80xi32, #tpu.memory_space<hbm>>) dst(%arg8 : memref<1x80xi32, #tpu.memory_space<vmem>>)
      tpu.yield
    }) : () -> ()
    "tpu.region"() ({
      %run_scoped3A_16 = tpu.sem_alloc : memref<!tpu.dma_semaphore, #tpu.memory_space<semaphore_mem>>
      %dma_start3A = arith.constant 0 : i32
      %dma_start3A_17 = arith.constant 0 : i32
      %dma_start3A_18 = tpu.memref_slice %arg3[%dma_start3A, %dma_start3A_17] : memref<10240x128xf32, #tpu.memory_space<hbm>> -> memref<80x128xf32, #tpu.memory_space<hbm>>
      %dma_start3A_19 = arith.constant 0 : i32
      %dma_start3A_20 = arith.constant 0 : i32
      %dma_start3A_21 = tpu.memref_slice %arg3[%dma_start3A_19, %dma_start3A_20] : memref<10240x128xf32, #tpu.memory_space<hbm>> -> memref<80x128xf32, #tpu.memory_space<hbm>>
      tpu.enqueue_dma source(%dma_start3A_21 : memref<80x128xf32, #tpu.memory_space<hbm>>) target(%arg7 : memref<80x128xf32, #tpu.memory_space<vmem>>) target_semaphore(%run_scoped3A_16 : memref<!tpu.dma_semaphore, #tpu.memory_space<semaphore_mem>>)
      %dma_wait3A = arith.constant 0 : i32
      %dma_wait3A_22 = arith.constant 0 : i32
      %dma_wait3A_23 = tpu.memref_slice %arg3[%dma_wait3A, %dma_wait3A_22] : memref<10240x128xf32, #tpu.memory_space<hbm>> -> memref<80x128xf32, #tpu.memory_space<hbm>>
      %dma_wait3A_24 = arith.constant 0 : i32
      %dma_wait3A_25 = arith.constant 0 : i32
      %dma_wait3A_26 = tpu.memref_slice %arg3[%dma_wait3A_24, %dma_wait3A_25] : memref<10240x128xf32, #tpu.memory_space<hbm>> -> memref<80x128xf32, #tpu.memory_space<hbm>>
      tpu.wait_dma2 semaphore(%run_scoped3A_16 : memref<!tpu.dma_semaphore, #tpu.memory_space<semaphore_mem>>) src(%dma_wait3A_26 : memref<80x128xf32, #tpu.memory_space<hbm>>) dst(%arg7 : memref<80x128xf32, #tpu.memory_space<vmem>>)
      tpu.yield
    }) : () -> ()
    %eq3A = arith.constant 0 : i32
    %eq3A_3 = arith.cmpi eq, %arg1, %eq3A : i32
    %convert_element_type3A = arith.extui %eq3A_3 : i1 to i32
    %cond3A = arith.constant 0 : i32
    %cond3A_4 = arith.cmpi ne, %convert_element_type3A, %cond3A : i32
    scf.if %cond3A_4 {
      "tpu.region"() ({
        %run_scoped3A_16 = tpu.sem_alloc : memref<!tpu.dma_semaphore, #tpu.memory_space<semaphore_mem>>
        %dma_start3A = arith.constant 0 : i32
        %dma_start3A_17 = arith.constant 0 : i32
        %dma_start3A_18 = tpu.memref_slice %arg3[%dma_start3A, %dma_start3A_17] : memref<10240x128xf32, #tpu.memory_space<hbm>> -> memref<80x128xf32, #tpu.memory_space<hbm>>
        tpu.enqueue_dma source(%dma_start3A_18 : memref<80x128xf32, #tpu.memory_space<hbm>>) target(%arg9 : memref<80x128xf32, #tpu.memory_space<vmem_shared>>) target_semaphore(%run_scoped3A_16 : memref<!tpu.dma_semaphore, #tpu.memory_space<semaphore_mem>>)
        %dma_wait3A = arith.constant 0 : i32
        %dma_wait3A_19 = arith.constant 0 : i32
        %dma_wait3A_20 = tpu.memref_slice %arg3[%dma_wait3A, %dma_wait3A_19] : memref<10240x128xf32, #tpu.memory_space<hbm>> -> memref<80x128xf32, #tpu.memory_space<hbm>>
        tpu.wait_dma2 semaphore(%run_scoped3A_16 : memref<!tpu.dma_semaphore, #tpu.memory_space<semaphore_mem>>) src(%dma_wait3A_20 : memref<80x128xf32, #tpu.memory_space<hbm>>) dst(%arg9 : memref<80x128xf32, #tpu.memory_space<vmem_shared>>)
        tpu.yield
      }) : () -> ()
    } else {
    }
    %broadcast_in_dim3A = arith.constant 1.000000e+00 : f32
    %broadcast_in_dim3A_5 = vector.broadcast %broadcast_in_dim3A : f32 to vector<16xf32>
    %scan3A = arith.constant 0 : i32
    %scan3A_6 = arith.constant 0 : i32
    %scan3A_7 = arith.constant 640 : i32
    %scan3A_8 = arith.addi %scan3A_6, %scan3A_7 : i32
    %scan3A_9 = arith.constant 1 : i32
    scf.for %scan3A_16 = %scan3A_6 to %scan3A_8 step %scan3A_9  : i32 {
      %jit3A = arith.constant 8 : i32
      %div3A = arith.divsi %scan3A_16, %jit3A : i32
      %sign3A = arith.constant 0 : i32
      %sign3A_17 = arith.cmpi sgt, %scan3A_16, %sign3A : i32
      %sign3A_18 = arith.extui %sign3A_17 : i1 to i32
      %sign3A_19 = arith.constant 0 : i32
      %sign3A_20 = arith.cmpi slt, %scan3A_16, %sign3A_19 : i32
      %sign3A_21 = arith.extui %sign3A_20 : i1 to i32
      %sign3A_22 = arith.subi %sign3A_18, %sign3A_21 : i32
      %sign3A_23 = arith.constant 0 : i32
      %sign3A_24 = arith.cmpi sgt, %jit3A, %sign3A_23 : i32
      %sign3A_25 = arith.extui %sign3A_24 : i1 to i32
      %sign3A_26 = arith.constant 0 : i32
      %sign3A_27 = arith.cmpi slt, %jit3A, %sign3A_26 : i32
      %sign3A_28 = arith.extui %sign3A_27 : i1 to i32
      %sign3A_29 = arith.subi %sign3A_25, %sign3A_28 : i32
      %ne3A = arith.cmpi ne, %sign3A_22, %sign3A_29 : i32
      %rem3A = arith.remsi %scan3A_16, %jit3A : i32
      %ne3A_30 = arith.constant 0 : i32
      %ne3A_31 = arith.cmpi ne, %rem3A, %ne3A_30 : i32
      %and3A = arith.andi %ne3A, %ne3A_31 : i1
      %sub3A = arith.constant 1 : i32
      %sub3A_32 = arith.subi %div3A, %sub3A : i32
      %select_n3A = arith.select %and3A, %sub3A_32, %div3A : i32
      %jit3A_33 = arith.constant 8 : i32
      %eq3A_34 = arith.constant 0 : i32
      %eq3A_35 = arith.cmpi eq, %jit3A_33, %eq3A_34 : i32
      %jit3A_36 = arith.constant 1 : i32
      %select_n3A_37 = arith.select %eq3A_35, %jit3A_36, %jit3A_33 : i32
      %rem3A_38 = arith.remsi %scan3A_16, %select_n3A_37 : i32
      %ne3A_39 = arith.constant 0 : i32
      %ne3A_40 = arith.cmpi ne, %rem3A_38, %ne3A_39 : i32
      %lt3A_41 = arith.constant 0 : i32
      %lt3A_42 = arith.cmpi slt, %rem3A_38, %lt3A_41 : i32
      %lt3A_43 = arith.constant 0 : i32
      %lt3A_44 = arith.cmpi slt, %select_n3A_37, %lt3A_43 : i32
      %ne3A_45 = arith.xori %lt3A_42, %lt3A_44 : i1
      %and3A_46 = arith.andi %ne3A_45, %ne3A_40 : i1
      %add3A_47 = arith.addi %rem3A_38, %select_n3A_37 : i32
      %select_n3A_48 = arith.select %and3A_46, %add3A_47, %rem3A_38 : i32
      %mul3A_49 = arith.constant 16 : i32
      %mul3A_50 = arith.muli %select_n3A_48, %mul3A_49 : i32
      %get3A = arith.index_cast %select_n3A : i32 to index
      %get3A_51 = arith.index_cast %mul3A_50 : i32 to index
      %get3A_52 = tpu.vector_load %arg6[%get3A, %get3A_51] {strides = array<i32>} : memref<80x128xi32, #tpu.memory_space<vmem>>, vector<16xi32>,
      %shift_right_arithmetic3A = arith.constant 7 : i32
      %shift_right_arithmetic3A_53 = vector.broadcast %shift_right_arithmetic3A : i32 to vector<16xi32>
      %shift_right_arithmetic3A_54 = arith.shrsi %get3A_52, %shift_right_arithmetic3A_53 : vector<16xi32>
      %and3A_55 = arith.constant 127 : i32
      %and3A_56 = vector.broadcast %and3A_55 : i32 to vector<16xi32>
      %and3A_57 = arith.andi %get3A_52, %and3A_56 : vector<16xi32>
      tpu.vector_store_idx %arg7[%shift_right_arithmetic3A_54, %and3A_57], %broadcast_in_dim3A_5 {add = true} : memref<80x128xf32, #tpu.memory_space<vmem>>[vector<16xi32>, vector<16xi32>], vector<16xf32>,
    }
    %scan3A_10 = arith.constant 640 : i32
    %barrier3A = arith.constant 0 : index
    tpu.barrier barrier_id(%barrier3A)
    %run_scoped3A = arith.constant 0 : i32
    "tpu.region"() ({
      %run_scoped3A_16 = tpu.sem_alloc : memref<!tpu.dma_semaphore, #tpu.memory_space<semaphore_mem>>
      %dma_start3A = arith.constant 0 : i32
      %dma_start3A_17 = tpu.memref_slice %arg8[%run_scoped3A, %dma_start3A] : memref<1x80xi32, #tpu.memory_space<vmem>> -> memref<1x80xi32, #tpu.memory_space<vmem>>
      %dma_start3A_18 = tpu.memref_squeeze %dma_start3A_17 : memref<1x80xi32, #tpu.memory_space<vmem>> -> memref<80xi32, #tpu.memory_space<vmem>>
      %dma_start3A_19 = arith.constant 0 : i32
      %dma_start3A_20 = arith.constant 0 : i32
      %dma_start3A_21 = tpu.memref_slice %arg9[%dma_start3A_19, %dma_start3A_20] : memref<80x128xf32, #tpu.memory_space<vmem_shared>> -> memref<80x128xf32, #tpu.memory_space<vmem_shared>>
      tpu.enqueue_indirect_dma source(%arg7 : memref<80x128xf32, #tpu.memory_space<vmem>>) target(%dma_start3A_21 : memref<80x128xf32, #tpu.memory_space<vmem_shared>>) offsets(%dma_start3A_18 : memref<80xi32, #tpu.memory_space<vmem>>) semaphore(%run_scoped3A_16 : memref<!tpu.dma_semaphore, #tpu.memory_space<semaphore_mem>>) {add = true}
      %dma_wait3A = arith.constant 0 : i32
      %dma_wait3A_22 = tpu.memref_slice %arg8[%run_scoped3A, %dma_wait3A] : memref<1x80xi32, #tpu.memory_space<vmem>> -> memref<1x80xi32, #tpu.memory_space<vmem>>
      %dma_wait3A_23 = tpu.memref_squeeze %dma_wait3A_22 : memref<1x80xi32, #tpu.memory_space<vmem>> -> memref<80xi32, #tpu.memory_space<vmem>>
      %dma_wait3A_24 = arith.constant 0 : i32
      %dma_wait3A_25 = arith.constant 0 : i32
      %dma_wait3A_26 = tpu.memref_slice %arg9[%dma_wait3A_24, %dma_wait3A_25] : memref<80x128xf32, #tpu.memory_space<vmem_shared>> -> memref<80x128xf32, #tpu.memory_space<vmem_shared>>
      tpu.wait_indirect_dma semaphore(%run_scoped3A_16 : memref<!tpu.dma_semaphore, #tpu.memory_space<semaphore_mem>>) src(%arg7 : memref<80x128xf32, #tpu.memory_space<vmem>>) dst(%dma_wait3A_26 : memref<80x128xf32, #tpu.memory_space<vmem_shared>>)
      tpu.yield
    }) : () -> ()
    %barrier3A_11 = arith.constant 0 : index
    tpu.barrier barrier_id(%barrier3A_11)
    %lt3A = arith.constant 10 : i32
    %lt3A_12 = arith.cmpi slt, %arg1, %lt3A : i32
    %convert_element_type3A_13 = arith.extui %lt3A_12 : i1 to i32
    %cond3A_14 = arith.constant 0 : i32
    %cond3A_15 = arith.cmpi ne, %convert_element_type3A_13, %cond3A_14 : i32
    scf.if %cond3A_15 {
      %mul3A_16 = arith.constant 8 : i32
      %mul3A_17 = arith.muli %arg1, %mul3A_16 : i32
      %mul3A_18 = arith.constant 8 : i32
      %mul3A_19 = arith.muli %arg1, %mul3A_18 : i32
      "tpu.region"() ({
        %run_scoped3A_20 = tpu.sem_alloc : memref<!tpu.dma_semaphore, #tpu.memory_space<semaphore_mem>>
        %dma_start3A = arith.constant 0 : i32
        %dma_start3A_21 = tpu.memref_slice %arg5[%arg0, %mul3A_19, %dma_start3A] : memref<2x80x128xf32, #tpu.memory_space<hbm>> -> memref<1x8x128xf32, #tpu.memory_space<hbm>>
        %dma_start3A_22 = tpu.memref_squeeze %dma_start3A_21 : memref<1x8x128xf32, #tpu.memory_space<hbm>> -> memref<8x128xf32, #tpu.memory_space<hbm>>
        %dma_start3A_23 = arith.constant 0 : i32
        %dma_start3A_24 = tpu.memref_slice %arg9[%mul3A_17, %dma_start3A_23] : memref<80x128xf32, #tpu.memory_space<vmem_shared>> -> memref<8x128xf32, #tpu.memory_space<vmem_shared>>
        tpu.enqueue_dma source(%dma_start3A_24 : memref<8x128xf32, #tpu.memory_space<vmem_shared>>) target(%dma_start3A_22 : memref<8x128xf32, #tpu.memory_space<hbm>>) target_semaphore(%run_scoped3A_20 : memref<!tpu.dma_semaphore, #tpu.memory_space<semaphore_mem>>)
        %dma_wait3A = arith.constant 0 : i32
        %dma_wait3A_25 = tpu.memref_slice %arg5[%arg0, %mul3A_19, %dma_wait3A] : memref<2x80x128xf32, #tpu.memory_space<hbm>> -> memref<1x8x128xf32, #tpu.memory_space<hbm>>
        %dma_wait3A_26 = tpu.memref_squeeze %dma_wait3A_25 : memref<1x8x128xf32, #tpu.memory_space<hbm>> -> memref<8x128xf32, #tpu.memory_space<hbm>>
        %dma_wait3A_27 = arith.constant 0 : i32
        %dma_wait3A_28 = tpu.memref_slice %arg9[%mul3A_17, %dma_wait3A_27] : memref<80x128xf32, #tpu.memory_space<vmem_shared>> -> memref<8x128xf32, #tpu.memory_space<vmem_shared>>
        tpu.wait_dma2 semaphore(%run_scoped3A_20 : memref<!tpu.dma_semaphore, #tpu.memory_space<semaphore_mem>>) src(%dma_wait3A_28 : memref<8x128xf32, #tpu.memory_space<vmem_shared>>) dst(%dma_wait3A_26 : memref<8x128xf32, #tpu.memory_space<hbm>>)
        tpu.yield
      }) : () -> ()
    } else {
    }
    return
  }
}

#map = affine_map<(d0, d1) -> (0, 0)>
#map1 = affine_map<(d0, d1) -> (0, 0, 0)>
module attributes {stable_mosaic.version = 14 : i64} {
  func.func @_sc_edge(%arg0: i32, %arg1: i32, %arg2: memref<10240x128xf32, #tpu.memory_space<hbm>>, %arg3: memref<2560x128xi32, #tpu.memory_space<hbm>>, %arg4: memref<2560x128xi32, #tpu.memory_space<hbm>>, %arg5: memref<10240x128xf32, #tpu.memory_space<hbm>>, %arg6: memref<2x10240x128xf32, #tpu.memory_space<hbm>>, %arg7: memref<40x128xi32, #tpu.memory_space<vmem>>, %arg8: memref<40x128xi32, #tpu.memory_space<vmem>>, %arg9: memref<128x128xf32, #tpu.memory_space<vmem>>, %arg10: memref<128x128xf32, #tpu.memory_space<vmem>>, %arg11: memref<10240x128xf32, #tpu.memory_space<vmem_shared>>, %arg12: memref<!tpu.dma_semaphore, #tpu.memory_space<semaphore_mem>>, %arg13: memref<!tpu.dma_semaphore, #tpu.memory_space<semaphore_mem>>, %arg14: memref<!tpu.dma_semaphore, #tpu.memory_space<semaphore_mem>>) attributes {dimension_semantics = [#tpu.dimension_semantics<core_parallel>, #tpu.dimension_semantics<subcore_parallel>], iteration_bounds = array<i64: 2, 16>, scalar_prefetch = 0 : i64, scratch_operands = 8 : i64, tpu.core_type = #tpu.core_type<sc_vector_subcore>, window_params = [{transform_indices = #map}, {transform_indices = #map}, {transform_indices = #map}, {transform_indices = #map}, {transform_indices = #map1}]} {
    %mul3A = arith.constant 2 : i32
    %mul3A_0 = arith.muli %arg1, %mul3A : i32
    %add3A = arith.addi %mul3A_0, %arg0 : i32
    %eq3A = arith.constant 0 : i32
    %eq3A_1 = arith.cmpi eq, %arg0, %eq3A : i32
    %convert_element_type3A = arith.extui %eq3A_1 : i1 to i32
    %cond3A = arith.constant 0 : i32
    %cond3A_2 = arith.cmpi ne, %convert_element_type3A, %cond3A : i32
    scf.if %cond3A_2 {
      %mul3A_65 = arith.constant 640 : i32
      %mul3A_66 = arith.muli %arg1, %mul3A_65 : i32
      %mul3A_67 = arith.constant 640 : i32
      %mul3A_68 = arith.muli %arg1, %mul3A_67 : i32
      "tpu.region"() ({
        %run_scoped3A = tpu.sem_alloc : memref<!tpu.dma_semaphore, #tpu.memory_space<semaphore_mem>>
        %dma_start3A_69 = arith.constant 0 : i32
        %dma_start3A_70 = tpu.memref_slice %arg11[%mul3A_68, %dma_start3A_69] : memref<10240x128xf32, #tpu.memory_space<vmem_shared>> -> memref<640x128xf32, #tpu.memory_space<vmem_shared>>
        %dma_start3A_71 = arith.constant 0 : i32
        %dma_start3A_72 = tpu.memref_slice %arg2[%mul3A_66, %dma_start3A_71] : memref<10240x128xf32, #tpu.memory_space<hbm>> -> memref<640x128xf32, #tpu.memory_space<hbm>>
        tpu.enqueue_dma source(%dma_start3A_72 : memref<640x128xf32, #tpu.memory_space<hbm>>) target(%dma_start3A_70 : memref<640x128xf32, #tpu.memory_space<vmem_shared>>) target_semaphore(%run_scoped3A : memref<!tpu.dma_semaphore, #tpu.memory_space<semaphore_mem>>)
        %dma_wait3A_73 = arith.constant 0 : i32
        %dma_wait3A_74 = tpu.memref_slice %arg11[%mul3A_68, %dma_wait3A_73] : memref<10240x128xf32, #tpu.memory_space<vmem_shared>> -> memref<640x128xf32, #tpu.memory_space<vmem_shared>>
        %dma_wait3A_75 = arith.constant 0 : i32
        %dma_wait3A_76 = tpu.memref_slice %arg2[%mul3A_66, %dma_wait3A_75] : memref<10240x128xf32, #tpu.memory_space<hbm>> -> memref<640x128xf32, #tpu.memory_space<hbm>>
        tpu.wait_dma2 semaphore(%run_scoped3A : memref<!tpu.dma_semaphore, #tpu.memory_space<semaphore_mem>>) src(%dma_wait3A_76 : memref<640x128xf32, #tpu.memory_space<hbm>>) dst(%dma_wait3A_74 : memref<640x128xf32, #tpu.memory_space<vmem_shared>>)
        tpu.yield
      }) : () -> ()
    } else {
    }
    %ne3A = arith.constant 0 : i32
    %ne3A_3 = arith.cmpi ne, %arg0, %ne3A : i32
    %convert_element_type3A_4 = arith.extui %ne3A_3 : i1 to i32
    %cond3A_5 = arith.constant 0 : i32
    %cond3A_6 = arith.cmpi ne, %convert_element_type3A_4, %cond3A_5 : i32
    scf.if %cond3A_6 {
      %mul3A_65 = arith.constant 640 : i32
      %mul3A_66 = arith.muli %arg1, %mul3A_65 : i32
      %mul3A_67 = arith.constant 640 : i32
      %mul3A_68 = arith.muli %arg1, %mul3A_67 : i32
      "tpu.region"() ({
        %run_scoped3A = tpu.sem_alloc : memref<!tpu.dma_semaphore, #tpu.memory_space<semaphore_mem>>
        %dma_start3A_69 = arith.constant 0 : i32
        %dma_start3A_70 = tpu.memref_slice %arg11[%mul3A_68, %dma_start3A_69] : memref<10240x128xf32, #tpu.memory_space<vmem_shared>> -> memref<640x128xf32, #tpu.memory_space<vmem_shared>>
        %dma_start3A_71 = arith.constant 0 : i32
        %dma_start3A_72 = tpu.memref_slice %arg5[%mul3A_66, %dma_start3A_71] : memref<10240x128xf32, #tpu.memory_space<hbm>> -> memref<640x128xf32, #tpu.memory_space<hbm>>
        tpu.enqueue_dma source(%dma_start3A_72 : memref<640x128xf32, #tpu.memory_space<hbm>>) target(%dma_start3A_70 : memref<640x128xf32, #tpu.memory_space<vmem_shared>>) target_semaphore(%run_scoped3A : memref<!tpu.dma_semaphore, #tpu.memory_space<semaphore_mem>>)
        %dma_wait3A_73 = arith.constant 0 : i32
        %dma_wait3A_74 = tpu.memref_slice %arg11[%mul3A_68, %dma_wait3A_73] : memref<10240x128xf32, #tpu.memory_space<vmem_shared>> -> memref<640x128xf32, #tpu.memory_space<vmem_shared>>
        %dma_wait3A_75 = arith.constant 0 : i32
        %dma_wait3A_76 = tpu.memref_slice %arg5[%mul3A_66, %dma_wait3A_75] : memref<10240x128xf32, #tpu.memory_space<hbm>> -> memref<640x128xf32, #tpu.memory_space<hbm>>
        tpu.wait_dma2 semaphore(%run_scoped3A : memref<!tpu.dma_semaphore, #tpu.memory_space<semaphore_mem>>) src(%dma_wait3A_76 : memref<640x128xf32, #tpu.memory_space<hbm>>) dst(%dma_wait3A_74 : memref<640x128xf32, #tpu.memory_space<vmem_shared>>)
        tpu.yield
      }) : () -> ()
    } else {
    }
    %barrier3A = arith.constant 0 : index
    tpu.barrier barrier_id(%barrier3A)
    %mul3A_7 = arith.constant 80 : i32
    %mul3A_8 = arith.muli %add3A, %mul3A_7 : i32
    %add3A_9 = arith.constant 0 : i32
    %add3A_10 = arith.addi %mul3A_8, %add3A_9 : i32
    "tpu.region"() ({
      %run_scoped3A = tpu.sem_alloc : memref<!tpu.dma_semaphore, #tpu.memory_space<semaphore_mem>>
      %dma_start3A_65 = arith.constant 0 : i32
      %dma_start3A_66 = tpu.memref_slice %arg3[%add3A_10, %dma_start3A_65] : memref<2560x128xi32, #tpu.memory_space<hbm>> -> memref<40x128xi32, #tpu.memory_space<hbm>>
      %dma_start3A_67 = arith.constant 0 : i32
      %dma_start3A_68 = tpu.memref_slice %arg3[%add3A_10, %dma_start3A_67] : memref<2560x128xi32, #tpu.memory_space<hbm>> -> memref<40x128xi32, #tpu.memory_space<hbm>>
      tpu.enqueue_dma source(%dma_start3A_68 : memref<40x128xi32, #tpu.memory_space<hbm>>) target(%arg7 : memref<40x128xi32, #tpu.memory_space<vmem>>) target_semaphore(%run_scoped3A : memref<!tpu.dma_semaphore, #tpu.memory_space<semaphore_mem>>)
      %dma_wait3A_69 = arith.constant 0 : i32
      %dma_wait3A_70 = tpu.memref_slice %arg3[%add3A_10, %dma_wait3A_69] : memref<2560x128xi32, #tpu.memory_space<hbm>> -> memref<40x128xi32, #tpu.memory_space<hbm>>
      %dma_wait3A_71 = arith.constant 0 : i32
      %dma_wait3A_72 = tpu.memref_slice %arg3[%add3A_10, %dma_wait3A_71] : memref<2560x128xi32, #tpu.memory_space<hbm>> -> memref<40x128xi32, #tpu.memory_space<hbm>>
      tpu.wait_dma2 semaphore(%run_scoped3A : memref<!tpu.dma_semaphore, #tpu.memory_space<semaphore_mem>>) src(%dma_wait3A_72 : memref<40x128xi32, #tpu.memory_space<hbm>>) dst(%arg7 : memref<40x128xi32, #tpu.memory_space<vmem>>)
      tpu.yield
    }) : () -> ()
    %mul3A_11 = arith.constant 80 : i32
    %mul3A_12 = arith.muli %add3A, %mul3A_11 : i32
    %add3A_13 = arith.constant 0 : i32
    %add3A_14 = arith.addi %mul3A_12, %add3A_13 : i32
    "tpu.region"() ({
      %run_scoped3A = tpu.sem_alloc : memref<!tpu.dma_semaphore, #tpu.memory_space<semaphore_mem>>
      %dma_start3A_65 = arith.constant 0 : i32
      %dma_start3A_66 = tpu.memref_slice %arg4[%add3A_14, %dma_start3A_65] : memref<2560x128xi32, #tpu.memory_space<hbm>> -> memref<40x128xi32, #tpu.memory_space<hbm>>
      %dma_start3A_67 = arith.constant 0 : i32
      %dma_start3A_68 = tpu.memref_slice %arg4[%add3A_14, %dma_start3A_67] : memref<2560x128xi32, #tpu.memory_space<hbm>> -> memref<40x128xi32, #tpu.memory_space<hbm>>
      tpu.enqueue_dma source(%dma_start3A_68 : memref<40x128xi32, #tpu.memory_space<hbm>>) target(%arg8 : memref<40x128xi32, #tpu.memory_space<vmem>>) target_semaphore(%run_scoped3A : memref<!tpu.dma_semaphore, #tpu.memory_space<semaphore_mem>>)
      %dma_wait3A_69 = arith.constant 0 : i32
      %dma_wait3A_70 = tpu.memref_slice %arg4[%add3A_14, %dma_wait3A_69] : memref<2560x128xi32, #tpu.memory_space<hbm>> -> memref<40x128xi32, #tpu.memory_space<hbm>>
      %dma_wait3A_71 = arith.constant 0 : i32
      %dma_wait3A_72 = tpu.memref_slice %arg4[%add3A_14, %dma_wait3A_71] : memref<2560x128xi32, #tpu.memory_space<hbm>> -> memref<40x128xi32, #tpu.memory_space<hbm>>
      tpu.wait_dma2 semaphore(%run_scoped3A : memref<!tpu.dma_semaphore, #tpu.memory_space<semaphore_mem>>) src(%dma_wait3A_72 : memref<40x128xi32, #tpu.memory_space<hbm>>) dst(%arg8 : memref<40x128xi32, #tpu.memory_space<vmem>>)
      tpu.yield
    }) : () -> ()
    %dma_start3A = arith.constant 0 : i32
    %dma_start3A_15 = arith.constant 0 : i32
    %dma_start3A_16 = tpu.memref_slice %arg7[%dma_start3A, %dma_start3A_15] : memref<40x128xi32, #tpu.memory_space<vmem>> -> memref<1x128xi32, #tpu.memory_space<vmem>>
    %dma_start3A_17 = tpu.memref_squeeze %dma_start3A_16 : memref<1x128xi32, #tpu.memory_space<vmem>> -> memref<128xi32, #tpu.memory_space<vmem>>
    %dma_start3A_18 = arith.constant 0 : i32
    %dma_start3A_19 = arith.constant 0 : i32
    %dma_start3A_20 = tpu.memref_slice %arg2[%dma_start3A_18, %dma_start3A_19] : memref<10240x128xf32, #tpu.memory_space<hbm>> -> memref<10240x128xf32, #tpu.memory_space<hbm>>
    tpu.enqueue_indirect_dma source(%dma_start3A_20 : memref<10240x128xf32, #tpu.memory_space<hbm>>) target(%arg9 : memref<128x128xf32, #tpu.memory_space<vmem>>) offsets(%dma_start3A_17 : memref<128xi32, #tpu.memory_space<vmem>>) semaphore(%arg12 : memref<!tpu.dma_semaphore, #tpu.memory_space<semaphore_mem>>)
    %scan3A = arith.constant 0 : i32
    %scan3A_21 = arith.constant 0 : i32
    %scan3A_22 = arith.constant 20 : i32
    %scan3A_23 = arith.addi %scan3A_21, %scan3A_22 : i32
    %scan3A_24 = arith.constant 1 : i32
    scf.for %scan3A_65 = %scan3A_21 to %scan3A_23 step %scan3A_24  : i32 {
      %mul3A_66 = arith.constant 2 : i32
      %mul3A_67 = arith.muli %mul3A_66, %scan3A_65 : i32
      %gt3A = arith.constant 0 : i32
      %gt3A_68 = arith.cmpi sgt, %scan3A_65, %gt3A : i32
      %convert_element_type3A_69 = arith.extui %gt3A_68 : i1 to i32
      %cond3A_70 = arith.constant 0 : i32
      %cond3A_71 = arith.cmpi ne, %convert_element_type3A_69, %cond3A_70 : i32
      scf.if %cond3A_71 {
        %sub3A = arith.constant 1 : i32
        %sub3A_106 = arith.subi %mul3A_67, %sub3A : i32
        %dma_wait3A_107 = arith.constant 0 : i32
        %dma_wait3A_108 = tpu.memref_slice %arg8[%sub3A_106, %dma_wait3A_107] : memref<40x128xi32, #tpu.memory_space<vmem>> -> memref<1x128xi32, #tpu.memory_space<vmem>>
        %dma_wait3A_109 = tpu.memref_squeeze %dma_wait3A_108 : memref<1x128xi32, #tpu.memory_space<vmem>> -> memref<128xi32, #tpu.memory_space<vmem>>
        %dma_wait3A_110 = arith.constant 0 : i32
        %dma_wait3A_111 = arith.constant 0 : i32
        %dma_wait3A_112 = tpu.memref_slice %arg11[%dma_wait3A_110, %dma_wait3A_111] : memref<10240x128xf32, #tpu.memory_space<vmem_shared>> -> memref<10240x128xf32, #tpu.memory_space<vmem_shared>>
        tpu.wait_indirect_dma semaphore(%arg14 : memref<!tpu.dma_semaphore, #tpu.memory_space<semaphore_mem>>) src(%arg10 : memref<128x128xf32, #tpu.memory_space<vmem>>) dst(%dma_wait3A_112 : memref<10240x128xf32, #tpu.memory_space<vmem_shared>>)
      } else {
      }
      %add3A_72 = arith.constant 1 : i32
      %add3A_73 = arith.addi %mul3A_67, %add3A_72 : i32
      %dma_start3A_74 = arith.constant 0 : i32
      %dma_start3A_75 = tpu.memref_slice %arg7[%add3A_73, %dma_start3A_74] : memref<40x128xi32, #tpu.memory_space<vmem>> -> memref<1x128xi32, #tpu.memory_space<vmem>>
      %dma_start3A_76 = tpu.memref_squeeze %dma_start3A_75 : memref<1x128xi32, #tpu.memory_space<vmem>> -> memref<128xi32, #tpu.memory_space<vmem>>
      %dma_start3A_77 = arith.constant 0 : i32
      %dma_start3A_78 = arith.constant 0 : i32
      %dma_start3A_79 = tpu.memref_slice %arg2[%dma_start3A_77, %dma_start3A_78] : memref<10240x128xf32, #tpu.memory_space<hbm>> -> memref<10240x128xf32, #tpu.memory_space<hbm>>
      tpu.enqueue_indirect_dma source(%dma_start3A_79 : memref<10240x128xf32, #tpu.memory_space<hbm>>) target(%arg10 : memref<128x128xf32, #tpu.memory_space<vmem>>) offsets(%dma_start3A_76 : memref<128xi32, #tpu.memory_space<vmem>>) semaphore(%arg13 : memref<!tpu.dma_semaphore, #tpu.memory_space<semaphore_mem>>)
      %dma_wait3A_80 = arith.constant 0 : i32
      %dma_wait3A_81 = tpu.memref_slice %arg7[%mul3A_67, %dma_wait3A_80] : memref<40x128xi32, #tpu.memory_space<vmem>> -> memref<1x128xi32, #tpu.memory_space<vmem>>
      %dma_wait3A_82 = tpu.memref_squeeze %dma_wait3A_81 : memref<1x128xi32, #tpu.memory_space<vmem>> -> memref<128xi32, #tpu.memory_space<vmem>>
      %dma_wait3A_83 = arith.constant 0 : i32
      %dma_wait3A_84 = arith.constant 0 : i32
      %dma_wait3A_85 = tpu.memref_slice %arg2[%dma_wait3A_83, %dma_wait3A_84] : memref<10240x128xf32, #tpu.memory_space<hbm>> -> memref<10240x128xf32, #tpu.memory_space<hbm>>
      tpu.wait_indirect_dma semaphore(%arg12 : memref<!tpu.dma_semaphore, #tpu.memory_space<semaphore_mem>>) src(%dma_wait3A_85 : memref<10240x128xf32, #tpu.memory_space<hbm>>) dst(%arg9 : memref<128x128xf32, #tpu.memory_space<vmem>>)
      "tpu.region"() ({
        %run_scoped3A = tpu.sem_alloc : memref<!tpu.dma_semaphore, #tpu.memory_space<semaphore_mem>>
        %dma_start3A_106 = arith.constant 0 : i32
        %dma_start3A_107 = tpu.memref_slice %arg8[%mul3A_67, %dma_start3A_106] : memref<40x128xi32, #tpu.memory_space<vmem>> -> memref<1x128xi32, #tpu.memory_space<vmem>>
        %dma_start3A_108 = tpu.memref_squeeze %dma_start3A_107 : memref<1x128xi32, #tpu.memory_space<vmem>> -> memref<128xi32, #tpu.memory_space<vmem>>
        %dma_start3A_109 = arith.constant 0 : i32
        %dma_start3A_110 = arith.constant 0 : i32
        %dma_start3A_111 = tpu.memref_slice %arg11[%dma_start3A_109, %dma_start3A_110] : memref<10240x128xf32, #tpu.memory_space<vmem_shared>> -> memref<10240x128xf32, #tpu.memory_space<vmem_shared>>
        tpu.enqueue_indirect_dma source(%arg9 : memref<128x128xf32, #tpu.memory_space<vmem>>) target(%dma_start3A_111 : memref<10240x128xf32, #tpu.memory_space<vmem_shared>>) offsets(%dma_start3A_108 : memref<128xi32, #tpu.memory_space<vmem>>) semaphore(%run_scoped3A : memref<!tpu.dma_semaphore, #tpu.memory_space<semaphore_mem>>) {add = true}
        %dma_wait3A_112 = arith.constant 0 : i32
        %dma_wait3A_113 = tpu.memref_slice %arg8[%mul3A_67, %dma_wait3A_112] : memref<40x128xi32, #tpu.memory_space<vmem>> -> memref<1x128xi32, #tpu.memory_space<vmem>>
        %dma_wait3A_114 = tpu.memref_squeeze %dma_wait3A_113 : memref<1x128xi32, #tpu.memory_space<vmem>> -> memref<128xi32, #tpu.memory_space<vmem>>
        %dma_wait3A_115 = arith.constant 0 : i32
        %dma_wait3A_116 = arith.constant 0 : i32
        %dma_wait3A_117 = tpu.memref_slice %arg11[%dma_wait3A_115, %dma_wait3A_116] : memref<10240x128xf32, #tpu.memory_space<vmem_shared>> -> memref<10240x128xf32, #tpu.memory_space<vmem_shared>>
        tpu.wait_indirect_dma semaphore(%run_scoped3A : memref<!tpu.dma_semaphore, #tpu.memory_space<semaphore_mem>>) src(%arg9 : memref<128x128xf32, #tpu.memory_space<vmem>>) dst(%dma_wait3A_117 : memref<10240x128xf32, #tpu.memory_space<vmem_shared>>)
        tpu.yield
      }) : () -> ()
      %lt3A = arith.constant 19 : i32
      %lt3A_86 = arith.cmpi slt, %scan3A_65, %lt3A : i32
      %convert_element_type3A_87 = arith.extui %lt3A_86 : i1 to i32
      %cond3A_88 = arith.constant 0 : i32
      %cond3A_89 = arith.cmpi ne, %convert_element_type3A_87, %cond3A_88 : i32
      scf.if %cond3A_89 {
        %add3A_106 = arith.constant 2 : i32
        %add3A_107 = arith.addi %mul3A_67, %add3A_106 : i32
        %dma_start3A_108 = arith.constant 0 : i32
        %dma_start3A_109 = tpu.memref_slice %arg7[%add3A_107, %dma_start3A_108] : memref<40x128xi32, #tpu.memory_space<vmem>> -> memref<1x128xi32, #tpu.memory_space<vmem>>
        %dma_start3A_110 = tpu.memref_squeeze %dma_start3A_109 : memref<1x128xi32, #tpu.memory_space<vmem>> -> memref<128xi32, #tpu.memory_space<vmem>>
        %dma_start3A_111 = arith.constant 0 : i32
        %dma_start3A_112 = arith.constant 0 : i32
        %dma_start3A_113 = tpu.memref_slice %arg2[%dma_start3A_111, %dma_start3A_112] : memref<10240x128xf32, #tpu.memory_space<hbm>> -> memref<10240x128xf32, #tpu.memory_space<hbm>>
        tpu.enqueue_indirect_dma source(%dma_start3A_113 : memref<10240x128xf32, #tpu.memory_space<hbm>>) target(%arg9 : memref<128x128xf32, #tpu.memory_space<vmem>>) offsets(%dma_start3A_110 : memref<128xi32, #tpu.memory_space<vmem>>) semaphore(%arg12 : memref<!tpu.dma_semaphore, #tpu.memory_space<semaphore_mem>>)
      } else {
      }
      %add3A_90 = arith.constant 1 : i32
      %add3A_91 = arith.addi %mul3A_67, %add3A_90 : i32
      %dma_wait3A_92 = arith.constant 0 : i32
      %dma_wait3A_93 = tpu.memref_slice %arg7[%add3A_91, %dma_wait3A_92] : memref<40x128xi32, #tpu.memory_space<vmem>> -> memref<1x128xi32, #tpu.memory_space<vmem>>
      %dma_wait3A_94 = tpu.memref_squeeze %dma_wait3A_93 : memref<1x128xi32, #tpu.memory_space<vmem>> -> memref<128xi32, #tpu.memory_space<vmem>>
      %dma_wait3A_95 = arith.constant 0 : i32
      %dma_wait3A_96 = arith.constant 0 : i32
      %dma_wait3A_97 = tpu.memref_slice %arg2[%dma_wait3A_95, %dma_wait3A_96] : memref<10240x128xf32, #tpu.memory_space<hbm>> -> memref<10240x128xf32, #tpu.memory_space<hbm>>
      tpu.wait_indirect_dma semaphore(%arg13 : memref<!tpu.dma_semaphore, #tpu.memory_space<semaphore_mem>>) src(%dma_wait3A_97 : memref<10240x128xf32, #tpu.memory_space<hbm>>) dst(%arg10 : memref<128x128xf32, #tpu.memory_space<vmem>>)
      %add3A_98 = arith.constant 1 : i32
      %add3A_99 = arith.addi %mul3A_67, %add3A_98 : i32
      %dma_start3A_100 = arith.constant 0 : i32
      %dma_start3A_101 = tpu.memref_slice %arg8[%add3A_99, %dma_start3A_100] : memref<40x128xi32, #tpu.memory_space<vmem>> -> memref<1x128xi32, #tpu.memory_space<vmem>>
      %dma_start3A_102 = tpu.memref_squeeze %dma_start3A_101 : memref<1x128xi32, #tpu.memory_space<vmem>> -> memref<128xi32, #tpu.memory_space<vmem>>
      %dma_start3A_103 = arith.constant 0 : i32
      %dma_start3A_104 = arith.constant 0 : i32
      %dma_start3A_105 = tpu.memref_slice %arg11[%dma_start3A_103, %dma_start3A_104] : memref<10240x128xf32, #tpu.memory_space<vmem_shared>> -> memref<10240x128xf32, #tpu.memory_space<vmem_shared>>
      tpu.enqueue_indirect_dma source(%arg10 : memref<128x128xf32, #tpu.memory_space<vmem>>) target(%dma_start3A_105 : memref<10240x128xf32, #tpu.memory_space<vmem_shared>>) offsets(%dma_start3A_102 : memref<128xi32, #tpu.memory_space<vmem>>) semaphore(%arg14 : memref<!tpu.dma_semaphore, #tpu.memory_space<semaphore_mem>>) {add = true}
    }
    %scan3A_25 = arith.constant 20 : i32
    %dma_wait3A = arith.constant 39 : i32
    %dma_wait3A_26 = arith.constant 0 : i32
    %dma_wait3A_27 = tpu.memref_slice %arg8[%dma_wait3A, %dma_wait3A_26] : memref<40x128xi32, #tpu.memory_space<vmem>> -> memref<1x128xi32, #tpu.memory_space<vmem>>
    %dma_wait3A_28 = tpu.memref_squeeze %dma_wait3A_27 : memref<1x128xi32, #tpu.memory_space<vmem>> -> memref<128xi32, #tpu.memory_space<vmem>>
    %dma_wait3A_29 = arith.constant 0 : i32
    %dma_wait3A_30 = arith.constant 0 : i32
    %dma_wait3A_31 = tpu.memref_slice %arg11[%dma_wait3A_29, %dma_wait3A_30] : memref<10240x128xf32, #tpu.memory_space<vmem_shared>> -> memref<10240x128xf32, #tpu.memory_space<vmem_shared>>
    tpu.wait_indirect_dma semaphore(%arg14 : memref<!tpu.dma_semaphore, #tpu.memory_space<semaphore_mem>>) src(%arg10 : memref<128x128xf32, #tpu.memory_space<vmem>>) dst(%dma_wait3A_31 : memref<10240x128xf32, #tpu.memory_space<vmem_shared>>)
    %mul3A_32 = arith.constant 80 : i32
    %mul3A_33 = arith.muli %add3A, %mul3A_32 : i32
    %add3A_34 = arith.constant 40 : i32
    %add3A_35 = arith.addi %mul3A_33, %add3A_34 : i32
    "tpu.region"() ({
      %run_scoped3A = tpu.sem_alloc : memref<!tpu.dma_semaphore, #tpu.memory_space<semaphore_mem>>
      %dma_start3A_65 = arith.constant 0 : i32
      %dma_start3A_66 = tpu.memref_slice %arg3[%add3A_35, %dma_start3A_65] : memref<2560x128xi32, #tpu.memory_space<hbm>> -> memref<40x128xi32, #tpu.memory_space<hbm>>
      %dma_start3A_67 = arith.constant 0 : i32
      %dma_start3A_68 = tpu.memref_slice %arg3[%add3A_35, %dma_start3A_67] : memref<2560x128xi32, #tpu.memory_space<hbm>> -> memref<40x128xi32, #tpu.memory_space<hbm>>
      tpu.enqueue_dma source(%dma_start3A_68 : memref<40x128xi32, #tpu.memory_space<hbm>>) target(%arg7 : memref<40x128xi32, #tpu.memory_space<vmem>>) target_semaphore(%run_scoped3A : memref<!tpu.dma_semaphore, #tpu.memory_space<semaphore_mem>>)
      %dma_wait3A_69 = arith.constant 0 : i32
      %dma_wait3A_70 = tpu.memref_slice %arg3[%add3A_35, %dma_wait3A_69] : memref<2560x128xi32, #tpu.memory_space<hbm>> -> memref<40x128xi32, #tpu.memory_space<hbm>>
      %dma_wait3A_71 = arith.constant 0 : i32
      %dma_wait3A_72 = tpu.memref_slice %arg3[%add3A_35, %dma_wait3A_71] : memref<2560x128xi32, #tpu.memory_space<hbm>> -> memref<40x128xi32, #tpu.memory_space<hbm>>
      tpu.wait_dma2 semaphore(%run_scoped3A : memref<!tpu.dma_semaphore, #tpu.memory_space<semaphore_mem>>) src(%dma_wait3A_72 : memref<40x128xi32, #tpu.memory_space<hbm>>) dst(%arg7 : memref<40x128xi32, #tpu.memory_space<vmem>>)
      tpu.yield
    }) : () -> ()
    %mul3A_36 = arith.constant 80 : i32
    %mul3A_37 = arith.muli %add3A, %mul3A_36 : i32
    %add3A_38 = arith.constant 40 : i32
    %add3A_39 = arith.addi %mul3A_37, %add3A_38 : i32
    "tpu.region"() ({
      %run_scoped3A = tpu.sem_alloc : memref<!tpu.dma_semaphore, #tpu.memory_space<semaphore_mem>>
      %dma_start3A_65 = arith.constant 0 : i32
      %dma_start3A_66 = tpu.memref_slice %arg4[%add3A_39, %dma_start3A_65] : memref<2560x128xi32, #tpu.memory_space<hbm>> -> memref<40x128xi32, #tpu.memory_space<hbm>>
      %dma_start3A_67 = arith.constant 0 : i32
      %dma_start3A_68 = tpu.memref_slice %arg4[%add3A_39, %dma_start3A_67] : memref<2560x128xi32, #tpu.memory_space<hbm>> -> memref<40x128xi32, #tpu.memory_space<hbm>>
      tpu.enqueue_dma source(%dma_start3A_68 : memref<40x128xi32, #tpu.memory_space<hbm>>) target(%arg8 : memref<40x128xi32, #tpu.memory_space<vmem>>) target_semaphore(%run_scoped3A : memref<!tpu.dma_semaphore, #tpu.memory_space<semaphore_mem>>)
      %dma_wait3A_69 = arith.constant 0 : i32
      %dma_wait3A_70 = tpu.memref_slice %arg4[%add3A_39, %dma_wait3A_69] : memref<2560x128xi32, #tpu.memory_space<hbm>> -> memref<40x128xi32, #tpu.memory_space<hbm>>
      %dma_wait3A_71 = arith.constant 0 : i32
      %dma_wait3A_72 = tpu.memref_slice %arg4[%add3A_39, %dma_wait3A_71] : memref<2560x128xi32, #tpu.memory_space<hbm>> -> memref<40x128xi32, #tpu.memory_space<hbm>>
      tpu.wait_dma2 semaphore(%run_scoped3A : memref<!tpu.dma_semaphore, #tpu.memory_space<semaphore_mem>>) src(%dma_wait3A_72 : memref<40x128xi32, #tpu.memory_space<hbm>>) dst(%arg8 : memref<40x128xi32, #tpu.memory_space<vmem>>)
      tpu.yield
    }) : () -> ()
    %dma_start3A_40 = arith.constant 0 : i32
    %dma_start3A_41 = arith.constant 0 : i32
    %dma_start3A_42 = tpu.memref_slice %arg7[%dma_start3A_40, %dma_start3A_41] : memref<40x128xi32, #tpu.memory_space<vmem>> -> memref<1x128xi32, #tpu.memory_space<vmem>>
    %dma_start3A_43 = tpu.memref_squeeze %dma_start3A_42 : memref<1x128xi32, #tpu.memory_space<vmem>> -> memref<128xi32, #tpu.memory_space<vmem>>
    %dma_start3A_44 = arith.constant 0 : i32
    %dma_start3A_45 = arith.constant 0 : i32
    %dma_start3A_46 = tpu.memref_slice %arg2[%dma_start3A_44, %dma_start3A_45] : memref<10240x128xf32, #tpu.memory_space<hbm>> -> memref<10240x128xf32, #tpu.memory_space<hbm>>
    tpu.enqueue_indirect_dma source(%dma_start3A_46 : memref<10240x128xf32, #tpu.memory_space<hbm>>) target(%arg9 : memref<128x128xf32, #tpu.memory_space<vmem>>) offsets(%dma_start3A_43 : memref<128xi32, #tpu.memory_space<vmem>>) semaphore(%arg12 : memref<!tpu.dma_semaphore, #tpu.memory_space<semaphore_mem>>)
    %scan3A_47 = arith.constant 0 : i32
    %scan3A_48 = arith.constant 0 : i32
    %scan3A_49 = arith.constant 20 : i32
    %scan3A_50 = arith.addi %scan3A_48, %scan3A_49 : i32
    %scan3A_51 = arith.constant 1 : i32
    scf.for %scan3A_65 = %scan3A_48 to %scan3A_50 step %scan3A_51  : i32 {
      %mul3A_66 = arith.constant 2 : i32
      %mul3A_67 = arith.muli %mul3A_66, %scan3A_65 : i32
      %gt3A = arith.constant 0 : i32
      %gt3A_68 = arith.cmpi sgt, %scan3A_65, %gt3A : i32
      %convert_element_type3A_69 = arith.extui %gt3A_68 : i1 to i32
      %cond3A_70 = arith.constant 0 : i32
      %cond3A_71 = arith.cmpi ne, %convert_element_type3A_69, %cond3A_70 : i32
      scf.if %cond3A_71 {
        %sub3A = arith.constant 1 : i32
        %sub3A_106 = arith.subi %mul3A_67, %sub3A : i32
        %dma_wait3A_107 = arith.constant 0 : i32
        %dma_wait3A_108 = tpu.memref_slice %arg8[%sub3A_106, %dma_wait3A_107] : memref<40x128xi32, #tpu.memory_space<vmem>> -> memref<1x128xi32, #tpu.memory_space<vmem>>
        %dma_wait3A_109 = tpu.memref_squeeze %dma_wait3A_108 : memref<1x128xi32, #tpu.memory_space<vmem>> -> memref<128xi32, #tpu.memory_space<vmem>>
        %dma_wait3A_110 = arith.constant 0 : i32
        %dma_wait3A_111 = arith.constant 0 : i32
        %dma_wait3A_112 = tpu.memref_slice %arg11[%dma_wait3A_110, %dma_wait3A_111] : memref<10240x128xf32, #tpu.memory_space<vmem_shared>> -> memref<10240x128xf32, #tpu.memory_space<vmem_shared>>
        tpu.wait_indirect_dma semaphore(%arg14 : memref<!tpu.dma_semaphore, #tpu.memory_space<semaphore_mem>>) src(%arg10 : memref<128x128xf32, #tpu.memory_space<vmem>>) dst(%dma_wait3A_112 : memref<10240x128xf32, #tpu.memory_space<vmem_shared>>)
      } else {
      }
      %add3A_72 = arith.constant 1 : i32
      %add3A_73 = arith.addi %mul3A_67, %add3A_72 : i32
      %dma_start3A_74 = arith.constant 0 : i32
      %dma_start3A_75 = tpu.memref_slice %arg7[%add3A_73, %dma_start3A_74] : memref<40x128xi32, #tpu.memory_space<vmem>> -> memref<1x128xi32, #tpu.memory_space<vmem>>
      %dma_start3A_76 = tpu.memref_squeeze %dma_start3A_75 : memref<1x128xi32, #tpu.memory_space<vmem>> -> memref<128xi32, #tpu.memory_space<vmem>>
      %dma_start3A_77 = arith.constant 0 : i32
      %dma_start3A_78 = arith.constant 0 : i32
      %dma_start3A_79 = tpu.memref_slice %arg2[%dma_start3A_77, %dma_start3A_78] : memref<10240x128xf32, #tpu.memory_space<hbm>> -> memref<10240x128xf32, #tpu.memory_space<hbm>>
      tpu.enqueue_indirect_dma source(%dma_start3A_79 : memref<10240x128xf32, #tpu.memory_space<hbm>>) target(%arg10 : memref<128x128xf32, #tpu.memory_space<vmem>>) offsets(%dma_start3A_76 : memref<128xi32, #tpu.memory_space<vmem>>) semaphore(%arg13 : memref<!tpu.dma_semaphore, #tpu.memory_space<semaphore_mem>>)
      %dma_wait3A_80 = arith.constant 0 : i32
      %dma_wait3A_81 = tpu.memref_slice %arg7[%mul3A_67, %dma_wait3A_80] : memref<40x128xi32, #tpu.memory_space<vmem>> -> memref<1x128xi32, #tpu.memory_space<vmem>>
      %dma_wait3A_82 = tpu.memref_squeeze %dma_wait3A_81 : memref<1x128xi32, #tpu.memory_space<vmem>> -> memref<128xi32, #tpu.memory_space<vmem>>
      %dma_wait3A_83 = arith.constant 0 : i32
      %dma_wait3A_84 = arith.constant 0 : i32
      %dma_wait3A_85 = tpu.memref_slice %arg2[%dma_wait3A_83, %dma_wait3A_84] : memref<10240x128xf32, #tpu.memory_space<hbm>> -> memref<10240x128xf32, #tpu.memory_space<hbm>>
      tpu.wait_indirect_dma semaphore(%arg12 : memref<!tpu.dma_semaphore, #tpu.memory_space<semaphore_mem>>) src(%dma_wait3A_85 : memref<10240x128xf32, #tpu.memory_space<hbm>>) dst(%arg9 : memref<128x128xf32, #tpu.memory_space<vmem>>)
      "tpu.region"() ({
        %run_scoped3A = tpu.sem_alloc : memref<!tpu.dma_semaphore, #tpu.memory_space<semaphore_mem>>
        %dma_start3A_106 = arith.constant 0 : i32
        %dma_start3A_107 = tpu.memref_slice %arg8[%mul3A_67, %dma_start3A_106] : memref<40x128xi32, #tpu.memory_space<vmem>> -> memref<1x128xi32, #tpu.memory_space<vmem>>
        %dma_start3A_108 = tpu.memref_squeeze %dma_start3A_107 : memref<1x128xi32, #tpu.memory_space<vmem>> -> memref<128xi32, #tpu.memory_space<vmem>>
        %dma_start3A_109 = arith.constant 0 : i32
        %dma_start3A_110 = arith.constant 0 : i32
        %dma_start3A_111 = tpu.memref_slice %arg11[%dma_start3A_109, %dma_start3A_110] : memref<10240x128xf32, #tpu.memory_space<vmem_shared>> -> memref<10240x128xf32, #tpu.memory_space<vmem_shared>>
        tpu.enqueue_indirect_dma source(%arg9 : memref<128x128xf32, #tpu.memory_space<vmem>>) target(%dma_start3A_111 : memref<10240x128xf32, #tpu.memory_space<vmem_shared>>) offsets(%dma_start3A_108 : memref<128xi32, #tpu.memory_space<vmem>>) semaphore(%run_scoped3A : memref<!tpu.dma_semaphore, #tpu.memory_space<semaphore_mem>>) {add = true}
        %dma_wait3A_112 = arith.constant 0 : i32
        %dma_wait3A_113 = tpu.memref_slice %arg8[%mul3A_67, %dma_wait3A_112] : memref<40x128xi32, #tpu.memory_space<vmem>> -> memref<1x128xi32, #tpu.memory_space<vmem>>
        %dma_wait3A_114 = tpu.memref_squeeze %dma_wait3A_113 : memref<1x128xi32, #tpu.memory_space<vmem>> -> memref<128xi32, #tpu.memory_space<vmem>>
        %dma_wait3A_115 = arith.constant 0 : i32
        %dma_wait3A_116 = arith.constant 0 : i32
        %dma_wait3A_117 = tpu.memref_slice %arg11[%dma_wait3A_115, %dma_wait3A_116] : memref<10240x128xf32, #tpu.memory_space<vmem_shared>> -> memref<10240x128xf32, #tpu.memory_space<vmem_shared>>
        tpu.wait_indirect_dma semaphore(%run_scoped3A : memref<!tpu.dma_semaphore, #tpu.memory_space<semaphore_mem>>) src(%arg9 : memref<128x128xf32, #tpu.memory_space<vmem>>) dst(%dma_wait3A_117 : memref<10240x128xf32, #tpu.memory_space<vmem_shared>>)
        tpu.yield
      }) : () -> ()
      %lt3A = arith.constant 19 : i32
      %lt3A_86 = arith.cmpi slt, %scan3A_65, %lt3A : i32
      %convert_element_type3A_87 = arith.extui %lt3A_86 : i1 to i32
      %cond3A_88 = arith.constant 0 : i32
      %cond3A_89 = arith.cmpi ne, %convert_element_type3A_87, %cond3A_88 : i32
      scf.if %cond3A_89 {
        %add3A_106 = arith.constant 2 : i32
        %add3A_107 = arith.addi %mul3A_67, %add3A_106 : i32
        %dma_start3A_108 = arith.constant 0 : i32
        %dma_start3A_109 = tpu.memref_slice %arg7[%add3A_107, %dma_start3A_108] : memref<40x128xi32, #tpu.memory_space<vmem>> -> memref<1x128xi32, #tpu.memory_space<vmem>>
        %dma_start3A_110 = tpu.memref_squeeze %dma_start3A_109 : memref<1x128xi32, #tpu.memory_space<vmem>> -> memref<128xi32, #tpu.memory_space<vmem>>
        %dma_start3A_111 = arith.constant 0 : i32
        %dma_start3A_112 = arith.constant 0 : i32
        %dma_start3A_113 = tpu.memref_slice %arg2[%dma_start3A_111, %dma_start3A_112] : memref<10240x128xf32, #tpu.memory_space<hbm>> -> memref<10240x128xf32, #tpu.memory_space<hbm>>
        tpu.enqueue_indirect_dma source(%dma_start3A_113 : memref<10240x128xf32, #tpu.memory_space<hbm>>) target(%arg9 : memref<128x128xf32, #tpu.memory_space<vmem>>) offsets(%dma_start3A_110 : memref<128xi32, #tpu.memory_space<vmem>>) semaphore(%arg12 : memref<!tpu.dma_semaphore, #tpu.memory_space<semaphore_mem>>)
      } else {
      }
      %add3A_90 = arith.constant 1 : i32
      %add3A_91 = arith.addi %mul3A_67, %add3A_90 : i32
      %dma_wait3A_92 = arith.constant 0 : i32
      %dma_wait3A_93 = tpu.memref_slice %arg7[%add3A_91, %dma_wait3A_92] : memref<40x128xi32, #tpu.memory_space<vmem>> -> memref<1x128xi32, #tpu.memory_space<vmem>>
      %dma_wait3A_94 = tpu.memref_squeeze %dma_wait3A_93 : memref<1x128xi32, #tpu.memory_space<vmem>> -> memref<128xi32, #tpu.memory_space<vmem>>
      %dma_wait3A_95 = arith.constant 0 : i32
      %dma_wait3A_96 = arith.constant 0 : i32
      %dma_wait3A_97 = tpu.memref_slice %arg2[%dma_wait3A_95, %dma_wait3A_96] : memref<10240x128xf32, #tpu.memory_space<hbm>> -> memref<10240x128xf32, #tpu.memory_space<hbm>>
      tpu.wait_indirect_dma semaphore(%arg13 : memref<!tpu.dma_semaphore, #tpu.memory_space<semaphore_mem>>) src(%dma_wait3A_97 : memref<10240x128xf32, #tpu.memory_space<hbm>>) dst(%arg10 : memref<128x128xf32, #tpu.memory_space<vmem>>)
      %add3A_98 = arith.constant 1 : i32
      %add3A_99 = arith.addi %mul3A_67, %add3A_98 : i32
      %dma_start3A_100 = arith.constant 0 : i32
      %dma_start3A_101 = tpu.memref_slice %arg8[%add3A_99, %dma_start3A_100] : memref<40x128xi32, #tpu.memory_space<vmem>> -> memref<1x128xi32, #tpu.memory_space<vmem>>
      %dma_start3A_102 = tpu.memref_squeeze %dma_start3A_101 : memref<1x128xi32, #tpu.memory_space<vmem>> -> memref<128xi32, #tpu.memory_space<vmem>>
      %dma_start3A_103 = arith.constant 0 : i32
      %dma_start3A_104 = arith.constant 0 : i32
      %dma_start3A_105 = tpu.memref_slice %arg11[%dma_start3A_103, %dma_start3A_104] : memref<10240x128xf32, #tpu.memory_space<vmem_shared>> -> memref<10240x128xf32, #tpu.memory_space<vmem_shared>>
      tpu.enqueue_indirect_dma source(%arg10 : memref<128x128xf32, #tpu.memory_space<vmem>>) target(%dma_start3A_105 : memref<10240x128xf32, #tpu.memory_space<vmem_shared>>) offsets(%dma_start3A_102 : memref<128xi32, #tpu.memory_space<vmem>>) semaphore(%arg14 : memref<!tpu.dma_semaphore, #tpu.memory_space<semaphore_mem>>) {add = true}
    }
    %scan3A_52 = arith.constant 20 : i32
    %dma_wait3A_53 = arith.constant 39 : i32
    %dma_wait3A_54 = arith.constant 0 : i32
    %dma_wait3A_55 = tpu.memref_slice %arg8[%dma_wait3A_53, %dma_wait3A_54] : memref<40x128xi32, #tpu.memory_space<vmem>> -> memref<1x128xi32, #tpu.memory_space<vmem>>
    %dma_wait3A_56 = tpu.memref_squeeze %dma_wait3A_55 : memref<1x128xi32, #tpu.memory_space<vmem>> -> memref<128xi32, #tpu.memory_space<vmem>>
    %dma_wait3A_57 = arith.constant 0 : i32
    %dma_wait3A_58 = arith.constant 0 : i32
    %dma_wait3A_59 = tpu.memref_slice %arg11[%dma_wait3A_57, %dma_wait3A_58] : memref<10240x128xf32, #tpu.memory_space<vmem_shared>> -> memref<10240x128xf32, #tpu.memory_space<vmem_shared>>
    tpu.wait_indirect_dma semaphore(%arg14 : memref<!tpu.dma_semaphore, #tpu.memory_space<semaphore_mem>>) src(%arg10 : memref<128x128xf32, #tpu.memory_space<vmem>>) dst(%dma_wait3A_59 : memref<10240x128xf32, #tpu.memory_space<vmem_shared>>)
    %barrier3A_60 = arith.constant 0 : index
    tpu.barrier barrier_id(%barrier3A_60)
    %mul3A_61 = arith.constant 640 : i32
    %mul3A_62 = arith.muli %arg1, %mul3A_61 : i32
    %mul3A_63 = arith.constant 640 : i32
    %mul3A_64 = arith.muli %arg1, %mul3A_63 : i32
    "tpu.region"() ({
      %run_scoped3A = tpu.sem_alloc : memref<!tpu.dma_semaphore, #tpu.memory_space<semaphore_mem>>
      %dma_start3A_65 = arith.constant 0 : i32
      %dma_start3A_66 = tpu.memref_slice %arg6[%arg0, %mul3A_64, %dma_start3A_65] : memref<2x10240x128xf32, #tpu.memory_space<hbm>> -> memref<1x640x128xf32, #tpu.memory_space<hbm>>
      %dma_start3A_67 = tpu.memref_squeeze %dma_start3A_66 : memref<1x640x128xf32, #tpu.memory_space<hbm>> -> memref<640x128xf32, #tpu.memory_space<hbm>>
      %dma_start3A_68 = arith.constant 0 : i32
      %dma_start3A_69 = tpu.memref_slice %arg11[%mul3A_62, %dma_start3A_68] : memref<10240x128xf32, #tpu.memory_space<vmem_shared>> -> memref<640x128xf32, #tpu.memory_space<vmem_shared>>
      tpu.enqueue_dma source(%dma_start3A_69 : memref<640x128xf32, #tpu.memory_space<vmem_shared>>) target(%dma_start3A_67 : memref<640x128xf32, #tpu.memory_space<hbm>>) target_semaphore(%run_scoped3A : memref<!tpu.dma_semaphore, #tpu.memory_space<semaphore_mem>>)
      %dma_wait3A_70 = arith.constant 0 : i32
      %dma_wait3A_71 = tpu.memref_slice %arg6[%arg0, %mul3A_64, %dma_wait3A_70] : memref<2x10240x128xf32, #tpu.memory_space<hbm>> -> memref<1x640x128xf32, #tpu.memory_space<hbm>>
      %dma_wait3A_72 = tpu.memref_squeeze %dma_wait3A_71 : memref<1x640x128xf32, #tpu.memory_space<hbm>> -> memref<640x128xf32, #tpu.memory_space<hbm>>
      %dma_wait3A_73 = arith.constant 0 : i32
      %dma_wait3A_74 = tpu.memref_slice %arg11[%mul3A_62, %dma_wait3A_73] : memref<10240x128xf32, #tpu.memory_space<vmem_shared>> -> memref<640x128xf32, #tpu.memory_space<vmem_shared>>
      tpu.wait_dma2 semaphore(%run_scoped3A : memref<!tpu.dma_semaphore, #tpu.memory_space<semaphore_mem>>) src(%dma_wait3A_74 : memref<640x128xf32, #tpu.memory_space<vmem_shared>>) dst(%dma_wait3A_72 : memref<640x128xf32, #tpu.memory_space<hbm>>)
      tpu.yield
    }) : () -> ()
    return
  }
}

#map = affine_map<(d0, d1) -> (0, 0)>
#map1 = affine_map<(d0, d1) -> (0, 0, 0)>
module attributes {stable_mosaic.version = 14 : i64} {
  func.func @_sc_edge(%arg0: i32, %arg1: i32, %arg2: memref<10240x128xf32, #tpu.memory_space<hbm>>, %arg3: memref<2560x128xi32, #tpu.memory_space<hbm>>, %arg4: memref<2560x128xi32, #tpu.memory_space<hbm>>, %arg5: memref<10240x128xf32, #tpu.memory_space<hbm>>, %arg6: memref<2x10240x128xf32, #tpu.memory_space<hbm>>, %arg7: memref<40x128xi32, #tpu.memory_space<vmem>>, %arg8: memref<40x128xi32, #tpu.memory_space<vmem>>, %arg9: memref<128x128xf32, #tpu.memory_space<vmem>>, %arg10: memref<128x128xf32, #tpu.memory_space<vmem>>, %arg11: memref<10240x128xf32, #tpu.memory_space<vmem_shared>>, %arg12: memref<!tpu.dma_semaphore, #tpu.memory_space<semaphore_mem>>, %arg13: memref<!tpu.dma_semaphore, #tpu.memory_space<semaphore_mem>>, %arg14: memref<!tpu.dma_semaphore, #tpu.memory_space<semaphore_mem>>) attributes {dimension_semantics = [#tpu.dimension_semantics<core_parallel>, #tpu.dimension_semantics<subcore_parallel>], iteration_bounds = array<i64: 2, 16>, scalar_prefetch = 0 : i64, scratch_operands = 8 : i64, tpu.core_type = #tpu.core_type<sc_vector_subcore>, window_params = [{transform_indices = #map}, {transform_indices = #map}, {transform_indices = #map}, {transform_indices = #map}, {transform_indices = #map1}]} {
    %mul3A = arith.constant 2 : i32
    %mul3A_0 = arith.muli %arg1, %mul3A : i32
    %add3A = arith.addi %mul3A_0, %arg0 : i32
    %eq3A = arith.constant 0 : i32
    %eq3A_1 = arith.cmpi eq, %arg0, %eq3A : i32
    %convert_element_type3A = arith.extui %eq3A_1 : i1 to i32
    %cond3A = arith.constant 0 : i32
    %cond3A_2 = arith.cmpi ne, %convert_element_type3A, %cond3A : i32
    scf.if %cond3A_2 {
      %mul3A_65 = arith.constant 640 : i32
      %mul3A_66 = arith.muli %arg1, %mul3A_65 : i32
      %mul3A_67 = arith.constant 640 : i32
      %mul3A_68 = arith.muli %arg1, %mul3A_67 : i32
      "tpu.region"() ({
        %run_scoped3A = tpu.sem_alloc : memref<!tpu.dma_semaphore, #tpu.memory_space<semaphore_mem>>
        %dma_start3A_69 = arith.constant 0 : i32
        %dma_start3A_70 = tpu.memref_slice %arg11[%mul3A_68, %dma_start3A_69] : memref<10240x128xf32, #tpu.memory_space<vmem_shared>> -> memref<640x128xf32, #tpu.memory_space<vmem_shared>>
        %dma_start3A_71 = arith.constant 0 : i32
        %dma_start3A_72 = tpu.memref_slice %arg2[%mul3A_66, %dma_start3A_71] : memref<10240x128xf32, #tpu.memory_space<hbm>> -> memref<640x128xf32, #tpu.memory_space<hbm>>
        tpu.enqueue_dma source(%dma_start3A_72 : memref<640x128xf32, #tpu.memory_space<hbm>>) target(%dma_start3A_70 : memref<640x128xf32, #tpu.memory_space<vmem_shared>>) target_semaphore(%run_scoped3A : memref<!tpu.dma_semaphore, #tpu.memory_space<semaphore_mem>>)
        %dma_wait3A_73 = arith.constant 0 : i32
        %dma_wait3A_74 = tpu.memref_slice %arg11[%mul3A_68, %dma_wait3A_73] : memref<10240x128xf32, #tpu.memory_space<vmem_shared>> -> memref<640x128xf32, #tpu.memory_space<vmem_shared>>
        %dma_wait3A_75 = arith.constant 0 : i32
        %dma_wait3A_76 = tpu.memref_slice %arg2[%mul3A_66, %dma_wait3A_75] : memref<10240x128xf32, #tpu.memory_space<hbm>> -> memref<640x128xf32, #tpu.memory_space<hbm>>
        tpu.wait_dma2 semaphore(%run_scoped3A : memref<!tpu.dma_semaphore, #tpu.memory_space<semaphore_mem>>) src(%dma_wait3A_76 : memref<640x128xf32, #tpu.memory_space<hbm>>) dst(%dma_wait3A_74 : memref<640x128xf32, #tpu.memory_space<vmem_shared>>)
        tpu.yield
      }) : () -> ()
    } else {
    }
    %ne3A = arith.constant 0 : i32
    %ne3A_3 = arith.cmpi ne, %arg0, %ne3A : i32
    %convert_element_type3A_4 = arith.extui %ne3A_3 : i1 to i32
    %cond3A_5 = arith.constant 0 : i32
    %cond3A_6 = arith.cmpi ne, %convert_element_type3A_4, %cond3A_5 : i32
    scf.if %cond3A_6 {
      %mul3A_65 = arith.constant 640 : i32
      %mul3A_66 = arith.muli %arg1, %mul3A_65 : i32
      %mul3A_67 = arith.constant 640 : i32
      %mul3A_68 = arith.muli %arg1, %mul3A_67 : i32
      "tpu.region"() ({
        %run_scoped3A = tpu.sem_alloc : memref<!tpu.dma_semaphore, #tpu.memory_space<semaphore_mem>>
        %dma_start3A_69 = arith.constant 0 : i32
        %dma_start3A_70 = tpu.memref_slice %arg11[%mul3A_68, %dma_start3A_69] : memref<10240x128xf32, #tpu.memory_space<vmem_shared>> -> memref<640x128xf32, #tpu.memory_space<vmem_shared>>
        %dma_start3A_71 = arith.constant 0 : i32
        %dma_start3A_72 = tpu.memref_slice %arg5[%mul3A_66, %dma_start3A_71] : memref<10240x128xf32, #tpu.memory_space<hbm>> -> memref<640x128xf32, #tpu.memory_space<hbm>>
        tpu.enqueue_dma source(%dma_start3A_72 : memref<640x128xf32, #tpu.memory_space<hbm>>) target(%dma_start3A_70 : memref<640x128xf32, #tpu.memory_space<vmem_shared>>) target_semaphore(%run_scoped3A : memref<!tpu.dma_semaphore, #tpu.memory_space<semaphore_mem>>)
        %dma_wait3A_73 = arith.constant 0 : i32
        %dma_wait3A_74 = tpu.memref_slice %arg11[%mul3A_68, %dma_wait3A_73] : memref<10240x128xf32, #tpu.memory_space<vmem_shared>> -> memref<640x128xf32, #tpu.memory_space<vmem_shared>>
        %dma_wait3A_75 = arith.constant 0 : i32
        %dma_wait3A_76 = tpu.memref_slice %arg5[%mul3A_66, %dma_wait3A_75] : memref<10240x128xf32, #tpu.memory_space<hbm>> -> memref<640x128xf32, #tpu.memory_space<hbm>>
        tpu.wait_dma2 semaphore(%run_scoped3A : memref<!tpu.dma_semaphore, #tpu.memory_space<semaphore_mem>>) src(%dma_wait3A_76 : memref<640x128xf32, #tpu.memory_space<hbm>>) dst(%dma_wait3A_74 : memref<640x128xf32, #tpu.memory_space<vmem_shared>>)
        tpu.yield
      }) : () -> ()
    } else {
    }
    %barrier3A = arith.constant 0 : index
    tpu.barrier barrier_id(%barrier3A)
    %mul3A_7 = arith.constant 80 : i32
    %mul3A_8 = arith.muli %add3A, %mul3A_7 : i32
    %add3A_9 = arith.constant 0 : i32
    %add3A_10 = arith.addi %mul3A_8, %add3A_9 : i32
    "tpu.region"() ({
      %run_scoped3A = tpu.sem_alloc : memref<!tpu.dma_semaphore, #tpu.memory_space<semaphore_mem>>
      %dma_start3A_65 = arith.constant 0 : i32
      %dma_start3A_66 = tpu.memref_slice %arg3[%add3A_10, %dma_start3A_65] : memref<2560x128xi32, #tpu.memory_space<hbm>> -> memref<40x128xi32, #tpu.memory_space<hbm>>
      %dma_start3A_67 = arith.constant 0 : i32
      %dma_start3A_68 = tpu.memref_slice %arg3[%add3A_10, %dma_start3A_67] : memref<2560x128xi32, #tpu.memory_space<hbm>> -> memref<40x128xi32, #tpu.memory_space<hbm>>
      tpu.enqueue_dma source(%dma_start3A_68 : memref<40x128xi32, #tpu.memory_space<hbm>>) target(%arg7 : memref<40x128xi32, #tpu.memory_space<vmem>>) target_semaphore(%run_scoped3A : memref<!tpu.dma_semaphore, #tpu.memory_space<semaphore_mem>>)
      %dma_wait3A_69 = arith.constant 0 : i32
      %dma_wait3A_70 = tpu.memref_slice %arg3[%add3A_10, %dma_wait3A_69] : memref<2560x128xi32, #tpu.memory_space<hbm>> -> memref<40x128xi32, #tpu.memory_space<hbm>>
      %dma_wait3A_71 = arith.constant 0 : i32
      %dma_wait3A_72 = tpu.memref_slice %arg3[%add3A_10, %dma_wait3A_71] : memref<2560x128xi32, #tpu.memory_space<hbm>> -> memref<40x128xi32, #tpu.memory_space<hbm>>
      tpu.wait_dma2 semaphore(%run_scoped3A : memref<!tpu.dma_semaphore, #tpu.memory_space<semaphore_mem>>) src(%dma_wait3A_72 : memref<40x128xi32, #tpu.memory_space<hbm>>) dst(%arg7 : memref<40x128xi32, #tpu.memory_space<vmem>>)
      tpu.yield
    }) : () -> ()
    %mul3A_11 = arith.constant 80 : i32
    %mul3A_12 = arith.muli %add3A, %mul3A_11 : i32
    %add3A_13 = arith.constant 0 : i32
    %add3A_14 = arith.addi %mul3A_12, %add3A_13 : i32
    "tpu.region"() ({
      %run_scoped3A = tpu.sem_alloc : memref<!tpu.dma_semaphore, #tpu.memory_space<semaphore_mem>>
      %dma_start3A_65 = arith.constant 0 : i32
      %dma_start3A_66 = tpu.memref_slice %arg4[%add3A_14, %dma_start3A_65] : memref<2560x128xi32, #tpu.memory_space<hbm>> -> memref<40x128xi32, #tpu.memory_space<hbm>>
      %dma_start3A_67 = arith.constant 0 : i32
      %dma_start3A_68 = tpu.memref_slice %arg4[%add3A_14, %dma_start3A_67] : memref<2560x128xi32, #tpu.memory_space<hbm>> -> memref<40x128xi32, #tpu.memory_space<hbm>>
      tpu.enqueue_dma source(%dma_start3A_68 : memref<40x128xi32, #tpu.memory_space<hbm>>) target(%arg8 : memref<40x128xi32, #tpu.memory_space<vmem>>) target_semaphore(%run_scoped3A : memref<!tpu.dma_semaphore, #tpu.memory_space<semaphore_mem>>)
      %dma_wait3A_69 = arith.constant 0 : i32
      %dma_wait3A_70 = tpu.memref_slice %arg4[%add3A_14, %dma_wait3A_69] : memref<2560x128xi32, #tpu.memory_space<hbm>> -> memref<40x128xi32, #tpu.memory_space<hbm>>
      %dma_wait3A_71 = arith.constant 0 : i32
      %dma_wait3A_72 = tpu.memref_slice %arg4[%add3A_14, %dma_wait3A_71] : memref<2560x128xi32, #tpu.memory_space<hbm>> -> memref<40x128xi32, #tpu.memory_space<hbm>>
      tpu.wait_dma2 semaphore(%run_scoped3A : memref<!tpu.dma_semaphore, #tpu.memory_space<semaphore_mem>>) src(%dma_wait3A_72 : memref<40x128xi32, #tpu.memory_space<hbm>>) dst(%arg8 : memref<40x128xi32, #tpu.memory_space<vmem>>)
      tpu.yield
    }) : () -> ()
    %dma_start3A = arith.constant 0 : i32
    %dma_start3A_15 = arith.constant 0 : i32
    %dma_start3A_16 = tpu.memref_slice %arg7[%dma_start3A, %dma_start3A_15] : memref<40x128xi32, #tpu.memory_space<vmem>> -> memref<1x128xi32, #tpu.memory_space<vmem>>
    %dma_start3A_17 = tpu.memref_squeeze %dma_start3A_16 : memref<1x128xi32, #tpu.memory_space<vmem>> -> memref<128xi32, #tpu.memory_space<vmem>>
    %dma_start3A_18 = arith.constant 0 : i32
    %dma_start3A_19 = arith.constant 0 : i32
    %dma_start3A_20 = tpu.memref_slice %arg2[%dma_start3A_18, %dma_start3A_19] : memref<10240x128xf32, #tpu.memory_space<hbm>> -> memref<10240x128xf32, #tpu.memory_space<hbm>>
    tpu.enqueue_indirect_dma source(%dma_start3A_20 : memref<10240x128xf32, #tpu.memory_space<hbm>>) target(%arg9 : memref<128x128xf32, #tpu.memory_space<vmem>>) offsets(%dma_start3A_17 : memref<128xi32, #tpu.memory_space<vmem>>) semaphore(%arg12 : memref<!tpu.dma_semaphore, #tpu.memory_space<semaphore_mem>>)
    %scan3A = arith.constant 0 : i32
    %scan3A_21 = arith.constant 0 : i32
    %scan3A_22 = arith.constant 20 : i32
    %scan3A_23 = arith.addi %scan3A_21, %scan3A_22 : i32
    %scan3A_24 = arith.constant 1 : i32
    scf.for %scan3A_65 = %scan3A_21 to %scan3A_23 step %scan3A_24  : i32 {
      %mul3A_66 = arith.constant 2 : i32
      %mul3A_67 = arith.muli %mul3A_66, %scan3A_65 : i32
      %gt3A = arith.constant 0 : i32
      %gt3A_68 = arith.cmpi sgt, %scan3A_65, %gt3A : i32
      %convert_element_type3A_69 = arith.extui %gt3A_68 : i1 to i32
      %cond3A_70 = arith.constant 0 : i32
      %cond3A_71 = arith.cmpi ne, %convert_element_type3A_69, %cond3A_70 : i32
      scf.if %cond3A_71 {
        %sub3A = arith.constant 1 : i32
        %sub3A_106 = arith.subi %mul3A_67, %sub3A : i32
        %dma_wait3A_107 = arith.constant 0 : i32
        %dma_wait3A_108 = tpu.memref_slice %arg8[%sub3A_106, %dma_wait3A_107] : memref<40x128xi32, #tpu.memory_space<vmem>> -> memref<1x128xi32, #tpu.memory_space<vmem>>
        %dma_wait3A_109 = tpu.memref_squeeze %dma_wait3A_108 : memref<1x128xi32, #tpu.memory_space<vmem>> -> memref<128xi32, #tpu.memory_space<vmem>>
        %dma_wait3A_110 = arith.constant 0 : i32
        %dma_wait3A_111 = arith.constant 0 : i32
        %dma_wait3A_112 = tpu.memref_slice %arg11[%dma_wait3A_110, %dma_wait3A_111] : memref<10240x128xf32, #tpu.memory_space<vmem_shared>> -> memref<10240x128xf32, #tpu.memory_space<vmem_shared>>
        tpu.wait_indirect_dma semaphore(%arg14 : memref<!tpu.dma_semaphore, #tpu.memory_space<semaphore_mem>>) src(%arg10 : memref<128x128xf32, #tpu.memory_space<vmem>>) dst(%dma_wait3A_112 : memref<10240x128xf32, #tpu.memory_space<vmem_shared>>)
      } else {
      }
      %add3A_72 = arith.constant 1 : i32
      %add3A_73 = arith.addi %mul3A_67, %add3A_72 : i32
      %dma_start3A_74 = arith.constant 0 : i32
      %dma_start3A_75 = tpu.memref_slice %arg7[%add3A_73, %dma_start3A_74] : memref<40x128xi32, #tpu.memory_space<vmem>> -> memref<1x128xi32, #tpu.memory_space<vmem>>
      %dma_start3A_76 = tpu.memref_squeeze %dma_start3A_75 : memref<1x128xi32, #tpu.memory_space<vmem>> -> memref<128xi32, #tpu.memory_space<vmem>>
      %dma_start3A_77 = arith.constant 0 : i32
      %dma_start3A_78 = arith.constant 0 : i32
      %dma_start3A_79 = tpu.memref_slice %arg2[%dma_start3A_77, %dma_start3A_78] : memref<10240x128xf32, #tpu.memory_space<hbm>> -> memref<10240x128xf32, #tpu.memory_space<hbm>>
      tpu.enqueue_indirect_dma source(%dma_start3A_79 : memref<10240x128xf32, #tpu.memory_space<hbm>>) target(%arg10 : memref<128x128xf32, #tpu.memory_space<vmem>>) offsets(%dma_start3A_76 : memref<128xi32, #tpu.memory_space<vmem>>) semaphore(%arg13 : memref<!tpu.dma_semaphore, #tpu.memory_space<semaphore_mem>>)
      %dma_wait3A_80 = arith.constant 0 : i32
      %dma_wait3A_81 = tpu.memref_slice %arg7[%mul3A_67, %dma_wait3A_80] : memref<40x128xi32, #tpu.memory_space<vmem>> -> memref<1x128xi32, #tpu.memory_space<vmem>>
      %dma_wait3A_82 = tpu.memref_squeeze %dma_wait3A_81 : memref<1x128xi32, #tpu.memory_space<vmem>> -> memref<128xi32, #tpu.memory_space<vmem>>
      %dma_wait3A_83 = arith.constant 0 : i32
      %dma_wait3A_84 = arith.constant 0 : i32
      %dma_wait3A_85 = tpu.memref_slice %arg2[%dma_wait3A_83, %dma_wait3A_84] : memref<10240x128xf32, #tpu.memory_space<hbm>> -> memref<10240x128xf32, #tpu.memory_space<hbm>>
      tpu.wait_indirect_dma semaphore(%arg12 : memref<!tpu.dma_semaphore, #tpu.memory_space<semaphore_mem>>) src(%dma_wait3A_85 : memref<10240x128xf32, #tpu.memory_space<hbm>>) dst(%arg9 : memref<128x128xf32, #tpu.memory_space<vmem>>)
      "tpu.region"() ({
        %run_scoped3A = tpu.sem_alloc : memref<!tpu.dma_semaphore, #tpu.memory_space<semaphore_mem>>
        %dma_start3A_106 = arith.constant 0 : i32
        %dma_start3A_107 = tpu.memref_slice %arg8[%mul3A_67, %dma_start3A_106] : memref<40x128xi32, #tpu.memory_space<vmem>> -> memref<1x128xi32, #tpu.memory_space<vmem>>
        %dma_start3A_108 = tpu.memref_squeeze %dma_start3A_107 : memref<1x128xi32, #tpu.memory_space<vmem>> -> memref<128xi32, #tpu.memory_space<vmem>>
        %dma_start3A_109 = arith.constant 0 : i32
        %dma_start3A_110 = arith.constant 0 : i32
        %dma_start3A_111 = tpu.memref_slice %arg11[%dma_start3A_109, %dma_start3A_110] : memref<10240x128xf32, #tpu.memory_space<vmem_shared>> -> memref<10240x128xf32, #tpu.memory_space<vmem_shared>>
        tpu.enqueue_indirect_dma source(%arg9 : memref<128x128xf32, #tpu.memory_space<vmem>>) target(%dma_start3A_111 : memref<10240x128xf32, #tpu.memory_space<vmem_shared>>) offsets(%dma_start3A_108 : memref<128xi32, #tpu.memory_space<vmem>>) semaphore(%run_scoped3A : memref<!tpu.dma_semaphore, #tpu.memory_space<semaphore_mem>>) {add = true}
        %dma_wait3A_112 = arith.constant 0 : i32
        %dma_wait3A_113 = tpu.memref_slice %arg8[%mul3A_67, %dma_wait3A_112] : memref<40x128xi32, #tpu.memory_space<vmem>> -> memref<1x128xi32, #tpu.memory_space<vmem>>
        %dma_wait3A_114 = tpu.memref_squeeze %dma_wait3A_113 : memref<1x128xi32, #tpu.memory_space<vmem>> -> memref<128xi32, #tpu.memory_space<vmem>>
        %dma_wait3A_115 = arith.constant 0 : i32
        %dma_wait3A_116 = arith.constant 0 : i32
        %dma_wait3A_117 = tpu.memref_slice %arg11[%dma_wait3A_115, %dma_wait3A_116] : memref<10240x128xf32, #tpu.memory_space<vmem_shared>> -> memref<10240x128xf32, #tpu.memory_space<vmem_shared>>
        tpu.wait_indirect_dma semaphore(%run_scoped3A : memref<!tpu.dma_semaphore, #tpu.memory_space<semaphore_mem>>) src(%arg9 : memref<128x128xf32, #tpu.memory_space<vmem>>) dst(%dma_wait3A_117 : memref<10240x128xf32, #tpu.memory_space<vmem_shared>>)
        tpu.yield
      }) : () -> ()
      %lt3A = arith.constant 19 : i32
      %lt3A_86 = arith.cmpi slt, %scan3A_65, %lt3A : i32
      %convert_element_type3A_87 = arith.extui %lt3A_86 : i1 to i32
      %cond3A_88 = arith.constant 0 : i32
      %cond3A_89 = arith.cmpi ne, %convert_element_type3A_87, %cond3A_88 : i32
      scf.if %cond3A_89 {
        %add3A_106 = arith.constant 2 : i32
        %add3A_107 = arith.addi %mul3A_67, %add3A_106 : i32
        %dma_start3A_108 = arith.constant 0 : i32
        %dma_start3A_109 = tpu.memref_slice %arg7[%add3A_107, %dma_start3A_108] : memref<40x128xi32, #tpu.memory_space<vmem>> -> memref<1x128xi32, #tpu.memory_space<vmem>>
        %dma_start3A_110 = tpu.memref_squeeze %dma_start3A_109 : memref<1x128xi32, #tpu.memory_space<vmem>> -> memref<128xi32, #tpu.memory_space<vmem>>
        %dma_start3A_111 = arith.constant 0 : i32
        %dma_start3A_112 = arith.constant 0 : i32
        %dma_start3A_113 = tpu.memref_slice %arg2[%dma_start3A_111, %dma_start3A_112] : memref<10240x128xf32, #tpu.memory_space<hbm>> -> memref<10240x128xf32, #tpu.memory_space<hbm>>
        tpu.enqueue_indirect_dma source(%dma_start3A_113 : memref<10240x128xf32, #tpu.memory_space<hbm>>) target(%arg9 : memref<128x128xf32, #tpu.memory_space<vmem>>) offsets(%dma_start3A_110 : memref<128xi32, #tpu.memory_space<vmem>>) semaphore(%arg12 : memref<!tpu.dma_semaphore, #tpu.memory_space<semaphore_mem>>)
      } else {
      }
      %add3A_90 = arith.constant 1 : i32
      %add3A_91 = arith.addi %mul3A_67, %add3A_90 : i32
      %dma_wait3A_92 = arith.constant 0 : i32
      %dma_wait3A_93 = tpu.memref_slice %arg7[%add3A_91, %dma_wait3A_92] : memref<40x128xi32, #tpu.memory_space<vmem>> -> memref<1x128xi32, #tpu.memory_space<vmem>>
      %dma_wait3A_94 = tpu.memref_squeeze %dma_wait3A_93 : memref<1x128xi32, #tpu.memory_space<vmem>> -> memref<128xi32, #tpu.memory_space<vmem>>
      %dma_wait3A_95 = arith.constant 0 : i32
      %dma_wait3A_96 = arith.constant 0 : i32
      %dma_wait3A_97 = tpu.memref_slice %arg2[%dma_wait3A_95, %dma_wait3A_96] : memref<10240x128xf32, #tpu.memory_space<hbm>> -> memref<10240x128xf32, #tpu.memory_space<hbm>>
      tpu.wait_indirect_dma semaphore(%arg13 : memref<!tpu.dma_semaphore, #tpu.memory_space<semaphore_mem>>) src(%dma_wait3A_97 : memref<10240x128xf32, #tpu.memory_space<hbm>>) dst(%arg10 : memref<128x128xf32, #tpu.memory_space<vmem>>)
      %add3A_98 = arith.constant 1 : i32
      %add3A_99 = arith.addi %mul3A_67, %add3A_98 : i32
      %dma_start3A_100 = arith.constant 0 : i32
      %dma_start3A_101 = tpu.memref_slice %arg8[%add3A_99, %dma_start3A_100] : memref<40x128xi32, #tpu.memory_space<vmem>> -> memref<1x128xi32, #tpu.memory_space<vmem>>
      %dma_start3A_102 = tpu.memref_squeeze %dma_start3A_101 : memref<1x128xi32, #tpu.memory_space<vmem>> -> memref<128xi32, #tpu.memory_space<vmem>>
      %dma_start3A_103 = arith.constant 0 : i32
      %dma_start3A_104 = arith.constant 0 : i32
      %dma_start3A_105 = tpu.memref_slice %arg11[%dma_start3A_103, %dma_start3A_104] : memref<10240x128xf32, #tpu.memory_space<vmem_shared>> -> memref<10240x128xf32, #tpu.memory_space<vmem_shared>>
      tpu.enqueue_indirect_dma source(%arg10 : memref<128x128xf32, #tpu.memory_space<vmem>>) target(%dma_start3A_105 : memref<10240x128xf32, #tpu.memory_space<vmem_shared>>) offsets(%dma_start3A_102 : memref<128xi32, #tpu.memory_space<vmem>>) semaphore(%arg14 : memref<!tpu.dma_semaphore, #tpu.memory_space<semaphore_mem>>) {add = true}
    }
    %scan3A_25 = arith.constant 20 : i32
    %dma_wait3A = arith.constant 39 : i32
    %dma_wait3A_26 = arith.constant 0 : i32
    %dma_wait3A_27 = tpu.memref_slice %arg8[%dma_wait3A, %dma_wait3A_26] : memref<40x128xi32, #tpu.memory_space<vmem>> -> memref<1x128xi32, #tpu.memory_space<vmem>>
    %dma_wait3A_28 = tpu.memref_squeeze %dma_wait3A_27 : memref<1x128xi32, #tpu.memory_space<vmem>> -> memref<128xi32, #tpu.memory_space<vmem>>
    %dma_wait3A_29 = arith.constant 0 : i32
    %dma_wait3A_30 = arith.constant 0 : i32
    %dma_wait3A_31 = tpu.memref_slice %arg11[%dma_wait3A_29, %dma_wait3A_30] : memref<10240x128xf32, #tpu.memory_space<vmem_shared>> -> memref<10240x128xf32, #tpu.memory_space<vmem_shared>>
    tpu.wait_indirect_dma semaphore(%arg14 : memref<!tpu.dma_semaphore, #tpu.memory_space<semaphore_mem>>) src(%arg10 : memref<128x128xf32, #tpu.memory_space<vmem>>) dst(%dma_wait3A_31 : memref<10240x128xf32, #tpu.memory_space<vmem_shared>>)
    %mul3A_32 = arith.constant 80 : i32
    %mul3A_33 = arith.muli %add3A, %mul3A_32 : i32
    %add3A_34 = arith.constant 40 : i32
    %add3A_35 = arith.addi %mul3A_33, %add3A_34 : i32
    "tpu.region"() ({
      %run_scoped3A = tpu.sem_alloc : memref<!tpu.dma_semaphore, #tpu.memory_space<semaphore_mem>>
      %dma_start3A_65 = arith.constant 0 : i32
      %dma_start3A_66 = tpu.memref_slice %arg3[%add3A_35, %dma_start3A_65] : memref<2560x128xi32, #tpu.memory_space<hbm>> -> memref<40x128xi32, #tpu.memory_space<hbm>>
      %dma_start3A_67 = arith.constant 0 : i32
      %dma_start3A_68 = tpu.memref_slice %arg3[%add3A_35, %dma_start3A_67] : memref<2560x128xi32, #tpu.memory_space<hbm>> -> memref<40x128xi32, #tpu.memory_space<hbm>>
      tpu.enqueue_dma source(%dma_start3A_68 : memref<40x128xi32, #tpu.memory_space<hbm>>) target(%arg7 : memref<40x128xi32, #tpu.memory_space<vmem>>) target_semaphore(%run_scoped3A : memref<!tpu.dma_semaphore, #tpu.memory_space<semaphore_mem>>)
      %dma_wait3A_69 = arith.constant 0 : i32
      %dma_wait3A_70 = tpu.memref_slice %arg3[%add3A_35, %dma_wait3A_69] : memref<2560x128xi32, #tpu.memory_space<hbm>> -> memref<40x128xi32, #tpu.memory_space<hbm>>
      %dma_wait3A_71 = arith.constant 0 : i32
      %dma_wait3A_72 = tpu.memref_slice %arg3[%add3A_35, %dma_wait3A_71] : memref<2560x128xi32, #tpu.memory_space<hbm>> -> memref<40x128xi32, #tpu.memory_space<hbm>>
      tpu.wait_dma2 semaphore(%run_scoped3A : memref<!tpu.dma_semaphore, #tpu.memory_space<semaphore_mem>>) src(%dma_wait3A_72 : memref<40x128xi32, #tpu.memory_space<hbm>>) dst(%arg7 : memref<40x128xi32, #tpu.memory_space<vmem>>)
      tpu.yield
    }) : () -> ()
    %mul3A_36 = arith.constant 80 : i32
    %mul3A_37 = arith.muli %add3A, %mul3A_36 : i32
    %add3A_38 = arith.constant 40 : i32
    %add3A_39 = arith.addi %mul3A_37, %add3A_38 : i32
    "tpu.region"() ({
      %run_scoped3A = tpu.sem_alloc : memref<!tpu.dma_semaphore, #tpu.memory_space<semaphore_mem>>
      %dma_start3A_65 = arith.constant 0 : i32
      %dma_start3A_66 = tpu.memref_slice %arg4[%add3A_39, %dma_start3A_65] : memref<2560x128xi32, #tpu.memory_space<hbm>> -> memref<40x128xi32, #tpu.memory_space<hbm>>
      %dma_start3A_67 = arith.constant 0 : i32
      %dma_start3A_68 = tpu.memref_slice %arg4[%add3A_39, %dma_start3A_67] : memref<2560x128xi32, #tpu.memory_space<hbm>> -> memref<40x128xi32, #tpu.memory_space<hbm>>
      tpu.enqueue_dma source(%dma_start3A_68 : memref<40x128xi32, #tpu.memory_space<hbm>>) target(%arg8 : memref<40x128xi32, #tpu.memory_space<vmem>>) target_semaphore(%run_scoped3A : memref<!tpu.dma_semaphore, #tpu.memory_space<semaphore_mem>>)
      %dma_wait3A_69 = arith.constant 0 : i32
      %dma_wait3A_70 = tpu.memref_slice %arg4[%add3A_39, %dma_wait3A_69] : memref<2560x128xi32, #tpu.memory_space<hbm>> -> memref<40x128xi32, #tpu.memory_space<hbm>>
      %dma_wait3A_71 = arith.constant 0 : i32
      %dma_wait3A_72 = tpu.memref_slice %arg4[%add3A_39, %dma_wait3A_71] : memref<2560x128xi32, #tpu.memory_space<hbm>> -> memref<40x128xi32, #tpu.memory_space<hbm>>
      tpu.wait_dma2 semaphore(%run_scoped3A : memref<!tpu.dma_semaphore, #tpu.memory_space<semaphore_mem>>) src(%dma_wait3A_72 : memref<40x128xi32, #tpu.memory_space<hbm>>) dst(%arg8 : memref<40x128xi32, #tpu.memory_space<vmem>>)
      tpu.yield
    }) : () -> ()
    %dma_start3A_40 = arith.constant 0 : i32
    %dma_start3A_41 = arith.constant 0 : i32
    %dma_start3A_42 = tpu.memref_slice %arg7[%dma_start3A_40, %dma_start3A_41] : memref<40x128xi32, #tpu.memory_space<vmem>> -> memref<1x128xi32, #tpu.memory_space<vmem>>
    %dma_start3A_43 = tpu.memref_squeeze %dma_start3A_42 : memref<1x128xi32, #tpu.memory_space<vmem>> -> memref<128xi32, #tpu.memory_space<vmem>>
    %dma_start3A_44 = arith.constant 0 : i32
    %dma_start3A_45 = arith.constant 0 : i32
    %dma_start3A_46 = tpu.memref_slice %arg2[%dma_start3A_44, %dma_start3A_45] : memref<10240x128xf32, #tpu.memory_space<hbm>> -> memref<10240x128xf32, #tpu.memory_space<hbm>>
    tpu.enqueue_indirect_dma source(%dma_start3A_46 : memref<10240x128xf32, #tpu.memory_space<hbm>>) target(%arg9 : memref<128x128xf32, #tpu.memory_space<vmem>>) offsets(%dma_start3A_43 : memref<128xi32, #tpu.memory_space<vmem>>) semaphore(%arg12 : memref<!tpu.dma_semaphore, #tpu.memory_space<semaphore_mem>>)
    %scan3A_47 = arith.constant 0 : i32
    %scan3A_48 = arith.constant 0 : i32
    %scan3A_49 = arith.constant 20 : i32
    %scan3A_50 = arith.addi %scan3A_48, %scan3A_49 : i32
    %scan3A_51 = arith.constant 1 : i32
    scf.for %scan3A_65 = %scan3A_48 to %scan3A_50 step %scan3A_51  : i32 {
      %mul3A_66 = arith.constant 2 : i32
      %mul3A_67 = arith.muli %mul3A_66, %scan3A_65 : i32
      %gt3A = arith.constant 0 : i32
      %gt3A_68 = arith.cmpi sgt, %scan3A_65, %gt3A : i32
      %convert_element_type3A_69 = arith.extui %gt3A_68 : i1 to i32
      %cond3A_70 = arith.constant 0 : i32
      %cond3A_71 = arith.cmpi ne, %convert_element_type3A_69, %cond3A_70 : i32
      scf.if %cond3A_71 {
        %sub3A = arith.constant 1 : i32
        %sub3A_106 = arith.subi %mul3A_67, %sub3A : i32
        %dma_wait3A_107 = arith.constant 0 : i32
        %dma_wait3A_108 = tpu.memref_slice %arg8[%sub3A_106, %dma_wait3A_107] : memref<40x128xi32, #tpu.memory_space<vmem>> -> memref<1x128xi32, #tpu.memory_space<vmem>>
        %dma_wait3A_109 = tpu.memref_squeeze %dma_wait3A_108 : memref<1x128xi32, #tpu.memory_space<vmem>> -> memref<128xi32, #tpu.memory_space<vmem>>
        %dma_wait3A_110 = arith.constant 0 : i32
        %dma_wait3A_111 = arith.constant 0 : i32
        %dma_wait3A_112 = tpu.memref_slice %arg11[%dma_wait3A_110, %dma_wait3A_111] : memref<10240x128xf32, #tpu.memory_space<vmem_shared>> -> memref<10240x128xf32, #tpu.memory_space<vmem_shared>>
        tpu.wait_indirect_dma semaphore(%arg14 : memref<!tpu.dma_semaphore, #tpu.memory_space<semaphore_mem>>) src(%arg10 : memref<128x128xf32, #tpu.memory_space<vmem>>) dst(%dma_wait3A_112 : memref<10240x128xf32, #tpu.memory_space<vmem_shared>>)
      } else {
      }
      %add3A_72 = arith.constant 1 : i32
      %add3A_73 = arith.addi %mul3A_67, %add3A_72 : i32
      %dma_start3A_74 = arith.constant 0 : i32
      %dma_start3A_75 = tpu.memref_slice %arg7[%add3A_73, %dma_start3A_74] : memref<40x128xi32, #tpu.memory_space<vmem>> -> memref<1x128xi32, #tpu.memory_space<vmem>>
      %dma_start3A_76 = tpu.memref_squeeze %dma_start3A_75 : memref<1x128xi32, #tpu.memory_space<vmem>> -> memref<128xi32, #tpu.memory_space<vmem>>
      %dma_start3A_77 = arith.constant 0 : i32
      %dma_start3A_78 = arith.constant 0 : i32
      %dma_start3A_79 = tpu.memref_slice %arg2[%dma_start3A_77, %dma_start3A_78] : memref<10240x128xf32, #tpu.memory_space<hbm>> -> memref<10240x128xf32, #tpu.memory_space<hbm>>
      tpu.enqueue_indirect_dma source(%dma_start3A_79 : memref<10240x128xf32, #tpu.memory_space<hbm>>) target(%arg10 : memref<128x128xf32, #tpu.memory_space<vmem>>) offsets(%dma_start3A_76 : memref<128xi32, #tpu.memory_space<vmem>>) semaphore(%arg13 : memref<!tpu.dma_semaphore, #tpu.memory_space<semaphore_mem>>)
      %dma_wait3A_80 = arith.constant 0 : i32
      %dma_wait3A_81 = tpu.memref_slice %arg7[%mul3A_67, %dma_wait3A_80] : memref<40x128xi32, #tpu.memory_space<vmem>> -> memref<1x128xi32, #tpu.memory_space<vmem>>
      %dma_wait3A_82 = tpu.memref_squeeze %dma_wait3A_81 : memref<1x128xi32, #tpu.memory_space<vmem>> -> memref<128xi32, #tpu.memory_space<vmem>>
      %dma_wait3A_83 = arith.constant 0 : i32
      %dma_wait3A_84 = arith.constant 0 : i32
      %dma_wait3A_85 = tpu.memref_slice %arg2[%dma_wait3A_83, %dma_wait3A_84] : memref<10240x128xf32, #tpu.memory_space<hbm>> -> memref<10240x128xf32, #tpu.memory_space<hbm>>
      tpu.wait_indirect_dma semaphore(%arg12 : memref<!tpu.dma_semaphore, #tpu.memory_space<semaphore_mem>>) src(%dma_wait3A_85 : memref<10240x128xf32, #tpu.memory_space<hbm>>) dst(%arg9 : memref<128x128xf32, #tpu.memory_space<vmem>>)
      "tpu.region"() ({
        %run_scoped3A = tpu.sem_alloc : memref<!tpu.dma_semaphore, #tpu.memory_space<semaphore_mem>>
        %dma_start3A_106 = arith.constant 0 : i32
        %dma_start3A_107 = tpu.memref_slice %arg8[%mul3A_67, %dma_start3A_106] : memref<40x128xi32, #tpu.memory_space<vmem>> -> memref<1x128xi32, #tpu.memory_space<vmem>>
        %dma_start3A_108 = tpu.memref_squeeze %dma_start3A_107 : memref<1x128xi32, #tpu.memory_space<vmem>> -> memref<128xi32, #tpu.memory_space<vmem>>
        %dma_start3A_109 = arith.constant 0 : i32
        %dma_start3A_110 = arith.constant 0 : i32
        %dma_start3A_111 = tpu.memref_slice %arg11[%dma_start3A_109, %dma_start3A_110] : memref<10240x128xf32, #tpu.memory_space<vmem_shared>> -> memref<10240x128xf32, #tpu.memory_space<vmem_shared>>
        tpu.enqueue_indirect_dma source(%arg9 : memref<128x128xf32, #tpu.memory_space<vmem>>) target(%dma_start3A_111 : memref<10240x128xf32, #tpu.memory_space<vmem_shared>>) offsets(%dma_start3A_108 : memref<128xi32, #tpu.memory_space<vmem>>) semaphore(%run_scoped3A : memref<!tpu.dma_semaphore, #tpu.memory_space<semaphore_mem>>) {add = true}
        %dma_wait3A_112 = arith.constant 0 : i32
        %dma_wait3A_113 = tpu.memref_slice %arg8[%mul3A_67, %dma_wait3A_112] : memref<40x128xi32, #tpu.memory_space<vmem>> -> memref<1x128xi32, #tpu.memory_space<vmem>>
        %dma_wait3A_114 = tpu.memref_squeeze %dma_wait3A_113 : memref<1x128xi32, #tpu.memory_space<vmem>> -> memref<128xi32, #tpu.memory_space<vmem>>
        %dma_wait3A_115 = arith.constant 0 : i32
        %dma_wait3A_116 = arith.constant 0 : i32
        %dma_wait3A_117 = tpu.memref_slice %arg11[%dma_wait3A_115, %dma_wait3A_116] : memref<10240x128xf32, #tpu.memory_space<vmem_shared>> -> memref<10240x128xf32, #tpu.memory_space<vmem_shared>>
        tpu.wait_indirect_dma semaphore(%run_scoped3A : memref<!tpu.dma_semaphore, #tpu.memory_space<semaphore_mem>>) src(%arg9 : memref<128x128xf32, #tpu.memory_space<vmem>>) dst(%dma_wait3A_117 : memref<10240x128xf32, #tpu.memory_space<vmem_shared>>)
        tpu.yield
      }) : () -> ()
      %lt3A = arith.constant 19 : i32
      %lt3A_86 = arith.cmpi slt, %scan3A_65, %lt3A : i32
      %convert_element_type3A_87 = arith.extui %lt3A_86 : i1 to i32
      %cond3A_88 = arith.constant 0 : i32
      %cond3A_89 = arith.cmpi ne, %convert_element_type3A_87, %cond3A_88 : i32
      scf.if %cond3A_89 {
        %add3A_106 = arith.constant 2 : i32
        %add3A_107 = arith.addi %mul3A_67, %add3A_106 : i32
        %dma_start3A_108 = arith.constant 0 : i32
        %dma_start3A_109 = tpu.memref_slice %arg7[%add3A_107, %dma_start3A_108] : memref<40x128xi32, #tpu.memory_space<vmem>> -> memref<1x128xi32, #tpu.memory_space<vmem>>
        %dma_start3A_110 = tpu.memref_squeeze %dma_start3A_109 : memref<1x128xi32, #tpu.memory_space<vmem>> -> memref<128xi32, #tpu.memory_space<vmem>>
        %dma_start3A_111 = arith.constant 0 : i32
        %dma_start3A_112 = arith.constant 0 : i32
        %dma_start3A_113 = tpu.memref_slice %arg2[%dma_start3A_111, %dma_start3A_112] : memref<10240x128xf32, #tpu.memory_space<hbm>> -> memref<10240x128xf32, #tpu.memory_space<hbm>>
        tpu.enqueue_indirect_dma source(%dma_start3A_113 : memref<10240x128xf32, #tpu.memory_space<hbm>>) target(%arg9 : memref<128x128xf32, #tpu.memory_space<vmem>>) offsets(%dma_start3A_110 : memref<128xi32, #tpu.memory_space<vmem>>) semaphore(%arg12 : memref<!tpu.dma_semaphore, #tpu.memory_space<semaphore_mem>>)
      } else {
      }
      %add3A_90 = arith.constant 1 : i32
      %add3A_91 = arith.addi %mul3A_67, %add3A_90 : i32
      %dma_wait3A_92 = arith.constant 0 : i32
      %dma_wait3A_93 = tpu.memref_slice %arg7[%add3A_91, %dma_wait3A_92] : memref<40x128xi32, #tpu.memory_space<vmem>> -> memref<1x128xi32, #tpu.memory_space<vmem>>
      %dma_wait3A_94 = tpu.memref_squeeze %dma_wait3A_93 : memref<1x128xi32, #tpu.memory_space<vmem>> -> memref<128xi32, #tpu.memory_space<vmem>>
      %dma_wait3A_95 = arith.constant 0 : i32
      %dma_wait3A_96 = arith.constant 0 : i32
      %dma_wait3A_97 = tpu.memref_slice %arg2[%dma_wait3A_95, %dma_wait3A_96] : memref<10240x128xf32, #tpu.memory_space<hbm>> -> memref<10240x128xf32, #tpu.memory_space<hbm>>
      tpu.wait_indirect_dma semaphore(%arg13 : memref<!tpu.dma_semaphore, #tpu.memory_space<semaphore_mem>>) src(%dma_wait3A_97 : memref<10240x128xf32, #tpu.memory_space<hbm>>) dst(%arg10 : memref<128x128xf32, #tpu.memory_space<vmem>>)
      %add3A_98 = arith.constant 1 : i32
      %add3A_99 = arith.addi %mul3A_67, %add3A_98 : i32
      %dma_start3A_100 = arith.constant 0 : i32
      %dma_start3A_101 = tpu.memref_slice %arg8[%add3A_99, %dma_start3A_100] : memref<40x128xi32, #tpu.memory_space<vmem>> -> memref<1x128xi32, #tpu.memory_space<vmem>>
      %dma_start3A_102 = tpu.memref_squeeze %dma_start3A_101 : memref<1x128xi32, #tpu.memory_space<vmem>> -> memref<128xi32, #tpu.memory_space<vmem>>
      %dma_start3A_103 = arith.constant 0 : i32
      %dma_start3A_104 = arith.constant 0 : i32
      %dma_start3A_105 = tpu.memref_slice %arg11[%dma_start3A_103, %dma_start3A_104] : memref<10240x128xf32, #tpu.memory_space<vmem_shared>> -> memref<10240x128xf32, #tpu.memory_space<vmem_shared>>
      tpu.enqueue_indirect_dma source(%arg10 : memref<128x128xf32, #tpu.memory_space<vmem>>) target(%dma_start3A_105 : memref<10240x128xf32, #tpu.memory_space<vmem_shared>>) offsets(%dma_start3A_102 : memref<128xi32, #tpu.memory_space<vmem>>) semaphore(%arg14 : memref<!tpu.dma_semaphore, #tpu.memory_space<semaphore_mem>>) {add = true}
    }
    %scan3A_52 = arith.constant 20 : i32
    %dma_wait3A_53 = arith.constant 39 : i32
    %dma_wait3A_54 = arith.constant 0 : i32
    %dma_wait3A_55 = tpu.memref_slice %arg8[%dma_wait3A_53, %dma_wait3A_54] : memref<40x128xi32, #tpu.memory_space<vmem>> -> memref<1x128xi32, #tpu.memory_space<vmem>>
    %dma_wait3A_56 = tpu.memref_squeeze %dma_wait3A_55 : memref<1x128xi32, #tpu.memory_space<vmem>> -> memref<128xi32, #tpu.memory_space<vmem>>
    %dma_wait3A_57 = arith.constant 0 : i32
    %dma_wait3A_58 = arith.constant 0 : i32
    %dma_wait3A_59 = tpu.memref_slice %arg11[%dma_wait3A_57, %dma_wait3A_58] : memref<10240x128xf32, #tpu.memory_space<vmem_shared>> -> memref<10240x128xf32, #tpu.memory_space<vmem_shared>>
    tpu.wait_indirect_dma semaphore(%arg14 : memref<!tpu.dma_semaphore, #tpu.memory_space<semaphore_mem>>) src(%arg10 : memref<128x128xf32, #tpu.memory_space<vmem>>) dst(%dma_wait3A_59 : memref<10240x128xf32, #tpu.memory_space<vmem_shared>>)
    %barrier3A_60 = arith.constant 0 : index
    tpu.barrier barrier_id(%barrier3A_60)
    %mul3A_61 = arith.constant 640 : i32
    %mul3A_62 = arith.muli %arg1, %mul3A_61 : i32
    %mul3A_63 = arith.constant 640 : i32
    %mul3A_64 = arith.muli %arg1, %mul3A_63 : i32
    "tpu.region"() ({
      %run_scoped3A = tpu.sem_alloc : memref<!tpu.dma_semaphore, #tpu.memory_space<semaphore_mem>>
      %dma_start3A_65 = arith.constant 0 : i32
      %dma_start3A_66 = tpu.memref_slice %arg6[%arg0, %mul3A_64, %dma_start3A_65] : memref<2x10240x128xf32, #tpu.memory_space<hbm>> -> memref<1x640x128xf32, #tpu.memory_space<hbm>>
      %dma_start3A_67 = tpu.memref_squeeze %dma_start3A_66 : memref<1x640x128xf32, #tpu.memory_space<hbm>> -> memref<640x128xf32, #tpu.memory_space<hbm>>
      %dma_start3A_68 = arith.constant 0 : i32
      %dma_start3A_69 = tpu.memref_slice %arg11[%mul3A_62, %dma_start3A_68] : memref<10240x128xf32, #tpu.memory_space<vmem_shared>> -> memref<640x128xf32, #tpu.memory_space<vmem_shared>>
      tpu.enqueue_dma source(%dma_start3A_69 : memref<640x128xf32, #tpu.memory_space<vmem_shared>>) target(%dma_start3A_67 : memref<640x128xf32, #tpu.memory_space<hbm>>) target_semaphore(%run_scoped3A : memref<!tpu.dma_semaphore, #tpu.memory_space<semaphore_mem>>)
      %dma_wait3A_70 = arith.constant 0 : i32
      %dma_wait3A_71 = tpu.memref_slice %arg6[%arg0, %mul3A_64, %dma_wait3A_70] : memref<2x10240x128xf32, #tpu.memory_space<hbm>> -> memref<1x640x128xf32, #tpu.memory_space<hbm>>
      %dma_wait3A_72 = tpu.memref_squeeze %dma_wait3A_71 : memref<1x640x128xf32, #tpu.memory_space<hbm>> -> memref<640x128xf32, #tpu.memory_space<hbm>>
      %dma_wait3A_73 = arith.constant 0 : i32
      %dma_wait3A_74 = tpu.memref_slice %arg11[%mul3A_62, %dma_wait3A_73] : memref<10240x128xf32, #tpu.memory_space<vmem_shared>> -> memref<640x128xf32, #tpu.memory_space<vmem_shared>>
      tpu.wait_dma2 semaphore(%run_scoped3A : memref<!tpu.dma_semaphore, #tpu.memory_space<semaphore_mem>>) src(%dma_wait3A_74 : memref<640x128xf32, #tpu.memory_space<vmem_shared>>) dst(%dma_wait3A_72 : memref<640x128xf32, #tpu.memory_space<hbm>>)
      tpu.yield
    }) : () -> ()
    return
  }
}

module attributes {stable_mosaic.version = 14 : i64} {
  func.func @_tc_stage2_body(%arg0: i32, %arg1: memref<2x8x128xf32, #tpu.memory_space<vmem>>, %arg2: memref<2x1024x128xf32, #tpu.memory_space<vmem>>, %arg3: memref<1x128xf32, #tpu.memory_space<vmem>>, %arg4: memref<1x128xf32, #tpu.memory_space<vmem>>, %arg5: memref<1x128xf32, #tpu.memory_space<vmem>>, %arg6: memref<1x128xf32, #tpu.memory_space<vmem>>, %arg7: memref<1x128xf32, #tpu.memory_space<vmem>>, %arg8: memref<128x128xf32, #tpu.memory_space<vmem>>, %arg9: memref<1024x128xf32, #tpu.memory_space<vmem>>) attributes {dimension_semantics = [#tpu.dimension_semantics<arbitrary>], iteration_bounds = array<i64: 10>, scalar_prefetch = 0 : i64, scratch_operands = 0 : i64, tpu.core_type = #tpu.core_type<tc>, window_params = [{transform_indices = @transform_0, window_bounds = array<i64: 2, 8, 128>}, {transform_indices = @transform_1, window_bounds = array<i64: 2, 1024, 128>}, {pipeline_mode = #tpu.pipeline_mode<synchronous>, transform_indices = @transform_2, window_bounds = array<i64: 1, 128>}, {pipeline_mode = #tpu.pipeline_mode<synchronous>, transform_indices = @transform_3, window_bounds = array<i64: 1, 128>}, {pipeline_mode = #tpu.pipeline_mode<synchronous>, transform_indices = @transform_4, window_bounds = array<i64: 1, 128>}, {pipeline_mode = #tpu.pipeline_mode<synchronous>, transform_indices = @transform_5, window_bounds = array<i64: 1, 128>}, {pipeline_mode = #tpu.pipeline_mode<synchronous>, transform_indices = @transform_6, window_bounds = array<i64: 1, 128>}, {pipeline_mode = #tpu.pipeline_mode<synchronous>, transform_indices = @transform_7, window_bounds = array<i64: 128, 128>}, {transform_indices = @transform_8, window_bounds = array<i64: 1024, 128>}]} {
    %get3A = arith.constant 0 : index
    %get3A_0 = arith.constant 0 : index
    %get3A_1 = arith.constant 0 : index
    %get3A_2 = vector.load %arg1[%get3A, %get3A_0, %get3A_1] : memref<2x8x128xf32, #tpu.memory_space<vmem>>, vector<1x8x128xf32>
    %get3A_3 = vector.shape_cast %get3A_2 : vector<1x8x128xf32> to vector<8x128xf32>
    %get3A_4 = arith.constant 1 : index
    %get3A_5 = arith.constant 0 : index
    %get3A_6 = arith.constant 0 : index
    %get3A_7 = vector.load %arg1[%get3A_4, %get3A_5, %get3A_6] : memref<2x8x128xf32, #tpu.memory_space<vmem>>, vector<1x8x128xf32>
    %get3A_8 = vector.shape_cast %get3A_7 : vector<1x8x128xf32> to vector<8x128xf32>
    %add3A = arith.addf %get3A_3, %get3A_8 : vector<8x128xf32>
    %slice3A = vector.extract_strided_slice %add3A {offsets = [0, 0], sizes = [1, 128], strides = [1, 1]} : vector<8x128xf32> to vector<1x128xf32>
    %broadcast_in_dim3A = vector.shape_cast %slice3A : vector<1x128xf32> to vector<1x128xf32>
    %broadcast_in_dim3A_9 = vector.broadcast %broadcast_in_dim3A : vector<1x128xf32> to vector<128x128xf32>
    %slice3A_10 = vector.extract_strided_slice %add3A {offsets = [1, 0], sizes = [1, 128], strides = [1, 1]} : vector<8x128xf32> to vector<1x128xf32>
    %broadcast_in_dim3A_11 = vector.shape_cast %slice3A_10 : vector<1x128xf32> to vector<1x128xf32>
    %broadcast_in_dim3A_12 = vector.broadcast %broadcast_in_dim3A_11 : vector<1x128xf32> to vector<128x128xf32>
    %slice3A_13 = vector.extract_strided_slice %add3A {offsets = [2, 0], sizes = [1, 128], strides = [1, 1]} : vector<8x128xf32> to vector<1x128xf32>
    %broadcast_in_dim3A_14 = vector.shape_cast %slice3A_13 : vector<1x128xf32> to vector<1x128xf32>
    %broadcast_in_dim3A_15 = vector.broadcast %broadcast_in_dim3A_14 : vector<1x128xf32> to vector<128x128xf32>
    %slice3A_16 = vector.extract_strided_slice %add3A {offsets = [3, 0], sizes = [1, 128], strides = [1, 1]} : vector<8x128xf32> to vector<1x128xf32>
    %broadcast_in_dim3A_17 = vector.shape_cast %slice3A_16 : vector<1x128xf32> to vector<1x128xf32>
    %broadcast_in_dim3A_18 = vector.broadcast %broadcast_in_dim3A_17 : vector<1x128xf32> to vector<128x128xf32>
    %slice3A_19 = vector.extract_strided_slice %add3A {offsets = [4, 0], sizes = [1, 128], strides = [1, 1]} : vector<8x128xf32> to vector<1x128xf32>
    %broadcast_in_dim3A_20 = vector.shape_cast %slice3A_19 : vector<1x128xf32> to vector<1x128xf32>
    %broadcast_in_dim3A_21 = vector.broadcast %broadcast_in_dim3A_20 : vector<1x128xf32> to vector<128x128xf32>
    %slice3A_22 = vector.extract_strided_slice %add3A {offsets = [5, 0], sizes = [1, 128], strides = [1, 1]} : vector<8x128xf32> to vector<1x128xf32>
    %broadcast_in_dim3A_23 = vector.shape_cast %slice3A_22 : vector<1x128xf32> to vector<1x128xf32>
    %broadcast_in_dim3A_24 = vector.broadcast %broadcast_in_dim3A_23 : vector<1x128xf32> to vector<128x128xf32>
    %slice3A_25 = vector.extract_strided_slice %add3A {offsets = [6, 0], sizes = [1, 128], strides = [1, 1]} : vector<8x128xf32> to vector<1x128xf32>
    %broadcast_in_dim3A_26 = vector.shape_cast %slice3A_25 : vector<1x128xf32> to vector<1x128xf32>
    %broadcast_in_dim3A_27 = vector.broadcast %broadcast_in_dim3A_26 : vector<1x128xf32> to vector<128x128xf32>
    %slice3A_28 = vector.extract_strided_slice %add3A {offsets = [7, 0], sizes = [1, 128], strides = [1, 1]} : vector<8x128xf32> to vector<1x128xf32>
    %broadcast_in_dim3A_29 = vector.shape_cast %slice3A_28 : vector<1x128xf32> to vector<1x128xf32>
    %broadcast_in_dim3A_30 = vector.broadcast %broadcast_in_dim3A_29 : vector<1x128xf32> to vector<128x128xf32>
    %concatenate3A = tpu.concatenate %broadcast_in_dim3A_9, %broadcast_in_dim3A_12, %broadcast_in_dim3A_15, %broadcast_in_dim3A_18, %broadcast_in_dim3A_21, %broadcast_in_dim3A_24, %broadcast_in_dim3A_27, %broadcast_in_dim3A_30 in 0 : vector<128x128xf32>, vector<128x128xf32>, vector<128x128xf32>, vector<128x128xf32>, vector<128x128xf32>, vector<128x128xf32>, vector<128x128xf32>, vector<128x128xf32> -> vector<1024x128xf32>
    %iota3A = tpu.iota {dimensions = array<i32: 0>} : vector<1024x128xi32>
    %iota3A_31 = tpu.iota {dimensions = array<i32: 1>} : vector<1024x128xi32>
    %jit3A = arith.constant 128 : i32
    %eq3A = arith.constant 0 : i32
    %eq3A_32 = arith.cmpi eq, %jit3A, %eq3A : i32
    %jit3A_33 = arith.constant 1 : i32
    %select_n3A = arith.select %eq3A_32, %jit3A_33, %jit3A : i32
    %rem3A = vector.broadcast %select_n3A : i32 to vector<1024x128xi32>
    %rem3A_34 = arith.remsi %iota3A, %rem3A : vector<1024x128xi32>
    %ne3A = arith.constant 0 : i32
    %ne3A_35 = vector.broadcast %ne3A : i32 to vector<1024x128xi32>
    %ne3A_36 = arith.cmpi ne, %rem3A_34, %ne3A_35 : vector<1024x128xi32>
    %lt3A = arith.constant 0 : i32
    %lt3A_37 = vector.broadcast %lt3A : i32 to vector<1024x128xi32>
    %lt3A_38 = arith.cmpi slt, %rem3A_34, %lt3A_37 : vector<1024x128xi32>
    %lt3A_39 = arith.constant 0 : i32
    %lt3A_40 = arith.cmpi slt, %select_n3A, %lt3A_39 : i32
    %ne3A_41 = vector.broadcast %lt3A_40 : i1 to vector<1024x128xi1>
    %ne3A_42 = vector.broadcast %ne3A_41 : vector<1024x128xi1> to vector<1024x128xi1>
    %ne3A_43 = arith.xori %lt3A_38, %ne3A_42 : vector<1024x128xi1>
    %and3A = arith.andi %ne3A_43, %ne3A_36 : vector<1024x128xi1>
    %add3A_44 = vector.broadcast %select_n3A : i32 to vector<1024x128xi32>
    %add3A_45 = arith.addi %rem3A_34, %add3A_44 : vector<1024x128xi32>
    %select_n3A_46 = arith.select %and3A, %add3A_45, %rem3A_34 : vector<1024x128xi1>, vector<1024x128xi32>
    %eq3A_47 = arith.cmpi eq, %select_n3A_46, %iota3A_31 : vector<1024x128xi32>
    %jit3A_48 = arith.constant 0.000000e+00 : f32
    %broadcast_in_dim3A_49 = vector.broadcast %jit3A_48 : f32 to vector<1024x128xf32>
    %select_n3A_50 = arith.select %eq3A_47, %concatenate3A, %broadcast_in_dim3A_49 : vector<1024x128xi1>, vector<1024x128xf32>
    %reduce_sum3A = arith.constant dense<0.000000e+00> : vector<1024xf32>
    %reduce_sum3A_51 = vector.multi_reduction <add>, %select_n3A_50, %reduce_sum3A [1] : vector<1024x128xf32> to vector<1024xf32>
    %broadcast_in_dim3A_52 = vector.shape_cast %reduce_sum3A_51 : vector<1024xf32> to vector<1024x1xf32>
    %add3A_53 = arith.constant 1.000000e+00 : f32
    %add3A_54 = vector.broadcast %add3A_53 : f32 to vector<1024x1xf32>
    %add3A_55 = arith.addf %broadcast_in_dim3A_52, %add3A_54 : vector<1024x1xf32>
    %rsqrt3A = math.rsqrt %add3A_55 : vector<1024x1xf32>
    %get3A_56 = arith.constant 0 : index
    %get3A_57 = arith.constant 0 : index
    %get3A_58 = arith.constant 0 : index
    %get3A_59 = vector.load %arg2[%get3A_56, %get3A_57, %get3A_58] : memref<2x1024x128xf32, #tpu.memory_space<vmem>>, vector<1x1024x128xf32>
    %get3A_60 = vector.shape_cast %get3A_59 : vector<1x1024x128xf32> to vector<1024x128xf32>
    %get3A_61 = arith.constant 1 : index
    %get3A_62 = arith.constant 0 : index
    %get3A_63 = arith.constant 0 : index
    %get3A_64 = vector.load %arg2[%get3A_61, %get3A_62, %get3A_63] : memref<2x1024x128xf32, #tpu.memory_space<vmem>>, vector<1x1024x128xf32>
    %get3A_65 = vector.shape_cast %get3A_64 : vector<1x1024x128xf32> to vector<1024x128xf32>
    %add3A_66 = arith.addf %get3A_60, %get3A_65 : vector<1024x128xf32>
    %mul3A = vector.broadcast %rsqrt3A : vector<1024x1xf32> to vector<1024x128xf32>
    %mul3A_67 = arith.mulf %mul3A, %add3A_66 : vector<1024x128xf32>
    %get3A_68 = arith.constant 0 : index
    %get3A_69 = arith.constant 0 : index
    %get3A_70 = vector.load %arg3[%get3A_68, %get3A_69] : memref<1x128xf32, #tpu.memory_space<vmem>>, vector<1x128xf32>
    %add3A_71 = vector.broadcast %get3A_70 : vector<1x128xf32> to vector<1024x128xf32>
    %add3A_72 = arith.addf %mul3A_67, %add3A_71 : vector<1024x128xf32>
    %get3A_73 = arith.constant 0 : index
    %get3A_74 = arith.constant 0 : index
    %get3A_75 = vector.load %arg4[%get3A_73, %get3A_74] : memref<1x128xf32, #tpu.memory_space<vmem>>, vector<1x128xf32>
    %get3A_76 = arith.constant 0 : index
    %get3A_77 = arith.constant 0 : index
    %get3A_78 = vector.load %arg7[%get3A_76, %get3A_77] : memref<1x128xf32, #tpu.memory_space<vmem>>, vector<1x128xf32>
    %add3A_79 = arith.constant 9.99999974E-6 : f32
    %add3A_80 = vector.broadcast %add3A_79 : f32 to vector<1x128xf32>
    %add3A_81 = arith.addf %get3A_78, %add3A_80 : vector<1x128xf32>
    %rsqrt3A_82 = math.rsqrt %add3A_81 : vector<1x128xf32>
    %mul3A_83 = arith.mulf %get3A_75, %rsqrt3A_82 : vector<1x128xf32>
    %get3A_84 = arith.constant 0 : index
    %get3A_85 = arith.constant 0 : index
    %get3A_86 = vector.load %arg6[%get3A_84, %get3A_85] : memref<1x128xf32, #tpu.memory_space<vmem>>, vector<1x128xf32>
    %sub3A = vector.broadcast %get3A_86 : vector<1x128xf32> to vector<1024x128xf32>
    %sub3A_87 = arith.subf %add3A_72, %sub3A : vector<1024x128xf32>
    %mul3A_88 = vector.broadcast %mul3A_83 : vector<1x128xf32> to vector<1024x128xf32>
    %mul3A_89 = arith.mulf %sub3A_87, %mul3A_88 : vector<1024x128xf32>
    %get3A_90 = arith.constant 0 : index
    %get3A_91 = arith.constant 0 : index
    %get3A_92 = vector.load %arg5[%get3A_90, %get3A_91] : memref<1x128xf32, #tpu.memory_space<vmem>>, vector<1x128xf32>
    %add3A_93 = vector.broadcast %get3A_92 : vector<1x128xf32> to vector<1024x128xf32>
    %add3A_94 = arith.addf %mul3A_89, %add3A_93 : vector<1024x128xf32>
    %gt3A = arith.constant 0.000000e+00 : f32
    %gt3A_95 = vector.broadcast %gt3A : f32 to vector<1024x128xf32>
    %gt3A_96 = arith.cmpf ogt, %add3A_94, %gt3A_95 : vector<1024x128xf32>
    %exp3A = math.exp %add3A_94 : vector<1024x128xf32>
    %sub3A_97 = arith.constant 1.000000e+00 : f32
    %sub3A_98 = vector.broadcast %sub3A_97 : f32 to vector<1024x128xf32>
    %sub3A_99 = arith.subf %exp3A, %sub3A_98 : vector<1024x128xf32>
    %select_n3A_100 = arith.select %gt3A_96, %add3A_94, %sub3A_99 : vector<1024x128xi1>, vector<1024x128xf32>
    %get3A_101 = arith.constant 0 : index
    %get3A_102 = arith.constant 0 : index
    %get3A_103 = vector.load %arg8[%get3A_101, %get3A_102] : memref<128x128xf32, #tpu.memory_space<vmem>>, vector<128x128xf32>
    %dot_general3A = arith.constant dense<0.000000e+00> : vector<1024x128xf32>
    %dot_general3A_104 = tpu.matmul %select_n3A_100, %get3A_103, %dot_general3A {dimension_numbers = #tpu.dot_dimension_numbers<[1], [0], [0], [1], [0, 0, 1, 1], [], []>, transpose_lhs_hint = false} : vector<1024x128xf32>, vector<128x128xf32>, vector<1024x128xf32> -> vector<1024x128xf32>
    %mul3A_105 = vector.broadcast %rsqrt3A : vector<1024x1xf32> to vector<1024x128xf32>
    %mul3A_106 = arith.mulf %dot_general3A_104, %mul3A_105 : vector<1024x128xf32>
    %swap3A = arith.constant 0 : index
    %swap3A_107 = arith.constant 0 : index
    %swap3A_108 = vector.load %arg9[%swap3A, %swap3A_107] : memref<1024x128xf32, #tpu.memory_space<vmem>>, vector<1024x128xf32>
    tpu.vector_store %arg9[%swap3A, %swap3A_107], %mul3A_106 {strides = array<i32>} : memref<1024x128xf32, #tpu.memory_space<vmem>>, vector<1024x128xf32>,
    return
  }
  func.func @transform_0(%arg0: i32) -> (i32, i32, i32) {
    %c0_i32 = arith.constant 0 : i32
    %c0_i32_0 = arith.constant 0 : i32
    %c0_i32_1 = arith.constant 0 : i32
    return %c0_i32, %arg0, %c0_i32_0 : i32, i32, i32
  }
  func.func @transform_1(%arg0: i32) -> (i32, i32, i32) {
    %c0_i32 = arith.constant 0 : i32
    %c0_i32_0 = arith.constant 0 : i32
    %c0_i32_1 = arith.constant 0 : i32
    return %c0_i32, %arg0, %c0_i32_0 : i32, i32, i32
  }
  func.func @transform_2(%arg0: i32) -> (i32, i32) {
    %c0_i32 = arith.constant 0 : i32
    %c0_i32_0 = arith.constant 0 : i32
    %c0_i32_1 = arith.constant 0 : i32
    return %c0_i32, %c0_i32_0 : i32, i32
  }
  func.func @transform_3(%arg0: i32) -> (i32, i32) {
    %c0_i32 = arith.constant 0 : i32
    %c0_i32_0 = arith.constant 0 : i32
    %c0_i32_1 = arith.constant 0 : i32
    return %c0_i32, %c0_i32_0 : i32, i32
  }
  func.func @transform_4(%arg0: i32) -> (i32, i32) {
    %c0_i32 = arith.constant 0 : i32
    %c0_i32_0 = arith.constant 0 : i32
    %c0_i32_1 = arith.constant 0 : i32
    return %c0_i32, %c0_i32_0 : i32, i32
  }
  func.func @transform_5(%arg0: i32) -> (i32, i32) {
    %c0_i32 = arith.constant 0 : i32
    %c0_i32_0 = arith.constant 0 : i32
    %c0_i32_1 = arith.constant 0 : i32
    return %c0_i32, %c0_i32_0 : i32, i32
  }
  func.func @transform_6(%arg0: i32) -> (i32, i32) {
    %c0_i32 = arith.constant 0 : i32
    %c0_i32_0 = arith.constant 0 : i32
    %c0_i32_1 = arith.constant 0 : i32
    return %c0_i32, %c0_i32_0 : i32, i32
  }
  func.func @transform_7(%arg0: i32) -> (i32, i32) {
    %c0_i32 = arith.constant 0 : i32
    %c0_i32_0 = arith.constant 0 : i32
    %c0_i32_1 = arith.constant 0 : i32
    return %c0_i32, %c0_i32_0 : i32, i32
  }
  func.func @transform_8(%arg0: i32) -> (i32, i32) {
    %c0_i32 = arith.constant 0 : i32
    %c0_i32_0 = arith.constant 0 : i32
    return %arg0, %c0_i32 : i32, i32
  }
}

module attributes {stable_mosaic.version = 14 : i64} {
  func.func @_tc_stage1_body(%arg0: i32, %arg1: memref<2x8x128xf32, #tpu.memory_space<vmem>>, %arg2: memref<1024x128xf32, #tpu.memory_space<vmem>>, %arg3: memref<128x128xf32, #tpu.memory_space<vmem>>, %arg4: memref<1024x128xf32, #tpu.memory_space<vmem>>) attributes {dimension_semantics = [#tpu.dimension_semantics<arbitrary>], iteration_bounds = array<i64: 10>, scalar_prefetch = 0 : i64, scratch_operands = 0 : i64, tpu.core_type = #tpu.core_type<tc>, window_params = [{transform_indices = @transform_0, window_bounds = array<i64: 2, 8, 128>}, {transform_indices = @transform_1, window_bounds = array<i64: 1024, 128>}, {pipeline_mode = #tpu.pipeline_mode<synchronous>, transform_indices = @transform_2, window_bounds = array<i64: 128, 128>}, {transform_indices = @transform_3, window_bounds = array<i64: 1024, 128>}]} {
    %get3A = arith.constant 0 : index
    %get3A_0 = arith.constant 0 : index
    %get3A_1 = arith.constant 0 : index
    %get3A_2 = vector.load %arg1[%get3A, %get3A_0, %get3A_1] : memref<2x8x128xf32, #tpu.memory_space<vmem>>, vector<1x8x128xf32>
    %get3A_3 = vector.shape_cast %get3A_2 : vector<1x8x128xf32> to vector<8x128xf32>
    %get3A_4 = arith.constant 1 : index
    %get3A_5 = arith.constant 0 : index
    %get3A_6 = arith.constant 0 : index
    %get3A_7 = vector.load %arg1[%get3A_4, %get3A_5, %get3A_6] : memref<2x8x128xf32, #tpu.memory_space<vmem>>, vector<1x8x128xf32>
    %get3A_8 = vector.shape_cast %get3A_7 : vector<1x8x128xf32> to vector<8x128xf32>
    %add3A = arith.addf %get3A_3, %get3A_8 : vector<8x128xf32>
    %slice3A = vector.extract_strided_slice %add3A {offsets = [0, 0], sizes = [1, 128], strides = [1, 1]} : vector<8x128xf32> to vector<1x128xf32>
    %broadcast_in_dim3A = vector.shape_cast %slice3A : vector<1x128xf32> to vector<1x128xf32>
    %broadcast_in_dim3A_9 = vector.broadcast %broadcast_in_dim3A : vector<1x128xf32> to vector<128x128xf32>
    %slice3A_10 = vector.extract_strided_slice %add3A {offsets = [1, 0], sizes = [1, 128], strides = [1, 1]} : vector<8x128xf32> to vector<1x128xf32>
    %broadcast_in_dim3A_11 = vector.shape_cast %slice3A_10 : vector<1x128xf32> to vector<1x128xf32>
    %broadcast_in_dim3A_12 = vector.broadcast %broadcast_in_dim3A_11 : vector<1x128xf32> to vector<128x128xf32>
    %slice3A_13 = vector.extract_strided_slice %add3A {offsets = [2, 0], sizes = [1, 128], strides = [1, 1]} : vector<8x128xf32> to vector<1x128xf32>
    %broadcast_in_dim3A_14 = vector.shape_cast %slice3A_13 : vector<1x128xf32> to vector<1x128xf32>
    %broadcast_in_dim3A_15 = vector.broadcast %broadcast_in_dim3A_14 : vector<1x128xf32> to vector<128x128xf32>
    %slice3A_16 = vector.extract_strided_slice %add3A {offsets = [3, 0], sizes = [1, 128], strides = [1, 1]} : vector<8x128xf32> to vector<1x128xf32>
    %broadcast_in_dim3A_17 = vector.shape_cast %slice3A_16 : vector<1x128xf32> to vector<1x128xf32>
    %broadcast_in_dim3A_18 = vector.broadcast %broadcast_in_dim3A_17 : vector<1x128xf32> to vector<128x128xf32>
    %slice3A_19 = vector.extract_strided_slice %add3A {offsets = [4, 0], sizes = [1, 128], strides = [1, 1]} : vector<8x128xf32> to vector<1x128xf32>
    %broadcast_in_dim3A_20 = vector.shape_cast %slice3A_19 : vector<1x128xf32> to vector<1x128xf32>
    %broadcast_in_dim3A_21 = vector.broadcast %broadcast_in_dim3A_20 : vector<1x128xf32> to vector<128x128xf32>
    %slice3A_22 = vector.extract_strided_slice %add3A {offsets = [5, 0], sizes = [1, 128], strides = [1, 1]} : vector<8x128xf32> to vector<1x128xf32>
    %broadcast_in_dim3A_23 = vector.shape_cast %slice3A_22 : vector<1x128xf32> to vector<1x128xf32>
    %broadcast_in_dim3A_24 = vector.broadcast %broadcast_in_dim3A_23 : vector<1x128xf32> to vector<128x128xf32>
    %slice3A_25 = vector.extract_strided_slice %add3A {offsets = [6, 0], sizes = [1, 128], strides = [1, 1]} : vector<8x128xf32> to vector<1x128xf32>
    %broadcast_in_dim3A_26 = vector.shape_cast %slice3A_25 : vector<1x128xf32> to vector<1x128xf32>
    %broadcast_in_dim3A_27 = vector.broadcast %broadcast_in_dim3A_26 : vector<1x128xf32> to vector<128x128xf32>
    %slice3A_28 = vector.extract_strided_slice %add3A {offsets = [7, 0], sizes = [1, 128], strides = [1, 1]} : vector<8x128xf32> to vector<1x128xf32>
    %broadcast_in_dim3A_29 = vector.shape_cast %slice3A_28 : vector<1x128xf32> to vector<1x128xf32>
    %broadcast_in_dim3A_30 = vector.broadcast %broadcast_in_dim3A_29 : vector<1x128xf32> to vector<128x128xf32>
    %concatenate3A = tpu.concatenate %broadcast_in_dim3A_9, %broadcast_in_dim3A_12, %broadcast_in_dim3A_15, %broadcast_in_dim3A_18, %broadcast_in_dim3A_21, %broadcast_in_dim3A_24, %broadcast_in_dim3A_27, %broadcast_in_dim3A_30 in 0 : vector<128x128xf32>, vector<128x128xf32>, vector<128x128xf32>, vector<128x128xf32>, vector<128x128xf32>, vector<128x128xf32>, vector<128x128xf32>, vector<128x128xf32> -> vector<1024x128xf32>
    %iota3A = tpu.iota {dimensions = array<i32: 0>} : vector<1024x128xi32>
    %iota3A_31 = tpu.iota {dimensions = array<i32: 1>} : vector<1024x128xi32>
    %jit3A = arith.constant 128 : i32
    %eq3A = arith.constant 0 : i32
    %eq3A_32 = arith.cmpi eq, %jit3A, %eq3A : i32
    %jit3A_33 = arith.constant 1 : i32
    %select_n3A = arith.select %eq3A_32, %jit3A_33, %jit3A : i32
    %rem3A = vector.broadcast %select_n3A : i32 to vector<1024x128xi32>
    %rem3A_34 = arith.remsi %iota3A, %rem3A : vector<1024x128xi32>
    %ne3A = arith.constant 0 : i32
    %ne3A_35 = vector.broadcast %ne3A : i32 to vector<1024x128xi32>
    %ne3A_36 = arith.cmpi ne, %rem3A_34, %ne3A_35 : vector<1024x128xi32>
    %lt3A = arith.constant 0 : i32
    %lt3A_37 = vector.broadcast %lt3A : i32 to vector<1024x128xi32>
    %lt3A_38 = arith.cmpi slt, %rem3A_34, %lt3A_37 : vector<1024x128xi32>
    %lt3A_39 = arith.constant 0 : i32
    %lt3A_40 = arith.cmpi slt, %select_n3A, %lt3A_39 : i32
    %ne3A_41 = vector.broadcast %lt3A_40 : i1 to vector<1024x128xi1>
    %ne3A_42 = vector.broadcast %ne3A_41 : vector<1024x128xi1> to vector<1024x128xi1>
    %ne3A_43 = arith.xori %lt3A_38, %ne3A_42 : vector<1024x128xi1>
    %and3A = arith.andi %ne3A_43, %ne3A_36 : vector<1024x128xi1>
    %add3A_44 = vector.broadcast %select_n3A : i32 to vector<1024x128xi32>
    %add3A_45 = arith.addi %rem3A_34, %add3A_44 : vector<1024x128xi32>
    %select_n3A_46 = arith.select %and3A, %add3A_45, %rem3A_34 : vector<1024x128xi1>, vector<1024x128xi32>
    %eq3A_47 = arith.cmpi eq, %select_n3A_46, %iota3A_31 : vector<1024x128xi32>
    %jit3A_48 = arith.constant 0.000000e+00 : f32
    %broadcast_in_dim3A_49 = vector.broadcast %jit3A_48 : f32 to vector<1024x128xf32>
    %select_n3A_50 = arith.select %eq3A_47, %concatenate3A, %broadcast_in_dim3A_49 : vector<1024x128xi1>, vector<1024x128xf32>
    %reduce_sum3A = arith.constant dense<0.000000e+00> : vector<1024xf32>
    %reduce_sum3A_51 = vector.multi_reduction <add>, %select_n3A_50, %reduce_sum3A [1] : vector<1024x128xf32> to vector<1024xf32>
    %broadcast_in_dim3A_52 = vector.shape_cast %reduce_sum3A_51 : vector<1024xf32> to vector<1024x1xf32>
    %add3A_53 = arith.constant 1.000000e+00 : f32
    %add3A_54 = vector.broadcast %add3A_53 : f32 to vector<1024x1xf32>
    %add3A_55 = arith.addf %broadcast_in_dim3A_52, %add3A_54 : vector<1024x1xf32>
    %rsqrt3A = math.rsqrt %add3A_55 : vector<1024x1xf32>
    %get3A_56 = arith.constant 0 : index
    %get3A_57 = arith.constant 0 : index
    %get3A_58 = vector.load %arg2[%get3A_56, %get3A_57] : memref<1024x128xf32, #tpu.memory_space<vmem>>, vector<1024x128xf32>
    %get3A_59 = arith.constant 0 : index
    %get3A_60 = arith.constant 0 : index
    %get3A_61 = vector.load %arg3[%get3A_59, %get3A_60] : memref<128x128xf32, #tpu.memory_space<vmem>>, vector<128x128xf32>
    %dot_general3A = arith.constant dense<0.000000e+00> : vector<1024x128xf32>
    %dot_general3A_62 = tpu.matmul %get3A_58, %get3A_61, %dot_general3A {dimension_numbers = #tpu.dot_dimension_numbers<[1], [0], [0], [1], [0, 0, 1, 1], [], []>, transpose_lhs_hint = false} : vector<1024x128xf32>, vector<128x128xf32>, vector<1024x128xf32> -> vector<1024x128xf32>
    %mul3A = vector.broadcast %rsqrt3A : vector<1024x1xf32> to vector<1024x128xf32>
    %mul3A_63 = arith.mulf %dot_general3A_62, %mul3A : vector<1024x128xf32>
    %swap3A = arith.constant 0 : index
    %swap3A_64 = arith.constant 0 : index
    %swap3A_65 = vector.load %arg4[%swap3A, %swap3A_64] : memref<1024x128xf32, #tpu.memory_space<vmem>>, vector<1024x128xf32>
    tpu.vector_store %arg4[%swap3A, %swap3A_64], %mul3A_63 {strides = array<i32>} : memref<1024x128xf32, #tpu.memory_space<vmem>>, vector<1024x128xf32>,
    return
  }
  func.func @transform_0(%arg0: i32) -> (i32, i32, i32) {
    %c0_i32 = arith.constant 0 : i32
    %c0_i32_0 = arith.constant 0 : i32
    %c0_i32_1 = arith.constant 0 : i32
    return %c0_i32, %arg0, %c0_i32_0 : i32, i32, i32
  }
  func.func @transform_1(%arg0: i32) -> (i32, i32) {
    %c0_i32 = arith.constant 0 : i32
    %c0_i32_0 = arith.constant 0 : i32
    return %arg0, %c0_i32 : i32, i32
  }
  func.func @transform_2(%arg0: i32) -> (i32, i32) {
    %c0_i32 = arith.constant 0 : i32
    %c0_i32_0 = arith.constant 0 : i32
    %c0_i32_1 = arith.constant 0 : i32
    return %c0_i32, %c0_i32_0 : i32, i32
  }
  func.func @transform_3(%arg0: i32) -> (i32, i32) {
    %c0_i32 = arith.constant 0 : i32
    %c0_i32_0 = arith.constant 0 : i32
    return %arg0, %c0_i32 : i32, i32
  }
}

module attributes {stable_mosaic.version = 14 : i64} {
  func.func @_tc_stage3_body(%arg0: i32, %arg1: memref<2x8x128xf32, #tpu.memory_space<vmem>>, %arg2: memref<2x1024x128xf32, #tpu.memory_space<vmem>>, %arg3: memref<1x128xf32, #tpu.memory_space<vmem>>, %arg4: memref<8x128xi32, #tpu.memory_space<vmem>>, %arg5: memref<1024x128xf32, #tpu.memory_space<vmem>>, %arg6: memref<64x128xf32, #tpu.memory_space<vmem>>, %arg7: memref<64x128xf32, #tpu.memory_space<vmem>>, %arg8: memref<64x128xf32, #tpu.memory_space<vmem>>) attributes {dimension_semantics = [#tpu.dimension_semantics<arbitrary>], iteration_bounds = array<i64: 10>, scalar_prefetch = 0 : i64, scratch_operands = 2 : i64, tpu.core_type = #tpu.core_type<tc>, window_params = [{transform_indices = @transform_0, window_bounds = array<i64: 2, 8, 128>}, {transform_indices = @transform_1, window_bounds = array<i64: 2, 1024, 128>}, {pipeline_mode = #tpu.pipeline_mode<synchronous>, transform_indices = @transform_2, window_bounds = array<i64: 1, 128>}, {transform_indices = @transform_3, window_bounds = array<i64: 8, 128>}, {transform_indices = @transform_4, window_bounds = array<i64: 1024, 128>}, {pipeline_mode = #tpu.pipeline_mode<synchronous>, transform_indices = @transform_5, window_bounds = array<i64: 64, 128>}]} {
    %get3A = arith.constant 0 : index
    %get3A_0 = arith.constant 0 : index
    %get3A_1 = arith.constant 0 : index
    %get3A_2 = vector.load %arg1[%get3A, %get3A_0, %get3A_1] : memref<2x8x128xf32, #tpu.memory_space<vmem>>, vector<1x8x128xf32>
    %get3A_3 = vector.shape_cast %get3A_2 : vector<1x8x128xf32> to vector<8x128xf32>
    %get3A_4 = arith.constant 1 : index
    %get3A_5 = arith.constant 0 : index
    %get3A_6 = arith.constant 0 : index
    %get3A_7 = vector.load %arg1[%get3A_4, %get3A_5, %get3A_6] : memref<2x8x128xf32, #tpu.memory_space<vmem>>, vector<1x8x128xf32>
    %get3A_8 = vector.shape_cast %get3A_7 : vector<1x8x128xf32> to vector<8x128xf32>
    %add3A = arith.addf %get3A_3, %get3A_8 : vector<8x128xf32>
    %slice3A = vector.extract_strided_slice %add3A {offsets = [0, 0], sizes = [1, 128], strides = [1, 1]} : vector<8x128xf32> to vector<1x128xf32>
    %broadcast_in_dim3A = vector.shape_cast %slice3A : vector<1x128xf32> to vector<1x128xf32>
    %broadcast_in_dim3A_9 = vector.broadcast %broadcast_in_dim3A : vector<1x128xf32> to vector<128x128xf32>
    %slice3A_10 = vector.extract_strided_slice %add3A {offsets = [1, 0], sizes = [1, 128], strides = [1, 1]} : vector<8x128xf32> to vector<1x128xf32>
    %broadcast_in_dim3A_11 = vector.shape_cast %slice3A_10 : vector<1x128xf32> to vector<1x128xf32>
    %broadcast_in_dim3A_12 = vector.broadcast %broadcast_in_dim3A_11 : vector<1x128xf32> to vector<128x128xf32>
    %slice3A_13 = vector.extract_strided_slice %add3A {offsets = [2, 0], sizes = [1, 128], strides = [1, 1]} : vector<8x128xf32> to vector<1x128xf32>
    %broadcast_in_dim3A_14 = vector.shape_cast %slice3A_13 : vector<1x128xf32> to vector<1x128xf32>
    %broadcast_in_dim3A_15 = vector.broadcast %broadcast_in_dim3A_14 : vector<1x128xf32> to vector<128x128xf32>
    %slice3A_16 = vector.extract_strided_slice %add3A {offsets = [3, 0], sizes = [1, 128], strides = [1, 1]} : vector<8x128xf32> to vector<1x128xf32>
    %broadcast_in_dim3A_17 = vector.shape_cast %slice3A_16 : vector<1x128xf32> to vector<1x128xf32>
    %broadcast_in_dim3A_18 = vector.broadcast %broadcast_in_dim3A_17 : vector<1x128xf32> to vector<128x128xf32>
    %slice3A_19 = vector.extract_strided_slice %add3A {offsets = [4, 0], sizes = [1, 128], strides = [1, 1]} : vector<8x128xf32> to vector<1x128xf32>
    %broadcast_in_dim3A_20 = vector.shape_cast %slice3A_19 : vector<1x128xf32> to vector<1x128xf32>
    %broadcast_in_dim3A_21 = vector.broadcast %broadcast_in_dim3A_20 : vector<1x128xf32> to vector<128x128xf32>
    %slice3A_22 = vector.extract_strided_slice %add3A {offsets = [5, 0], sizes = [1, 128], strides = [1, 1]} : vector<8x128xf32> to vector<1x128xf32>
    %broadcast_in_dim3A_23 = vector.shape_cast %slice3A_22 : vector<1x128xf32> to vector<1x128xf32>
    %broadcast_in_dim3A_24 = vector.broadcast %broadcast_in_dim3A_23 : vector<1x128xf32> to vector<128x128xf32>
    %slice3A_25 = vector.extract_strided_slice %add3A {offsets = [6, 0], sizes = [1, 128], strides = [1, 1]} : vector<8x128xf32> to vector<1x128xf32>
    %broadcast_in_dim3A_26 = vector.shape_cast %slice3A_25 : vector<1x128xf32> to vector<1x128xf32>
    %broadcast_in_dim3A_27 = vector.broadcast %broadcast_in_dim3A_26 : vector<1x128xf32> to vector<128x128xf32>
    %slice3A_28 = vector.extract_strided_slice %add3A {offsets = [7, 0], sizes = [1, 128], strides = [1, 1]} : vector<8x128xf32> to vector<1x128xf32>
    %broadcast_in_dim3A_29 = vector.shape_cast %slice3A_28 : vector<1x128xf32> to vector<1x128xf32>
    %broadcast_in_dim3A_30 = vector.broadcast %broadcast_in_dim3A_29 : vector<1x128xf32> to vector<128x128xf32>
    %concatenate3A = tpu.concatenate %broadcast_in_dim3A_9, %broadcast_in_dim3A_12, %broadcast_in_dim3A_15, %broadcast_in_dim3A_18, %broadcast_in_dim3A_21, %broadcast_in_dim3A_24, %broadcast_in_dim3A_27, %broadcast_in_dim3A_30 in 0 : vector<128x128xf32>, vector<128x128xf32>, vector<128x128xf32>, vector<128x128xf32>, vector<128x128xf32>, vector<128x128xf32>, vector<128x128xf32>, vector<128x128xf32> -> vector<1024x128xf32>
    %iota3A = tpu.iota {dimensions = array<i32: 0>} : vector<1024x128xi32>
    %iota3A_31 = tpu.iota {dimensions = array<i32: 1>} : vector<1024x128xi32>
    %jit3A = arith.constant 128 : i32
    %eq3A = arith.constant 0 : i32
    %eq3A_32 = arith.cmpi eq, %jit3A, %eq3A : i32
    %jit3A_33 = arith.constant 1 : i32
    %select_n3A = arith.select %eq3A_32, %jit3A_33, %jit3A : i32
    %rem3A = vector.broadcast %select_n3A : i32 to vector<1024x128xi32>
    %rem3A_34 = arith.remsi %iota3A, %rem3A : vector<1024x128xi32>
    %ne3A = arith.constant 0 : i32
    %ne3A_35 = vector.broadcast %ne3A : i32 to vector<1024x128xi32>
    %ne3A_36 = arith.cmpi ne, %rem3A_34, %ne3A_35 : vector<1024x128xi32>
    %lt3A = arith.constant 0 : i32
    %lt3A_37 = vector.broadcast %lt3A : i32 to vector<1024x128xi32>
    %lt3A_38 = arith.cmpi slt, %rem3A_34, %lt3A_37 : vector<1024x128xi32>
    %lt3A_39 = arith.constant 0 : i32
    %lt3A_40 = arith.cmpi slt, %select_n3A, %lt3A_39 : i32
    %ne3A_41 = vector.broadcast %lt3A_40 : i1 to vector<1024x128xi1>
    %ne3A_42 = vector.broadcast %ne3A_41 : vector<1024x128xi1> to vector<1024x128xi1>
    %ne3A_43 = arith.xori %lt3A_38, %ne3A_42 : vector<1024x128xi1>
    %and3A = arith.andi %ne3A_43, %ne3A_36 : vector<1024x128xi1>
    %add3A_44 = vector.broadcast %select_n3A : i32 to vector<1024x128xi32>
    %add3A_45 = arith.addi %rem3A_34, %add3A_44 : vector<1024x128xi32>
    %select_n3A_46 = arith.select %and3A, %add3A_45, %rem3A_34 : vector<1024x128xi1>, vector<1024x128xi32>
    %eq3A_47 = arith.cmpi eq, %select_n3A_46, %iota3A_31 : vector<1024x128xi32>
    %jit3A_48 = arith.constant 0.000000e+00 : f32
    %broadcast_in_dim3A_49 = vector.broadcast %jit3A_48 : f32 to vector<1024x128xf32>
    %select_n3A_50 = arith.select %eq3A_47, %concatenate3A, %broadcast_in_dim3A_49 : vector<1024x128xi1>, vector<1024x128xf32>
    %reduce_sum3A = arith.constant dense<0.000000e+00> : vector<1024xf32>
    %reduce_sum3A_51 = vector.multi_reduction <add>, %select_n3A_50, %reduce_sum3A [1] : vector<1024x128xf32> to vector<1024xf32>
    %broadcast_in_dim3A_52 = vector.shape_cast %reduce_sum3A_51 : vector<1024xf32> to vector<1024x1xf32>
    %add3A_53 = arith.constant 1.000000e+00 : f32
    %add3A_54 = vector.broadcast %add3A_53 : f32 to vector<1024x1xf32>
    %add3A_55 = arith.addf %broadcast_in_dim3A_52, %add3A_54 : vector<1024x1xf32>
    %rsqrt3A = math.rsqrt %add3A_55 : vector<1024x1xf32>
    %get3A_56 = arith.constant 0 : index
    %get3A_57 = arith.constant 0 : index
    %get3A_58 = arith.constant 0 : index
    %get3A_59 = vector.load %arg2[%get3A_56, %get3A_57, %get3A_58] : memref<2x1024x128xf32, #tpu.memory_space<vmem>>, vector<1x1024x128xf32>
    %get3A_60 = vector.shape_cast %get3A_59 : vector<1x1024x128xf32> to vector<1024x128xf32>
    %get3A_61 = arith.constant 1 : index
    %get3A_62 = arith.constant 0 : index
    %get3A_63 = arith.constant 0 : index
    %get3A_64 = vector.load %arg2[%get3A_61, %get3A_62, %get3A_63] : memref<2x1024x128xf32, #tpu.memory_space<vmem>>, vector<1x1024x128xf32>
    %get3A_65 = vector.shape_cast %get3A_64 : vector<1x1024x128xf32> to vector<1024x128xf32>
    %add3A_66 = arith.addf %get3A_60, %get3A_65 : vector<1024x128xf32>
    %mul3A = vector.broadcast %rsqrt3A : vector<1024x1xf32> to vector<1024x128xf32>
    %mul3A_67 = arith.mulf %mul3A, %add3A_66 : vector<1024x128xf32>
    %get3A_68 = arith.constant 0 : index
    %get3A_69 = arith.constant 0 : index
    %get3A_70 = vector.load %arg3[%get3A_68, %get3A_69] : memref<1x128xf32, #tpu.memory_space<vmem>>, vector<1x128xf32>
    %add3A_71 = vector.broadcast %get3A_70 : vector<1x128xf32> to vector<1024x128xf32>
    %add3A_72 = arith.addf %mul3A_67, %add3A_71 : vector<1024x128xf32>
    %swap3A = arith.constant 0 : index
    %swap3A_73 = arith.constant 0 : index
    %swap3A_74 = vector.load %arg5[%swap3A, %swap3A_73] : memref<1024x128xf32, #tpu.memory_space<vmem>>, vector<1024x128xf32>
    tpu.vector_store %arg5[%swap3A, %swap3A_73], %add3A_72 {strides = array<i32>} : memref<1024x128xf32, #tpu.memory_space<vmem>>, vector<1024x128xf32>,
    %get3A_75 = arith.constant 0 : index
    %get3A_76 = arith.constant 0 : index
    %get3A_77 = vector.load %arg4[%get3A_75, %get3A_76] : memref<8x128xi32, #tpu.memory_space<vmem>>, vector<8x128xi32>
    %slice3A_78 = vector.extract_strided_slice %get3A_77 {offsets = [0, 0], sizes = [1, 128], strides = [1, 1]} : vector<8x128xi32> to vector<1x128xi32>
    %broadcast_in_dim3A_79 = vector.shape_cast %slice3A_78 : vector<1x128xi32> to vector<1x128xi32>
    %broadcast_in_dim3A_80 = vector.broadcast %broadcast_in_dim3A_79 : vector<1x128xi32> to vector<128x128xi32>
    %slice3A_81 = vector.extract_strided_slice %get3A_77 {offsets = [1, 0], sizes = [1, 128], strides = [1, 1]} : vector<8x128xi32> to vector<1x128xi32>
    %broadcast_in_dim3A_82 = vector.shape_cast %slice3A_81 : vector<1x128xi32> to vector<1x128xi32>
    %broadcast_in_dim3A_83 = vector.broadcast %broadcast_in_dim3A_82 : vector<1x128xi32> to vector<128x128xi32>
    %slice3A_84 = vector.extract_strided_slice %get3A_77 {offsets = [2, 0], sizes = [1, 128], strides = [1, 1]} : vector<8x128xi32> to vector<1x128xi32>
    %broadcast_in_dim3A_85 = vector.shape_cast %slice3A_84 : vector<1x128xi32> to vector<1x128xi32>
    %broadcast_in_dim3A_86 = vector.broadcast %broadcast_in_dim3A_85 : vector<1x128xi32> to vector<128x128xi32>
    %slice3A_87 = vector.extract_strided_slice %get3A_77 {offsets = [3, 0], sizes = [1, 128], strides = [1, 1]} : vector<8x128xi32> to vector<1x128xi32>
    %broadcast_in_dim3A_88 = vector.shape_cast %slice3A_87 : vector<1x128xi32> to vector<1x128xi32>
    %broadcast_in_dim3A_89 = vector.broadcast %broadcast_in_dim3A_88 : vector<1x128xi32> to vector<128x128xi32>
    %slice3A_90 = vector.extract_strided_slice %get3A_77 {offsets = [4, 0], sizes = [1, 128], strides = [1, 1]} : vector<8x128xi32> to vector<1x128xi32>
    %broadcast_in_dim3A_91 = vector.shape_cast %slice3A_90 : vector<1x128xi32> to vector<1x128xi32>
    %broadcast_in_dim3A_92 = vector.broadcast %broadcast_in_dim3A_91 : vector<1x128xi32> to vector<128x128xi32>
    %slice3A_93 = vector.extract_strided_slice %get3A_77 {offsets = [5, 0], sizes = [1, 128], strides = [1, 1]} : vector<8x128xi32> to vector<1x128xi32>
    %broadcast_in_dim3A_94 = vector.shape_cast %slice3A_93 : vector<1x128xi32> to vector<1x128xi32>
    %broadcast_in_dim3A_95 = vector.broadcast %broadcast_in_dim3A_94 : vector<1x128xi32> to vector<128x128xi32>
    %slice3A_96 = vector.extract_strided_slice %get3A_77 {offsets = [6, 0], sizes = [1, 128], strides = [1, 1]} : vector<8x128xi32> to vector<1x128xi32>
    %broadcast_in_dim3A_97 = vector.shape_cast %slice3A_96 : vector<1x128xi32> to vector<1x128xi32>
    %broadcast_in_dim3A_98 = vector.broadcast %broadcast_in_dim3A_97 : vector<1x128xi32> to vector<128x128xi32>
    %slice3A_99 = vector.extract_strided_slice %get3A_77 {offsets = [7, 0], sizes = [1, 128], strides = [1, 1]} : vector<8x128xi32> to vector<1x128xi32>
    %broadcast_in_dim3A_100 = vector.shape_cast %slice3A_99 : vector<1x128xi32> to vector<1x128xi32>
    %broadcast_in_dim3A_101 = vector.broadcast %broadcast_in_dim3A_100 : vector<1x128xi32> to vector<128x128xi32>
    %concatenate3A_102 = tpu.concatenate %broadcast_in_dim3A_80, %broadcast_in_dim3A_83, %broadcast_in_dim3A_86, %broadcast_in_dim3A_89, %broadcast_in_dim3A_92, %broadcast_in_dim3A_95, %broadcast_in_dim3A_98, %broadcast_in_dim3A_101 in 0 : vector<128x128xi32>, vector<128x128xi32>, vector<128x128xi32>, vector<128x128xi32>, vector<128x128xi32>, vector<128x128xi32>, vector<128x128xi32>, vector<128x128xi32> -> vector<1024x128xi32>
    %iota3A_103 = tpu.iota {dimensions = array<i32: 0>} : vector<1024x128xi32>
    %iota3A_104 = tpu.iota {dimensions = array<i32: 1>} : vector<1024x128xi32>
    %jit3A_105 = arith.constant 128 : i32
    %eq3A_106 = arith.constant 0 : i32
    %eq3A_107 = arith.cmpi eq, %jit3A_105, %eq3A_106 : i32
    %jit3A_108 = arith.constant 1 : i32
    %select_n3A_109 = arith.select %eq3A_107, %jit3A_108, %jit3A_105 : i32
    %rem3A_110 = vector.broadcast %select_n3A_109 : i32 to vector<1024x128xi32>
    %rem3A_111 = arith.remsi %iota3A_103, %rem3A_110 : vector<1024x128xi32>
    %ne3A_112 = arith.constant 0 : i32
    %ne3A_113 = vector.broadcast %ne3A_112 : i32 to vector<1024x128xi32>
    %ne3A_114 = arith.cmpi ne, %rem3A_111, %ne3A_113 : vector<1024x128xi32>
    %lt3A_115 = arith.constant 0 : i32
    %lt3A_116 = vector.broadcast %lt3A_115 : i32 to vector<1024x128xi32>
    %lt3A_117 = arith.cmpi slt, %rem3A_111, %lt3A_116 : vector<1024x128xi32>
    %lt3A_118 = arith.constant 0 : i32
    %lt3A_119 = arith.cmpi slt, %select_n3A_109, %lt3A_118 : i32
    %ne3A_120 = vector.broadcast %lt3A_119 : i1 to vector<1024x128xi1>
    %ne3A_121 = vector.broadcast %ne3A_120 : vector<1024x128xi1> to vector<1024x128xi1>
    %ne3A_122 = arith.xori %lt3A_117, %ne3A_121 : vector<1024x128xi1>
    %and3A_123 = arith.andi %ne3A_122, %ne3A_114 : vector<1024x128xi1>
    %add3A_124 = vector.broadcast %select_n3A_109 : i32 to vector<1024x128xi32>
    %add3A_125 = arith.addi %rem3A_111, %add3A_124 : vector<1024x128xi32>
    %select_n3A_126 = arith.select %and3A_123, %add3A_125, %rem3A_111 : vector<1024x128xi1>, vector<1024x128xi32>
    %eq3A_127 = arith.cmpi eq, %select_n3A_126, %iota3A_104 : vector<1024x128xi32>
    %jit3A_128 = arith.constant 0 : i32
    %broadcast_in_dim3A_129 = vector.broadcast %jit3A_128 : i32 to vector<1024x128xi32>
    %select_n3A_130 = arith.select %eq3A_127, %concatenate3A_102, %broadcast_in_dim3A_129 : vector<1024x128xi1>, vector<1024x128xi32>
    %reduce_sum3A_131 = arith.constant dense<0> : vector<1024xi32>
    %reduce_sum3A_132 = vector.multi_reduction <add>, %select_n3A_130, %reduce_sum3A_131 [1] : vector<1024x128xi32> to vector<1024xi32>
    %broadcast_in_dim3A_133 = vector.shape_cast %reduce_sum3A_132 : vector<1024xi32> to vector<1024x1xi32>
    %iota3A_134 = tpu.iota {dimensions = array<i32: 1>} : vector<1024x64xi32>
    %eq3A_135 = vector.broadcast %broadcast_in_dim3A_133 : vector<1024x1xi32> to vector<1024x64xi32>
    %eq3A_136 = arith.cmpi eq, %iota3A_134, %eq3A_135 : vector<1024x64xi32>
    %jit3A_137 = arith.constant 1.000000e+00 : f32
    %jit3A_138 = arith.constant 0.000000e+00 : f32
    %broadcast_in_dim3A_139 = vector.broadcast %jit3A_137 : f32 to vector<1024x64xf32>
    %broadcast_in_dim3A_140 = vector.broadcast %jit3A_138 : f32 to vector<1024x64xf32>
    %select_n3A_141 = arith.select %eq3A_136, %broadcast_in_dim3A_139, %broadcast_in_dim3A_140 : vector<1024x64xi1>, vector<1024x64xf32>
    %dot_general3A = arith.constant dense<0.000000e+00> : vector<64x128xf32>
    %dot_general3A_142 = tpu.matmul %select_n3A_141, %add3A_72, %dot_general3A {dimension_numbers = #tpu.dot_dimension_numbers<[0], [0], [1], [1], [0, 1, 1, 1], [], []>, transpose_lhs_hint = false} : vector<1024x64xf32>, vector<1024x128xf32>, vector<64x128xf32> -> vector<64x128xf32>
    %broadcast_in_dim3A_143 = arith.constant 1.000000e+00 : f32
    %broadcast_in_dim3A_144 = vector.broadcast %broadcast_in_dim3A_143 : f32 to vector<1024x128xf32>
    %dot_general3A_145 = arith.constant dense<0.000000e+00> : vector<64x128xf32>
    %dot_general3A_146 = tpu.matmul %select_n3A_141, %broadcast_in_dim3A_144, %dot_general3A_145 {dimension_numbers = #tpu.dot_dimension_numbers<[0], [0], [1], [1], [0, 1, 1, 1], [], []>, transpose_lhs_hint = false} : vector<1024x64xf32>, vector<1024x128xf32>, vector<64x128xf32> -> vector<64x128xf32>
    %eq3A_147 = arith.constant 0 : i32
    %eq3A_148 = arith.cmpi eq, %arg0, %eq3A_147 : i32
    %convert_element_type3A = arith.extui %eq3A_148 : i1 to i32
    %cond3A = arith.constant 0 : i32
    %cond3A_149 = arith.cmpi ne, %convert_element_type3A, %cond3A : i32
    scf.if %cond3A_149 {
      %swap3A_165 = arith.constant 0 : index
      %swap3A_166 = arith.constant 0 : index
      %swap3A_167 = vector.load %arg7[%swap3A_165, %swap3A_166] : memref<64x128xf32, #tpu.memory_space<vmem>>, vector<64x128xf32>
      tpu.vector_store %arg7[%swap3A_165, %swap3A_166], %dot_general3A_142 {strides = array<i32>} : memref<64x128xf32, #tpu.memory_space<vmem>>, vector<64x128xf32>,
      %swap3A_168 = arith.constant 0 : index
      %swap3A_169 = arith.constant 0 : index
      %swap3A_170 = vector.load %arg8[%swap3A_168, %swap3A_169] : memref<64x128xf32, #tpu.memory_space<vmem>>, vector<64x128xf32>
      tpu.vector_store %arg8[%swap3A_168, %swap3A_169], %dot_general3A_146 {strides = array<i32>} : memref<64x128xf32, #tpu.memory_space<vmem>>, vector<64x128xf32>,
    } else {
    }
    %gt3A = arith.constant 0 : i32
    %gt3A_150 = arith.cmpi sgt, %arg0, %gt3A : i32
    %convert_element_type3A_151 = arith.extui %gt3A_150 : i1 to i32
    %cond3A_152 = arith.constant 0 : i32
    %cond3A_153 = arith.cmpi ne, %convert_element_type3A_151, %cond3A_152 : i32
    scf.if %cond3A_153 {
      %get3A_165 = arith.constant 0 : index
      %get3A_166 = arith.constant 0 : index
      %get3A_167 = vector.load %arg7[%get3A_165, %get3A_166] : memref<64x128xf32, #tpu.memory_space<vmem>>, vector<64x128xf32>
      %add3A_168 = arith.addf %get3A_167, %dot_general3A_142 : vector<64x128xf32>
      %swap3A_169 = arith.constant 0 : index
      %swap3A_170 = arith.constant 0 : index
      %swap3A_171 = vector.load %arg7[%swap3A_169, %swap3A_170] : memref<64x128xf32, #tpu.memory_space<vmem>>, vector<64x128xf32>
      tpu.vector_store %arg7[%swap3A_169, %swap3A_170], %add3A_168 {strides = array<i32>} : memref<64x128xf32, #tpu.memory_space<vmem>>, vector<64x128xf32>,
      %get3A_172 = arith.constant 0 : index
      %get3A_173 = arith.constant 0 : index
      %get3A_174 = vector.load %arg8[%get3A_172, %get3A_173] : memref<64x128xf32, #tpu.memory_space<vmem>>, vector<64x128xf32>
      %add3A_175 = arith.addf %get3A_174, %dot_general3A_146 : vector<64x128xf32>
      %swap3A_176 = arith.constant 0 : index
      %swap3A_177 = arith.constant 0 : index
      %swap3A_178 = vector.load %arg8[%swap3A_176, %swap3A_177] : memref<64x128xf32, #tpu.memory_space<vmem>>, vector<64x128xf32>
      tpu.vector_store %arg8[%swap3A_176, %swap3A_177], %add3A_175 {strides = array<i32>} : memref<64x128xf32, #tpu.memory_space<vmem>>, vector<64x128xf32>,
    } else {
    }
    %get3A_154 = arith.constant 0 : index
    %get3A_155 = arith.constant 0 : index
    %get3A_156 = vector.load %arg7[%get3A_154, %get3A_155] : memref<64x128xf32, #tpu.memory_space<vmem>>, vector<64x128xf32>
    %get3A_157 = arith.constant 0 : index
    %get3A_158 = arith.constant 0 : index
    %get3A_159 = vector.load %arg8[%get3A_157, %get3A_158] : memref<64x128xf32, #tpu.memory_space<vmem>>, vector<64x128xf32>
    %max3A = arith.constant 1.000000e+00 : f32
    %max3A_160 = vector.broadcast %max3A : f32 to vector<64x128xf32>
    %max3A_161 = arith.maximumf %get3A_159, %max3A_160 : vector<64x128xf32>
    %div3A = arith.divf %get3A_156, %max3A_161 : vector<64x128xf32>
    %swap3A_162 = arith.constant 0 : index
    %swap3A_163 = arith.constant 0 : index
    %swap3A_164 = vector.load %arg6[%swap3A_162, %swap3A_163] : memref<64x128xf32, #tpu.memory_space<vmem>>, vector<64x128xf32>
    tpu.vector_store %arg6[%swap3A_162, %swap3A_163], %div3A {strides = array<i32>} : memref<64x128xf32, #tpu.memory_space<vmem>>, vector<64x128xf32>,
    return
  }
  func.func @transform_0(%arg0: i32) -> (i32, i32, i32) {
    %c0_i32 = arith.constant 0 : i32
    %c0_i32_0 = arith.constant 0 : i32
    %c0_i32_1 = arith.constant 0 : i32
    return %c0_i32, %arg0, %c0_i32_0 : i32, i32, i32
  }
  func.func @transform_1(%arg0: i32) -> (i32, i32, i32) {
    %c0_i32 = arith.constant 0 : i32
    %c0_i32_0 = arith.constant 0 : i32
    %c0_i32_1 = arith.constant 0 : i32
    return %c0_i32, %arg0, %c0_i32_0 : i32, i32, i32
  }
  func.func @transform_2(%arg0: i32) -> (i32, i32) {
    %c0_i32 = arith.constant 0 : i32
    %c0_i32_0 = arith.constant 0 : i32
    %c0_i32_1 = arith.constant 0 : i32
    return %c0_i32, %c0_i32_0 : i32, i32
  }
  func.func @transform_3(%arg0: i32) -> (i32, i32) {
    %c0_i32 = arith.constant 0 : i32
    %c0_i32_0 = arith.constant 0 : i32
    return %arg0, %c0_i32 : i32, i32
  }
  func.func @transform_4(%arg0: i32) -> (i32, i32) {
    %c0_i32 = arith.constant 0 : i32
    %c0_i32_0 = arith.constant 0 : i32
    return %arg0, %c0_i32 : i32, i32
  }
  func.func @transform_5(%arg0: i32) -> (i32, i32) {
    %c0_i32 = arith.constant 0 : i32
    %c0_i32_0 = arith.constant 0 : i32
    %c0_i32_1 = arith.constant 0 : i32
    return %c0_i32, %c0_i32_0 : i32, i32
  }
}

</mosaic_0001>

<sc_bundles>
// kernel: kernel.11.cloned.1.call-start
scs
__scs_entry_jumppad:
0x0: {  	(pc) =	sbr.rel $0x88, $3  }
0x1: {  	(tag) =	ssettag $0x0;
	lr =	simm.s32 $0x1  }
0x2: {  	[smem:$0x3F96] =	sst lr;
	_ =	strace $0xD0000000  }
0x3: {  	_ = 	snop  }
0x4: {  	_ = 	snop  }
0x5: {  	_ = 	snop  }
0x6: {  	_ = 	snop  }
0x7: {  	_ = 	snop  }
__scs_overlays_trampoline_lowered:
0x8: {  	[smem:$0x3FA5] =	sst s0  }
0x9: {  	[smem:$0x3FA6] =	sst s1  }
0xa: {  	[smem:$0x3FA7] =	sst s2  }
0xb: {  	[smem:$0x3FA8] =	sst s3  }
0xc: {  	[smem:$0x3FA9] =	sst s4  }
0xd: {  	[smem:$0x3FAA] =	sst s5  }
0xe: {  	[smem:$0x3FAB] =	sst s6  }
0xf: {  	[smem:$0x3FAC] =	sst s7  }
0x10: {  	[smem:$0x3FAD] =	sst s8  }
0x11: {  	[smem:$0x3FAE] =	sst s9;
	s0 =	simm.s32 @!p0 $0x0  }
0x12: {  	s1 =	sld [smem:$0x3F94];
	s0 =	simm.s32 @p0 $0x1  }
0x13: {  	[smem:$0x3FAF] =	sst s0;
	s0 =	simm.s32 @!p1 $0x0  }
0x14: {  	s2 =	sld [smem:$0x3F93];
	s0 =	simm.s32 @p1 $0x1  }
0x15: {  	[smem:$0x3FB0] =	sst s0;
	s0 =	simm.s32 @!p2 $0x0  }
0x16: {  	s3 =	sld [smem:$0x3FDB];
	s0 =	simm.s32 @p2 $0x1  }
0x17: {  	s4 =	simm.s32 $0x1BF5;
	[smem:$0x3FB2] =	sst s0  }
0x18: {  	s0 =	sld [smem:$0x3F95];
	_ =	swait.ge [sflag:s4], $0x0  }
0x19: {  	s7 =	sld [smem:$0x3F96]  }
0x1a: {  	s8 =	sadd.s32 $0xFFFFE003, lr  }
0x1b: {  	s9 =	sadd.s32 $0xFFFFFEF7, lr;
	s5 =	simm.s32 $0xFFFFFFFF;
	p2 =	slt.u32 s8, $0xFFFFF086  }
0x1c: {  	p1 =	slt.u32 s9, $0xF7A;
	s5 =	simm.s32 @!p2 $0x0  }
0x1d: {  	s5 =	simm.s32 @p1 $0x1;
	p0 =	seq.s32 s7, s2  }
0x1e: {  	s7 =	smul.u32 @!p0 $0xF7A, s2;
	p2 =	seq.s32 @!p0 s5, $0x0  }
0x1f: {  	s9 =	smul.u32 $0xF7A, s1;
	s8 =	simm.s32 @!p0 $0x1BF5;
	p2 =	por !p2, p0  }
0x20: {  	[sflag:s8] =	ssyncset.s32 @!p0 $0xFFFFF086;
	s6 =	sadd.s32 @!p0 s3, s7;
	s7 =	simm.s32 @!p0 $0x108  }
0x21: {  	s3 =	sadd.s32 s3, s9;
	s6 =	sadd.s32 @!p0 $0x88, s6;
	s7 =	simm.s32 @p2 $0x1082  }
0x22: {  	[simem:s7], [sflag:s8] =	dma.local @!p0 [hbm:s6], $0xF7A  }
0x23: {  	s9 =	sor.u32 $0xD0000000, s2;
	s6 =	simm.s32 $0x108;
	_ =	swait.ge @!p0 [sflag:s8], $0x0  }
0x24: {  	s3 =	sadd.s32 $0x88, s3;
	s6 =	simm.s32 @!p1 $0x1082;
	[sflag:s4] =	ssyncset.s32 $0xFFFFF086  }
0x25: {  	[simem:s6], [sflag:s4] =	dma.local [hbm:s3], $0xF7A  }
0x26: {  	[smem:$0x3F96] =	sst s1;
	(tag) =	ssettag s2;
	_ =	strace s9  }
0x27: {  	s1 =	sld [smem:$0x3FA6]  }
0x28: {  	s2 =	sld [smem:$0x3FA7]  }
0x29: {  	s4 =	sld [smem:$0x3FA9]  }
0x2a: {  	p0 =	seq.s32 s5, $0x0;
	s5 =	sld [smem:$0x3FAA]  }
0x2b: {  	s6 =	sld [smem:$0x3FAB]  }
0x2c: {  	s7 =	sld [smem:$0x3FAC]  }
0x2d: {  	s3 =	simm.s32 $0x108;
	s8 =	sld [smem:$0x3FAD]  }
0x2e: {  	s3 =	simm.s32 @!p0 $0x1082;
	s9 =	sld [smem:$0x3FAE]  }
0x2f: {  	lr =	sadd.s32 s0, s3;
	s0 =	sld [smem:$0x3FA5]  }
0x30: {  	s3 =	sld [smem:$0x3FA8]  }
0x31: {  	[smem:$0x3FB1] =	sst s10  }
0x32: {  	s10 =	sld [smem:$0x3FAF];
	_ =	sdelay $0x3  }
0x33: {  	p0 =	seq.s32 s10, $0x1;
	s10 =	sld [smem:$0x3FB1];
	_ =	sdelay $0x3  }
0x34: {  	[smem:$0x3FB1] =	sst s10  }
0x35: {  	s10 =	sld [smem:$0x3FB0];
	_ =	sdelay $0x3  }
0x36: {  	p1 =	seq.s32 s10, $0x1;
	s10 =	sld [smem:$0x3FB1];
	_ =	sdelay $0x3  }
0x37: {  	[smem:$0x3FB1] =	sst s10  }
0x38: {  	s10 =	sld [smem:$0x3FB2]  }
0x39: {  	_ = 	snop;
	(pc) =	sbr.ind lr, $3  }
0x3a: {  	_ = 	snop  }
0x3b: {  	_ = 	snop  }
0x3c: {  	p2 =	seq.s32 s10, $0x1;
	s10 =	sld [smem:$0x3FB1]  }
0x3d: {  	_ =	shalt  }
0x3e: {  	_ =	shalt  }
0x3f: {  	_ =	shalt  }
0x40: {  	_ =	shalt  }
0x41: {  	_ =	shalt  }
0x42: {  	_ =	shalt  }
0x43: {  	_ =	shalt  }
0x44: {  	_ =	shalt  }
0x45: {  	_ =	shalt  }
0x46: {  	_ =	shalt  }
0x47: {  	_ =	shalt  }
0x48: {  	_ =	shalt  }
0x49: {  	_ =	shalt  }
0x4a: {  	_ =	shalt  }
0x4b: {  	_ =	shalt  }
0x4c: {  	_ =	shalt  }
0x4d: {  	_ =	shalt  }
0x4e: {  	_ =	shalt  }
0x4f: {  	_ =	shalt  }
0x50: {  	_ =	shalt  }
0x51: {  	_ =	shalt  }
0x52: {  	_ =	shalt  }
0x53: {  	_ =	shalt  }
0x54: {  	_ =	shalt  }
0x55: {  	_ =	shalt  }
0x56: {  	_ =	shalt  }
0x57: {  	_ =	shalt  }
0x58: {  	_ =	shalt  }
0x59: {  	_ =	shalt  }
0x5a: {  	_ =	shalt  }
0x5b: {  	_ =	shalt  }
0x5c: {  	_ =	shalt  }
0x5d: {  	_ =	shalt  }
0x5e: {  	_ =	shalt  }
0x5f: {  	_ =	shalt  }
0x60: {  	_ =	shalt  }
0x61: {  	_ =	shalt  }
0x62: {  	_ =	shalt  }
0x63: {  	_ =	shalt  }
0x64: {  	_ =	shalt  }
0x65: {  	_ =	shalt  }
0x66: {  	_ =	shalt  }
0x67: {  	_ =	shalt  }
0x68: {  	_ =	shalt  }
0x69: {  	_ =	shalt  }
0x6a: {  	_ =	shalt  }
0x6b: {  	_ =	shalt  }
0x6c: {  	_ =	shalt  }
0x6d: {  	_ =	shalt  }
0x6e: {  	_ =	shalt  }
0x6f: {  	_ =	shalt  }
0x70: {  	_ =	shalt  }
0x71: {  	_ =	shalt  }
0x72: {  	_ =	shalt  }
0x73: {  	_ =	shalt  }
0x74: {  	_ =	shalt  }
0x75: {  	_ =	shalt  }
0x76: {  	_ =	shalt  }
0x77: {  	_ =	shalt  }
0x78: {  	_ =	shalt  }
0x79: {  	_ =	shalt  }
0x7a: {  	_ =	shalt  }
0x7b: {  	_ =	shalt  }
0x7c: {  	_ =	shalt  }
0x7d: {  	_ =	shalt  }
0x7e: {  	_ =	shalt  }
0x7f: {  	_ =	shalt  }
0x80: {  	_ =	shalt  }
0x81: {  	_ =	shalt  }
0x82: {  	_ =	shalt  }
0x83: {  	_ =	shalt  }
0x84: {  	_ =	shalt  }
0x85: {  	_ =	shalt  }
0x86: {  	_ =	shalt  }
0x87: {  	_ =	shalt  }
.Lfunc_end0:
.L_simem_size_0:
called_computation.1_lowered:
.L_overlay_start_0:
0x88: {  	s2 =	sld [smem:$0x3FD9]  }
0x89: {  	s3 =	sld [smem:$0x3FFE];
	_ =	sdelay $0x1  }
0x8a: {  	s1 =	srdreg.scid  }
0x8b: {  	s0 =	sand.u32 $0x1, s1  }
0x8c: {  	s14 =	sshll.u32 s0, $0xA;
	s2 =	sadd.s32 s3, s2  }
0x8d: {  	s2 =	sadd.s32 s2, s14  }
0x8e: {  	[smem:$0x3FBD] =	sst s2  }
0x8f: {  	_ = 	snop  }
0x90: {  	s2 =	sld [smem:$0x3FD0];
	_ =	sdelay $0x2  }
0x91: {  	s15 =	simm.s32 $0xA;
	s4 =	simm.s32 $0x10  }
0x92: {  	[smem:s4], [sflag:s15] =	dma.local [hbm:s2], $0x1  }
0x93: {  	_ =	swait.eq [sflag:s15], $0x1  }
0x94: {  	[sflag:s15] =	ssyncset.done $0x0  }
0x95: {  	[sflag:s15] =	ssyncadd.s32 $0xFFFFFFFF  }
0x96: {  	s16 =	sld [smem:$0x10];
	(tm) =	ssettm $0x1  }
0x97: {  	s17 =	sld [smem:$0x3FFB];
	_ =	sdelay $0x3  }
0x98: {  	_ =	strace s17  }
0x99: {  	s3 =	sld [smem:$0x3FFC];
	_ =	sdelay $0x3  }
0x9a: {  	_ =	strace s3  }
0x9b: {  	s3 =	sld [smem:$0x3FFD];
	_ =	sdelay $0x3  }
0x9c: {  	_ =	strace s3  }
0x9d: {  	_ =	strace $0x8FFFFFFF  }
0x9e: {  	s18 =	sld [smem:$0x3FDB];
	_ =	sdelay $0x1  }
0x9f: {  	s19 =	simm.s32 $_scs_section_size  }
0xa0: {  	s5 =	simm.s32 $_size__tile_overlayer_lowered;
	s6 =	simm.s32 $_tile_overlayer_lowered  }
0xa1: {  	s22 =	simm.s32 $0x1BFF;
	s21 =	sshll.u32 s6, $0x1;
	s3 =	sadd.s32 s19, s18  }
0xa2: {  	s7 =	simm.s32 $0x0;
	s20 =	sshll.u32 s5, $0x1;
	s5 =	sadd.s32 s21, s3  }
0xa3: {  	[timem:s7], [sflag:s22] =	dma.local [hbm:s5], s20  }
0xa4: {  	_ =	swait.ge [sflag:s22], s20  }
0xa5: {  	s4 =	ssub.s32 $0x0, s20;
	[sflag:s22] =	ssyncset.done $0x0  }
0xa6: {  	[sflag:s22] =	ssyncadd.s32 s4;
	_ =	sdelay $0x1  }
0xa7: {  	s23 =	simm.s32 $0x1B8B  }
0xa8: {  	_ =	swait.ge [sflag:s23], $0x1  }
0xa9: {  	[sflag:s23] =	ssyncset.done $0x0  }
0xaa: {  	s25 =	simm.s32 $0x1B8E;
	s24 =	sld [smem:$0x3FFE];
	[sflag:s23] =	ssyncadd.s32 $0xFFFFFFFF  }
0xab: {  	s26 =	simm.s32 $execute0_lowered;
	[smem:$0x3FD2] =	sst s25  }
0xac: {  	s5 =	sshll.u32 s26, $0x1;
	_ =	strace $0x80000049;
	[dreg:$0x1] =	wrdreg $0xFFFFFFFF  }
0xad: {  	s28 =	simm.s32 $_size_execute0_lowered;
	s3 =	sadd.s32 s3, s5;
	[dreg:$0x0] =	wrdreg $0x0  }
0xae: {  	s5 =	sshll.u32 s28, $0x1;
	[dreg:$0x2] =	wrdreg s3  }
0xaf: {  	[dreg:$0x3] =	wrdreg s5  }
0xb0: {  	[dreg:$0x4] =	wrdreg $0xC0  }
0xb1: {  	_ =	task [dreg:s7], $0x5FFFF  }
0xb2: {  	[dreg:$0x1] =	wrdreg $0xFFFFFFFF  }
0xb3: {  	[dreg:$0x0] =	wrdreg $0x60  }
0xb4: {  	[dreg:$0x2] =	wrdreg s24  }
0xb5: {  	[dreg:$0x3] =	wrdreg s16  }
0xb6: {  	[dreg:$0x4] =	wrdreg $0xA8000  }
0xb7: {  	[dreg:$0x5] =	wrdreg $0x9  }
0xb8: {  	_ =	task.clear_ibuf [dreg:s7], $0x6FFFF;
	_ =	strace $0x90000049  }
0xb9: {  	s29 =	simm.s32 $0x9;
	_ =	strace $0x8000004B  }
0xba: {  	_ =	swait.ge [sflag:s29], $0x1  }
0xbb: {  	[sflag:s29] =	ssyncadd.s32 $0xFFFFFFFF  }
0xbc: {  	_ =	strace $0x9000004B  }
0xbd: {  	_ =	sfence  }
0xbe: {  	s30 =	sld [smem:$0x0];
	_ =	sdelay $0x2  }
0xbf: {  	s31 =	sshll.u32 s1, $0xD;
	s1 =	sshrl.u32 s1, $0x2  }
0xc0: {  	s3 =	sand.u32 $0x4000, s31;
	s1 =	sadd.s32 s1, s30  }
0xc1: {  	s0 =	sor.u32 s3, s0;
	s1 =	sshll.u32 s1, $0x11  }
0xc2: {  	s0 =	sor.u32 s1, s0  }
0xc3: {  	s0 =	sadd.s32 $0x8F2B, s0  }
0xc4: {  	[sflag:s0] =	ssyncadd.remote.s32 $0x1  }
0xc5: {  	_ =	sfence.sel $0xFFFF  }
0xc6: {  	[dreg:$0x0] =	wrdreg $0xFFFFFFFF;
	(pc) =	sbr.abs _section_cstart, $3  }
0xc7: {  	[dreg:$0x1] =	wrdreg $0xFFFFFFFF  }
0xc8: {  	_ =	task.clear_ibuf [dreg:s7], $0x2FFFF;
	_ =	strace $0x9FFFFFFF  }
0xc9: {  	(tm) =	ssettm $0x7FFFFFFF  }
tec
execute0_lowered:
.L_overlay_start_1:
0x0: {  	(tag) =	ssettag $0x1  }
0x1: {  	s5 =	rddreg [dreg:$0x0]  }
0x2: {  	s7 =	rddreg [dreg:$0x1]  }
0x3: {  	s1 =	rddreg [dreg:$0x2]  }
0x4: {  	s2 =	srdreg.scid;
	s0 =	rddreg [dreg:$0x3];
	s3 =	simm.s32 $0x0  }
0x5: {  	s16 =	simm.s32 $0x80;
	s17 =	simm.s32 $0x2800;
	s18 =	simm.s32 $0x6800  }
0x6: {  	s19 =	simm.s32 $0x1;
	s20 =	simm.s32 $0x100;
	s21 =	simm.s32 $0x2  }
0x7: {  	s22 =	simm.s32 $0x1480;
	s23 =	simm.s32 $0x3;
	s28 =	simm.s32 $0x0  }
0x8: {  	s6 =	sand.u32 $0x1, s2;
	s2 =	stileid.u32;
	[smem:$0x7FF] =	sst s3  }
0x9: {  	s4 =	sadd.s32 $0x34C00, s5;
	s10 =	sadd.s32 $0x2C00, s5;
	s8 =	smul.u32 $0x140000, s6  }
0xa: {  	s11 =	sadd.s32 $0xCC00, s5;
	s9 =	smul.u32 $0x14000, s2;
	_ =	strace $0x8000004A  }
0xb: {  	s24 =	sshll.u32 s2, $0x1;
	s12 =	ssub.s32 $0x2, s6;
	s13 =	smul.u32 $0x50000, s2  }
0xc: {  	p0 =	seq.s32 s6, $0x0;
	s15 =	smul.u32 $0x2800, s2;
	s31 =	sshll.u32 s2, $0x6  }
0xd: {  	s25 =	sshrl.u32 s12, $0x1;
	s11 =	smov.u32 @p0 s4;
	s8 =	sadd.s32 s9, s8  }
0xe: {  	s9 =	sor.u32 s6, s24;
	s12 =	ssub.s32 s12, s25;
	s29 =	sshrl.u32 s13, $0x2  }
0xf: {  	s11 =	sadd.s32 s11, s15;
	s15 =	simm.s32 $0x1400;
	s26 =	smul.u32 $0x2800, s9  }
0x10: {  	s24 =	simm.s32 $0x1380;
	s8 =	sshrl.u32 s8, $0x3;
	s9 =	smul.u32 $0x500, s9  }
0x11: {  	s25 =	simm.s32 $0x2700;
	s13 =	sadd.s32 s29, s1;
	s14 =	sadd.s32 s8, s5  }
0x12: {  	s13 =	sshrl.u32 s13, $0x3;
	s30 =	sshrl.u32 s26, $0x3;
	s5 =	sadd.s32 s7, s9  }
0x13: {  	s6 =	sadd.s32 s10, s9;
	s9 =	sadd.s32 $0x5CC00, s14;
	s8 =	sadd.s32 $0x280, s30  }
0x14: {  	s14 =	simm.s32 $0x4;
	s26 =	simm.s32 $0x2780;
	s7 =	sadd.s32 s7, s8  }
0x15: {  	s8 =	sadd.s32 s10, s8;
	s10 =	smax.u32 s12, $0x1;
	s12 =	sor.u32 $0x1C04, s31  }
.LBB2_1:
0x16: {  	[spmem:s13], [sflag:s12] =	dma.local [hbm:s11], $0x2800  }
0x17: {  	_ =	swait.ge [sflag:s14], $0x2800  }
0x18: {  	[sflag:s14] =	ssyncset.done $0x0  }
0x19: {  	[sflag:s14] =	ssyncadd.s32 $0xFFFFD800  }
0x1a: {  	[bflag:$0x0] =	sbarrier.arrive $0xFFFF  }
0x1b: {  	[tilespmem:s3], [sflag:$0x4] =	stream.linear.gather [hbm4b:s5+s3], $0x1400, $0x38;
	[tilespmem:$0x1E800] =	vst v63  }
0x1c: {  	_ =	swait.ge [sflag:s14], $0x1400  }
0x1d: {  	[sflag:s14] =	ssyncset.done $0x0  }
0x1e: {  	[sflag:s14] =	ssyncadd.s32 $0xFFFFEC00  }
0x1f: {  	[tilespmem:s15], [sflag:$0x4] =	stream.linear.gather [hbm4b:s6+s3], $0x1400, $0x38;
	[tilespmem:$0x1E800] =	vst v63  }
0x20: {  	_ =	swait.ge [sflag:s14], $0x1400  }
0x21: {  	[sflag:s14] =	ssyncset.done $0x0  }
0x22: {  	[sflag:s14] =	ssyncadd.s32 $0xFFFFEC00  }
0x23: {  	[tilespmem:s17], [sflag:$0x1] =	stream.indirect.gather [hbm4b:s4+s16], $0x80, s3, s16, $0xb8;
	[tilespmem:$0x1E800] =	vst v63  }
0x24: {  	_ = 	snop  }
0x25: {  	[tilespmem:s18], [sflag:$0x2] =	stream.indirect.gather [hbm4b:s4+s16], $0x80, s16, s16, $0xb8;
	[tilespmem:$0x1E800] =	vst v63  }
0x26: {  	_ =	swait.ge [sflag:s19], $0x4000  }
0x27: {  	[sflag:s19] =	ssyncset.done $0x0  }
0x28: {  	[sflag:s19] =	ssyncadd.s32 $0xFFFFC000  }
0x29: {  	[spmem:s1] =	stream.indirect.scatter.add.f32 [tilespmem:s17], [sflag:$0x4], $0x80, s15, s16, $0xb8;
	[tilespmem:$0x1E800] =	vst v63  }
0x2a: {  	_ =	swait.ge [sflag:s14], $0x4000  }
0x2b: {  	[sflag:s14] =	ssyncset.done $0x0  }
0x2c: {  	[sflag:s14] =	ssyncadd.s32 $0xFFFFC000  }
0x2d: {  	[tilespmem:s17], [sflag:$0x1] =	stream.indirect.gather [hbm4b:s4+s16], $0x80, s20, s16, $0xb8;
	[tilespmem:$0x1E800] =	vst v63  }
0x2e: {  	_ =	swait.ge [sflag:s21], $0x4000  }
0x2f: {  	[sflag:s21] =	ssyncset.done $0x0  }
0x30: {  	[sflag:s21] =	ssyncadd.s32 $0xFFFFC000  }
0x31: {  	[spmem:s1] =	stream.indirect.scatter.add.f32 [tilespmem:s18], [sflag:$0x3], $0x80, s22, s16, $0xb8;
	[tilespmem:$0x1E800] =	vst v63  }
0x32: {  	_ =	swait.ge [sflag:s23], $0x4000  }
0x33: {  	[sflag:s23] =	ssyncset.done $0x0  }
0x34: {  	s29 =	simm.s32 $0x180;
	[sflag:s23] =	ssyncadd.s32 $0xFFFFC000  }
0x35: {  	[tilespmem:s18], [sflag:$0x2] =	stream.indirect.gather [hbm4b:s4+s16], $0x80, s29, s16, $0xb8;
	[tilespmem:$0x1E800] =	vst v63  }
0x36: {  	_ =	swait.ge [sflag:s19], $0x4000  }
0x37: {  	[sflag:s19] =	ssyncset.done $0x0  }
0x38: {  	s29 =	simm.s32 $0x1500;
	[sflag:s19] =	ssyncadd.s32 $0xFFFFC000  }
0x39: {  	[spmem:s1] =	stream.indirect.scatter.add.f32 [tilespmem:s17], [sflag:$0x4], $0x80, s29, s16, $0xb8;
	[tilespmem:$0x1E800] =	vst v63  }
0x3a: {  	_ =	swait.ge [sflag:s14], $0x4000  }
0x3b: {  	[sflag:s14] =	ssyncset.done $0x0  }
0x3c: {  	s29 =	simm.s32 $0x200;
	[sflag:s14] =	ssyncadd.s32 $0xFFFFC000  }
0x3d: {  	[tilespmem:s17], [sflag:$0x1] =	stream.indirect.gather [hbm4b:s4+s16], $0x80, s29, s16, $0xb8;
	[tilespmem:$0x1E800] =	vst v63  }
0x3e: {  	_ =	swait.ge [sflag:s21], $0x4000  }
0x3f: {  	[sflag:s21] =	ssyncset.done $0x0  }
0x40: {  	s30 =	simm.s32 $0x1580;
	s29 =	simm.s32 $0xFFFFBC00;
	[sflag:s21] =	ssyncadd.s32 $0xFFFFC000  }
.LBB2_2:
0x41: {  	[spmem:s1] =	stream.indirect.scatter.add.f32 [tilespmem:s18], [sflag:$0x3], $0x80, s30, s16, $0xb8;
	[tilespmem:$0x1E800] =	vst v63  }
0x42: {  	s30 =	smov.u32 s29  }
0x43: {  	p0 =	sne.s32 s29, $0xFFFFFC00;
	s29 =	sadd.s32 $0x400, s29;
	_ =	swait.ge [sflag:s23], $0x4000  }
0x44: {  	s30 =	sshra.s32 s30, $0x2;
	[sflag:s23] =	ssyncset.done $0x0  }
0x45: {  	s31 =	sadd.s32 $0x1380, s30;
	[sflag:s23] =	ssyncadd.s32 $0xFFFFC000  }
0x46: {  	[tilespmem:s18], [sflag:$0x2] =	stream.indirect.gather [hbm4b:s4+s16], $0x80, s31, s16, $0xb8;
	[tilespmem:$0x1E800] =	vst v63  }
0x47: {  	_ =	swait.ge [sflag:s19], $0x4000  }
0x48: {  	[sflag:s19] =	ssyncset.done $0x0  }
0x49: {  	s31 =	sadd.s32 $0x2700, s30;
	[sflag:s19] =	ssyncadd.s32 $0xFFFFC000  }
0x4a: {  	[spmem:s1] =	stream.indirect.scatter.add.f32 [tilespmem:s17], [sflag:$0x4], $0x80, s31, s16, $0xb8;
	[tilespmem:$0x1E800] =	vst v63  }
0x4b: {  	_ =	swait.ge [sflag:s14], $0x4000  }
0x4c: {  	[sflag:s14] =	ssyncset.done $0x0  }
.Ltmp0:
0x4d: {  	s31 =	sadd.s32 $0x1400, s30;
	[sflag:s14] =	ssyncadd.s32 $0xFFFFC000;
	(pc) =	sbr.rel @p0 .LBB2_2-.Ltmp0, $4  }
0x4e: {  	[tilespmem:s17], [sflag:$0x1] =	stream.indirect.gather [hbm4b:s4+s16], $0x80, s31, s16, $0xb8;
	[tilespmem:$0x1E800] =	vst v63  }
0x4f: {  	_ =	swait.ge [sflag:s21], $0x4000  }
0x50: {  	[sflag:s21] =	ssyncset.done $0x0  }
0x51: {  	s30 =	sadd.s32 $0x2780, s30;
	[sflag:s21] =	ssyncadd.s32 $0xFFFFC000  }
0x52: {  	[spmem:s1] =	stream.indirect.scatter.add.f32 [tilespmem:s18], [sflag:$0x3], $0x80, s30, s16, $0xb8;
	[tilespmem:$0x1E800] =	vst v63  }
0x53: {  	_ =	swait.ge [sflag:s23], $0x4000  }
0x54: {  	[sflag:s23] =	ssyncset.done $0x0  }
0x55: {  	[sflag:s23] =	ssyncadd.s32 $0xFFFFC000  }
0x56: {  	[tilespmem:s18], [sflag:$0x2] =	stream.indirect.gather [hbm4b:s4+s16], $0x80, s24, s16, $0xb8;
	[tilespmem:$0x1E800] =	vst v63  }
0x57: {  	_ =	swait.ge [sflag:s19], $0x4000  }
0x58: {  	[sflag:s19] =	ssyncset.done $0x0  }
0x59: {  	[sflag:s19] =	ssyncadd.s32 $0xFFFFC000  }
0x5a: {  	[spmem:s1] =	stream.indirect.scatter.add.f32 [tilespmem:s17], [sflag:$0x4], $0x80, s25, s16, $0xb8;
	[tilespmem:$0x1E800] =	vst v63  }
0x5b: {  	_ =	swait.ge [sflag:s14], $0x4000  }
0x5c: {  	[sflag:s14] =	ssyncset.done $0x0  }
0x5d: {  	[sflag:s14] =	ssyncadd.s32 $0xFFFFC000  }
0x5e: {  	_ =	swait.ge [sflag:s21], $0x4000  }
0x5f: {  	[sflag:s21] =	ssyncset.done $0x0  }
0x60: {  	[sflag:s21] =	ssyncadd.s32 $0xFFFFC000  }
0x61: {  	[spmem:s1] =	stream.indirect.scatter.add.f32 [tilespmem:s18], [sflag:$0x3], $0x80, s26, s16, $0xb8;
	[tilespmem:$0x1E800] =	vst v63  }
0x62: {  	_ =	swait.ge [sflag:s23], $0x4000  }
0x63: {  	[sflag:s23] =	ssyncset.done $0x0  }
0x64: {  	[sflag:s23] =	ssyncadd.s32 $0xFFFFC000  }
0x65: {  	[tilespmem:s3], [sflag:$0x4] =	stream.linear.gather [hbm4b:s7+s3], $0x1400, $0x38;
	[tilespmem:$0x1E800] =	vst v63  }
0x66: {  	_ =	swait.ge [sflag:s14], $0x1400  }
0x67: {  	[sflag:s14] =	ssyncset.done $0x0  }
0x68: {  	[sflag:s14] =	ssyncadd.s32 $0xFFFFEC00  }
0x69: {  	[tilespmem:s15], [sflag:$0x4] =	stream.linear.gather [hbm4b:s8+s3], $0x1400, $0x38;
	[tilespmem:$0x1E800] =	vst v63  }
0x6a: {  	_ =	swait.ge [sflag:s14], $0x1400  }
0x6b: {  	[sflag:s14] =	ssyncset.done $0x0  }
0x6c: {  	[sflag:s14] =	ssyncadd.s32 $0xFFFFEC00  }
0x6d: {  	[tilespmem:s17], [sflag:$0x1] =	stream.indirect.gather [hbm4b:s4+s16], $0x80, s3, s16, $0xb8;
	[tilespmem:$0x1E800] =	vst v63  }
0x6e: {  	_ = 	snop  }
0x6f: {  	[tilespmem:s18], [sflag:$0x2] =	stream.indirect.gather [hbm4b:s4+s16], $0x80, s16, s16, $0xb8;
	[tilespmem:$0x1E800] =	vst v63  }
0x70: {  	_ =	swait.ge [sflag:s19], $0x4000  }
0x71: {  	[sflag:s19] =	ssyncset.done $0x0  }
0x72: {  	[sflag:s19] =	ssyncadd.s32 $0xFFFFC000  }
0x73: {  	[spmem:s1] =	stream.indirect.scatter.add.f32 [tilespmem:s17], [sflag:$0x4], $0x80, s15, s16, $0xb8;
	[tilespmem:$0x1E800] =	vst v63  }
0x74: {  	_ =	swait.ge [sflag:s14], $0x4000  }
0x75: {  	[sflag:s14] =	ssyncset.done $0x0  }
0x76: {  	[sflag:s14] =	ssyncadd.s32 $0xFFFFC000  }
0x77: {  	[tilespmem:s17], [sflag:$0x1] =	stream.indirect.gather [hbm4b:s4+s16], $0x80, s20, s16, $0xb8;
	[tilespmem:$0x1E800] =	vst v63  }
0x78: {  	_ =	swait.ge [sflag:s21], $0x4000  }
0x79: {  	[sflag:s21] =	ssyncset.done $0x0  }
0x7a: {  	[sflag:s21] =	ssyncadd.s32 $0xFFFFC000  }
0x7b: {  	[spmem:s1] =	stream.indirect.scatter.add.f32 [tilespmem:s18], [sflag:$0x3], $0x80, s22, s16, $0xb8;
	[tilespmem:$0x1E800] =	vst v63  }
0x7c: {  	_ =	swait.ge [sflag:s23], $0x4000  }
0x7d: {  	[sflag:s23] =	ssyncset.done $0x0  }
0x7e: {  	s29 =	simm.s32 $0x180;
	[sflag:s23] =	ssyncadd.s32 $0xFFFFC000  }
0x7f: {  	[tilespmem:s18], [sflag:$0x2] =	stream.indirect.gather [hbm4b:s4+s16], $0x80, s29, s16, $0xb8;
	[tilespmem:$0x1E800] =	vst v63  }
0x80: {  	_ =	swait.ge [sflag:s19], $0x4000  }
0x81: {  	[sflag:s19] =	ssyncset.done $0x0  }
0x82: {  	s29 =	simm.s32 $0x1500;
	[sflag:s19] =	ssyncadd.s32 $0xFFFFC000  }
0x83: {  	[spmem:s1] =	stream.indirect.scatter.add.f32 [tilespmem:s17], [sflag:$0x4], $0x80, s29, s16, $0xb8;
	[tilespmem:$0x1E800] =	vst v63  }
0x84: {  	_ =	swait.ge [sflag:s14], $0x4000  }
0x85: {  	[sflag:s14] =	ssyncset.done $0x0  }
0x86: {  	s29 =	simm.s32 $0x200;
	[sflag:s14] =	ssyncadd.s32 $0xFFFFC000  }
0x87: {  	[tilespmem:s17], [sflag:$0x1] =	stream.indirect.gather [hbm4b:s4+s16], $0x80, s29, s16, $0xb8;
	[tilespmem:$0x1E800] =	vst v63  }
0x88: {  	_ =	swait.ge [sflag:s21], $0x4000  }
0x89: {  	[sflag:s21] =	ssyncset.done $0x0  }
0x8a: {  	s30 =	simm.s32 $0x1580;
	s29 =	simm.s32 $0xFFFFBC00;
	[sflag:s21] =	ssyncadd.s32 $0xFFFFC000  }
.LBB2_4:
0x8b: {  	[spmem:s1] =	stream.indirect.scatter.add.f32 [tilespmem:s18], [sflag:$0x3], $0x80, s30, s16, $0xb8;
	[tilespmem:$0x1E800] =	vst v63  }
0x8c: {  	s30 =	smov.u32 s29  }
0x8d: {  	p0 =	sne.s32 s29, $0xFFFFFC00;
	s29 =	sadd.s32 $0x400, s29;
	_ =	swait.ge [sflag:s23], $0x4000  }
0x8e: {  	s30 =	sshra.s32 s30, $0x2;
	[sflag:s23] =	ssyncset.done $0x0  }
0x8f: {  	s31 =	sadd.s32 $0x1380, s30;
	[sflag:s23] =	ssyncadd.s32 $0xFFFFC000  }
0x90: {  	[tilespmem:s18], [sflag:$0x2] =	stream.indirect.gather [hbm4b:s4+s16], $0x80, s31, s16, $0xb8;
	[tilespmem:$0x1E800] =	vst v63  }
0x91: {  	_ =	swait.ge [sflag:s19], $0x4000  }
0x92: {  	[sflag:s19] =	ssyncset.done $0x0  }
0x93: {  	s31 =	sadd.s32 $0x2700, s30;
	[sflag:s19] =	ssyncadd.s32 $0xFFFFC000  }
0x94: {  	[spmem:s1] =	stream.indirect.scatter.add.f32 [tilespmem:s17], [sflag:$0x4], $0x80, s31, s16, $0xb8;
	[tilespmem:$0x1E800] =	vst v63  }
0x95: {  	_ =	swait.ge [sflag:s14], $0x4000  }
0x96: {  	[sflag:s14] =	ssyncset.done $0x0  }
.Ltmp1:
0x97: {  	s31 =	sadd.s32 $0x1400, s30;
	[sflag:s14] =	ssyncadd.s32 $0xFFFFC000;
	(pc) =	sbr.rel @p0 .LBB2_4-.Ltmp1, $4  }
0x98: {  	[tilespmem:s17], [sflag:$0x1] =	stream.indirect.gather [hbm4b:s4+s16], $0x80, s31, s16, $0xb8;
	[tilespmem:$0x1E800] =	vst v63  }
0x99: {  	_ =	swait.ge [sflag:s21], $0x4000  }
0x9a: {  	[sflag:s21] =	ssyncset.done $0x0  }
0x9b: {  	s30 =	sadd.s32 $0x2780, s30;
	[sflag:s21] =	ssyncadd.s32 $0xFFFFC000  }
0x9c: {  	[spmem:s1] =	stream.indirect.scatter.add.f32 [tilespmem:s18], [sflag:$0x3], $0x80, s30, s16, $0xb8;
	[tilespmem:$0x1E800] =	vst v63  }
0x9d: {  	_ =	swait.ge [sflag:s23], $0x4000  }
0x9e: {  	[sflag:s23] =	ssyncset.done $0x0  }
0x9f: {  	[sflag:s23] =	ssyncadd.s32 $0xFFFFC000  }
0xa0: {  	[tilespmem:s18], [sflag:$0x2] =	stream.indirect.gather [hbm4b:s4+s16], $0x80, s24, s16, $0xb8;
	[tilespmem:$0x1E800] =	vst v63  }
0xa1: {  	_ =	swait.ge [sflag:s19], $0x4000  }
0xa2: {  	[sflag:s19] =	ssyncset.done $0x0  }
0xa3: {  	[sflag:s19] =	ssyncadd.s32 $0xFFFFC000  }
0xa4: {  	[spmem:s1] =	stream.indirect.scatter.add.f32 [tilespmem:s17], [sflag:$0x4], $0x80, s25, s16, $0xb8;
	[tilespmem:$0x1E800] =	vst v63  }
0xa5: {  	_ =	swait.ge [sflag:s14], $0x4000  }
0xa6: {  	[sflag:s14] =	ssyncset.done $0x0  }
0xa7: {  	[sflag:s14] =	ssyncadd.s32 $0xFFFFC000  }
0xa8: {  	_ =	swait.ge [sflag:s21], $0x4000  }
0xa9: {  	[sflag:s21] =	ssyncset.done $0x0  }
0xaa: {  	[sflag:s21] =	ssyncadd.s32 $0xFFFFC000  }
0xab: {  	[spmem:s1] =	stream.indirect.scatter.add.f32 [tilespmem:s18], [sflag:$0x3], $0x80, s26, s16, $0xb8;
	[tilespmem:$0x1E800] =	vst v63  }
0xac: {  	_ =	swait.ge [sflag:s23], $0x4000  }
0xad: {  	s28 =	sadd.s32 $0x1, s28;
	[sflag:s23] =	ssyncset.done $0x0  }
0xae: {  	p0 =	sne.s32 s28, s10;
	[sflag:s23] =	ssyncadd.s32 $0xFFFFC000  }
.Ltmp2:
0xaf: {  	[bflag:$0x0] =	sbarrier.arrive $0xFFFF;
	(pc) =	sbr.rel @p0 .LBB2_1-.Ltmp2, $4  }
0xb0: {  	[hbm:s9], [sflag:s12] =	dma.local [spmem:s13], $0x2800  }
0xb1: {  	_ =	swait.ge [sflag:s14], $0x2800  }
0xb2: {  	[sflag:s14] =	ssyncset.done $0x0  }
0xb3: {  	[sflag:s14] =	ssyncadd.s32 $0xFFFFD800  }
0xb4: {  	_ =	sfence.sel $0x180000  }
0xb5: {  	[bflag:$0x0] =	sbarrier.arrive $0xFFFF  }
0xb6: {  	p0 =	sne.s32 s2, $0x0;
	_ =	strace $0x9000004A  }
0xb7: {  	s0 =	sadd.s32 @!p0 $0x100000, s0;
	[bflag:$0x2] =	sbarrier.arrive $0xFFFF  }
0xb8: {  	[sflag:s0] =	ssyncadd.tile.s32 @!p0 $0x1;
	_ =	shalt  }
.Lfunc_end2:
_tile_overlayer_lowered:
.L_overlay_start_2:
0xb9: {  	(tag) =	ssettag $0x2  }
0xba: {  	s0 =	rddreg [dreg:$0x0];
	s2 =	stileid.u32  }
0xbb: {  	s1 =	rddreg [dreg:$0x1];
	p0 =	sne.s32 s2, $0x0  }
0xbc: {  	s3 =	rddreg [dreg:$0x2];
	[bflag:$0x3] =	sbarrier.arrive $0xFFFF;
	s2 =	simm.s32 @!p0 $0x1C04  }
0xbd: {  	[timem:s3], [sflag:s2] =	dma.local @!p0 [hbm:s0], s1  }
0xbe: {  	s0 =	simm.s32 @!p0 $0x4  }
0xbf: {  	_ =	swait.ge @!p0 [sflag:s0], s1  }
0xc0: {  	s1 =	ssub.s32 @!p0 $0x0, s1;
	[sflag:s0] =	ssyncset.done @!p0 $0x0  }
0xc1: {  	[sflag:s0] =	ssyncadd.s32 @!p0 s1  }
0xc2: {  	[bflag:$0x3] =	sbarrier.arrive $0xFFFF  }
0xc3: {  	_ =	shalt  }

// kernel: kernel.14.cloned.1.call-start
scs
__scs_entry_jumppad:
0x0: {  	(pc) =	sbr.rel $0x88, $3  }
0x1: {  	(tag) =	ssettag $0x0;
	lr =	simm.s32 $0x1  }
0x2: {  	[smem:$0x3F96] =	sst lr;
	_ =	strace $0xD0000000  }
0x3: {  	_ = 	snop  }
0x4: {  	_ = 	snop  }
0x5: {  	_ = 	snop  }
0x6: {  	_ = 	snop  }
0x7: {  	_ = 	snop  }
__scs_overlays_trampoline_lowered:
0x8: {  	[smem:$0x3FA5] =	sst s0  }
0x9: {  	[smem:$0x3FA6] =	sst s1  }
0xa: {  	[smem:$0x3FA7] =	sst s2  }
0xb: {  	[smem:$0x3FA8] =	sst s3  }
0xc: {  	[smem:$0x3FA9] =	sst s4  }
0xd: {  	[smem:$0x3FAA] =	sst s5  }
0xe: {  	[smem:$0x3FAB] =	sst s6  }
0xf: {  	[smem:$0x3FAC] =	sst s7  }
0x10: {  	[smem:$0x3FAD] =	sst s8  }
0x11: {  	[smem:$0x3FAE] =	sst s9;
	s0 =	simm.s32 @!p0 $0x0  }
0x12: {  	s1 =	sld [smem:$0x3F94];
	s0 =	simm.s32 @p0 $0x1  }
0x13: {  	[smem:$0x3FAF] =	sst s0;
	s0 =	simm.s32 @!p1 $0x0  }
0x14: {  	s2 =	sld [smem:$0x3F93];
	s0 =	simm.s32 @p1 $0x1  }
0x15: {  	[smem:$0x3FB0] =	sst s0;
	s0 =	simm.s32 @!p2 $0x0  }
0x16: {  	s3 =	sld [smem:$0x3FDB];
	s0 =	simm.s32 @p2 $0x1  }
0x17: {  	s4 =	simm.s32 $0x1BF5;
	[smem:$0x3FB2] =	sst s0  }
0x18: {  	s0 =	sld [smem:$0x3F95];
	_ =	swait.ge [sflag:s4], $0x0  }
0x19: {  	s7 =	sld [smem:$0x3F96]  }
0x1a: {  	s8 =	sadd.s32 $0xFFFFE003, lr  }
0x1b: {  	s9 =	sadd.s32 $0xFFFFFEF7, lr;
	s5 =	simm.s32 $0xFFFFFFFF;
	p2 =	slt.u32 s8, $0xFFFFF086  }
0x1c: {  	p1 =	slt.u32 s9, $0xF7A;
	s5 =	simm.s32 @!p2 $0x0  }
0x1d: {  	s5 =	simm.s32 @p1 $0x1;
	p0 =	seq.s32 s7, s2  }
0x1e: {  	s7 =	smul.u32 @!p0 $0xF7A, s2;
	p2 =	seq.s32 @!p0 s5, $0x0  }
0x1f: {  	s9 =	smul.u32 $0xF7A, s1;
	s8 =	simm.s32 @!p0 $0x1BF5;
	p2 =	por !p2, p0  }
0x20: {  	[sflag:s8] =	ssyncset.s32 @!p0 $0xFFFFF086;
	s6 =	sadd.s32 @!p0 s3, s7;
	s7 =	simm.s32 @!p0 $0x108  }
0x21: {  	s3 =	sadd.s32 s3, s9;
	s6 =	sadd.s32 @!p0 $0x88, s6;
	s7 =	simm.s32 @p2 $0x1082  }
0x22: {  	[simem:s7], [sflag:s8] =	dma.local @!p0 [hbm:s6], $0xF7A  }
0x23: {  	s9 =	sor.u32 $0xD0000000, s2;
	s6 =	simm.s32 $0x108;
	_ =	swait.ge @!p0 [sflag:s8], $0x0  }
0x24: {  	s3 =	sadd.s32 $0x88, s3;
	s6 =	simm.s32 @!p1 $0x1082;
	[sflag:s4] =	ssyncset.s32 $0xFFFFF086  }
0x25: {  	[simem:s6], [sflag:s4] =	dma.local [hbm:s3], $0xF7A  }
0x26: {  	[smem:$0x3F96] =	sst s1;
	(tag) =	ssettag s2;
	_ =	strace s9  }
0x27: {  	s1 =	sld [smem:$0x3FA6]  }
0x28: {  	s2 =	sld [smem:$0x3FA7]  }
0x29: {  	s4 =	sld [smem:$0x3FA9]  }
0x2a: {  	p0 =	seq.s32 s5, $0x0;
	s5 =	sld [smem:$0x3FAA]  }
0x2b: {  	s6 =	sld [smem:$0x3FAB]  }
0x2c: {  	s7 =	sld [smem:$0x3FAC]  }
0x2d: {  	s3 =	simm.s32 $0x108;
	s8 =	sld [smem:$0x3FAD]  }
0x2e: {  	s3 =	simm.s32 @!p0 $0x1082;
	s9 =	sld [smem:$0x3FAE]  }
0x2f: {  	lr =	sadd.s32 s0, s3;
	s0 =	sld [smem:$0x3FA5]  }
0x30: {  	s3 =	sld [smem:$0x3FA8]  }
0x31: {  	[smem:$0x3FB1] =	sst s10  }
0x32: {  	s10 =	sld [smem:$0x3FAF];
	_ =	sdelay $0x3  }
0x33: {  	p0 =	seq.s32 s10, $0x1;
	s10 =	sld [smem:$0x3FB1];
	_ =	sdelay $0x3  }
0x34: {  	[smem:$0x3FB1] =	sst s10  }
0x35: {  	s10 =	sld [smem:$0x3FB0];
	_ =	sdelay $0x3  }
0x36: {  	p1 =	seq.s32 s10, $0x1;
	s10 =	sld [smem:$0x3FB1];
	_ =	sdelay $0x3  }
0x37: {  	[smem:$0x3FB1] =	sst s10  }
0x38: {  	s10 =	sld [smem:$0x3FB2]  }
0x39: {  	_ = 	snop;
	(pc) =	sbr.ind lr, $3  }
0x3a: {  	_ = 	snop  }
0x3b: {  	_ = 	snop  }
0x3c: {  	p2 =	seq.s32 s10, $0x1;
	s10 =	sld [smem:$0x3FB1]  }
0x3d: {  	_ =	shalt  }
0x3e: {  	_ =	shalt  }
0x3f: {  	_ =	shalt  }
0x40: {  	_ =	shalt  }
0x41: {  	_ =	shalt  }
0x42: {  	_ =	shalt  }
0x43: {  	_ =	shalt  }
0x44: {  	_ =	shalt  }
0x45: {  	_ =	shalt  }
0x46: {  	_ =	shalt  }
0x47: {  	_ =	shalt  }
0x48: {  	_ =	shalt  }
0x49: {  	_ =	shalt  }
0x4a: {  	_ =	shalt  }
0x4b: {  	_ =	shalt  }
0x4c: {  	_ =	shalt  }
0x4d: {  	_ =	shalt  }
0x4e: {  	_ =	shalt  }
0x4f: {  	_ =	shalt  }
0x50: {  	_ =	shalt  }
0x51: {  	_ =	shalt  }
0x52: {  	_ =	shalt  }
0x53: {  	_ =	shalt  }
0x54: {  	_ =	shalt  }
0x55: {  	_ =	shalt  }
0x56: {  	_ =	shalt  }
0x57: {  	_ =	shalt  }
0x58: {  	_ =	shalt  }
0x59: {  	_ =	shalt  }
0x5a: {  	_ =	shalt  }
0x5b: {  	_ =	shalt  }
0x5c: {  	_ =	shalt  }
0x5d: {  	_ =	shalt  }
0x5e: {  	_ =	shalt  }
0x5f: {  	_ =	shalt  }
0x60: {  	_ =	shalt  }
0x61: {  	_ =	shalt  }
0x62: {  	_ =	shalt  }
0x63: {  	_ =	shalt  }
0x64: {  	_ =	shalt  }
0x65: {  	_ =	shalt  }
0x66: {  	_ =	shalt  }
0x67: {  	_ =	shalt  }
0x68: {  	_ =	shalt  }
0x69: {  	_ =	shalt  }
0x6a: {  	_ =	shalt  }
0x6b: {  	_ =	shalt  }
0x6c: {  	_ =	shalt  }
0x6d: {  	_ =	shalt  }
0x6e: {  	_ =	shalt  }
0x6f: {  	_ =	shalt  }
0x70: {  	_ =	shalt  }
0x71: {  	_ =	shalt  }
0x72: {  	_ =	shalt  }
0x73: {  	_ =	shalt  }
0x74: {  	_ =	shalt  }
0x75: {  	_ =	shalt  }
0x76: {  	_ =	shalt  }
0x77: {  	_ =	shalt  }
0x78: {  	_ =	shalt  }
0x79: {  	_ =	shalt  }
0x7a: {  	_ =	shalt  }
0x7b: {  	_ =	shalt  }
0x7c: {  	_ =	shalt  }
0x7d: {  	_ =	shalt  }
0x7e: {  	_ =	shalt  }
0x7f: {  	_ =	shalt  }
0x80: {  	_ =	shalt  }
0x81: {  	_ =	shalt  }
0x82: {  	_ =	shalt  }
0x83: {  	_ =	shalt  }
0x84: {  	_ =	shalt  }
0x85: {  	_ =	shalt  }
0x86: {  	_ =	shalt  }
0x87: {  	_ =	shalt  }
.Lfunc_end0:
.L_simem_size_0:
called_computation.2_lowered:
.L_overlay_start_0:
0x88: {  	s2 =	sld [smem:$0x3FD9]  }
0x89: {  	s3 =	sld [smem:$0x3FFE];
	_ =	sdelay $0x1  }
0x8a: {  	s1 =	srdreg.scid  }
0x8b: {  	s0 =	sand.u32 $0x1, s1  }
0x8c: {  	s14 =	sshll.u32 s0, $0xA;
	s2 =	sadd.s32 s3, s2  }
0x8d: {  	s2 =	sadd.s32 s2, s14  }
0x8e: {  	[smem:$0x3FBD] =	sst s2  }
0x8f: {  	_ = 	snop  }
0x90: {  	s2 =	sld [smem:$0x3FD0];
	_ =	sdelay $0x2  }
0x91: {  	s15 =	simm.s32 $0xA;
	s4 =	simm.s32 $0x10  }
0x92: {  	[smem:s4], [sflag:s15] =	dma.local [hbm:s2], $0x1  }
0x93: {  	_ =	swait.eq [sflag:s15], $0x1  }
0x94: {  	[sflag:s15] =	ssyncset.done $0x0  }
0x95: {  	[sflag:s15] =	ssyncadd.s32 $0xFFFFFFFF  }
0x96: {  	s16 =	sld [smem:$0x10];
	(tm) =	ssettm $0x1  }
0x97: {  	s17 =	sld [smem:$0x3FFB];
	_ =	sdelay $0x3  }
0x98: {  	_ =	strace s17  }
0x99: {  	s3 =	sld [smem:$0x3FFC];
	_ =	sdelay $0x3  }
0x9a: {  	_ =	strace s3  }
0x9b: {  	s3 =	sld [smem:$0x3FFD];
	_ =	sdelay $0x3  }
0x9c: {  	_ =	strace s3  }
0x9d: {  	_ =	strace $0x8FFFFFFF  }
0x9e: {  	s18 =	sld [smem:$0x3FDB];
	_ =	sdelay $0x1  }
0x9f: {  	s19 =	simm.s32 $_scs_section_size  }
0xa0: {  	s5 =	simm.s32 $_size__tile_overlayer_lowered;
	s6 =	simm.s32 $_tile_overlayer_lowered  }
0xa1: {  	s22 =	simm.s32 $0x1BFF;
	s21 =	sshll.u32 s6, $0x1;
	s3 =	sadd.s32 s19, s18  }
0xa2: {  	s7 =	simm.s32 $0x0;
	s20 =	sshll.u32 s5, $0x1;
	s5 =	sadd.s32 s21, s3  }
0xa3: {  	[timem:s7], [sflag:s22] =	dma.local [hbm:s5], s20  }
0xa4: {  	_ =	swait.ge [sflag:s22], s20  }
0xa5: {  	s4 =	ssub.s32 $0x0, s20;
	[sflag:s22] =	ssyncset.done $0x0  }
0xa6: {  	[sflag:s22] =	ssyncadd.s32 s4;
	_ =	sdelay $0x1  }
0xa7: {  	s23 =	simm.s32 $0x1B8B  }
0xa8: {  	_ =	swait.ge [sflag:s23], $0x1  }
0xa9: {  	[sflag:s23] =	ssyncset.done $0x0  }
0xaa: {  	s25 =	simm.s32 $0x1B8E;
	s24 =	sld [smem:$0x3FFE];
	[sflag:s23] =	ssyncadd.s32 $0xFFFFFFFF  }
0xab: {  	s26 =	simm.s32 $execute0_lowered;
	[smem:$0x3FD2] =	sst s25  }
0xac: {  	s5 =	sshll.u32 s26, $0x1;
	_ =	strace $0x8000004C;
	[dreg:$0x1] =	wrdreg $0xFFFFFFFF  }
0xad: {  	s28 =	simm.s32 $_size_execute0_lowered;
	s3 =	sadd.s32 s3, s5;
	[dreg:$0x0] =	wrdreg $0x0  }
0xae: {  	s5 =	sshll.u32 s28, $0x1;
	[dreg:$0x2] =	wrdreg s3  }
0xaf: {  	[dreg:$0x3] =	wrdreg s5  }
0xb0: {  	[dreg:$0x4] =	wrdreg $0xC0  }
0xb1: {  	_ =	task [dreg:s7], $0x5FFFF  }
0xb2: {  	[dreg:$0x1] =	wrdreg $0xFFFFFFFF  }
0xb3: {  	[dreg:$0x0] =	wrdreg $0x60  }
0xb4: {  	[dreg:$0x2] =	wrdreg s24  }
0xb5: {  	[dreg:$0x3] =	wrdreg s16  }
0xb6: {  	[dreg:$0x4] =	wrdreg $0xA8000  }
0xb7: {  	[dreg:$0x5] =	wrdreg $0x9  }
0xb8: {  	_ =	task.clear_ibuf [dreg:s7], $0x6FFFF;
	_ =	strace $0x9000004C  }
0xb9: {  	s29 =	simm.s32 $0x9;
	_ =	strace $0x8000004E  }
0xba: {  	_ =	swait.ge [sflag:s29], $0x1  }
0xbb: {  	[sflag:s29] =	ssyncadd.s32 $0xFFFFFFFF  }
0xbc: {  	_ =	strace $0x9000004E  }
0xbd: {  	_ =	sfence  }
0xbe: {  	s30 =	sld [smem:$0x0];
	_ =	sdelay $0x2  }
0xbf: {  	s31 =	sshll.u32 s1, $0xD;
	s1 =	sshrl.u32 s1, $0x2  }
0xc0: {  	s3 =	sand.u32 $0x4000, s31;
	s1 =	sadd.s32 s1, s30  }
0xc1: {  	s0 =	sor.u32 s3, s0;
	s1 =	sshll.u32 s1, $0x11  }
0xc2: {  	s0 =	sor.u32 s1, s0  }
0xc3: {  	s0 =	sadd.s32 $0x8F2B, s0  }
0xc4: {  	[sflag:s0] =	ssyncadd.remote.s32 $0x1  }
0xc5: {  	_ =	sfence.sel $0xFFFF  }
0xc6: {  	[dreg:$0x0] =	wrdreg $0xFFFFFFFF;
	(pc) =	sbr.abs _section_cstart, $3  }
0xc7: {  	[dreg:$0x1] =	wrdreg $0xFFFFFFFF  }
0xc8: {  	_ =	task.clear_ibuf [dreg:s7], $0x2FFFF;
	_ =	strace $0x9FFFFFFF  }
0xc9: {  	(tm) =	ssettm $0x7FFFFFFF  }
tec
execute0_lowered:
.L_overlay_start_1:
0x0: {  	(tag) =	ssettag $0x1  }
0x1: {  	s5 =	rddreg [dreg:$0x0]  }
0x2: {  	s7 =	rddreg [dreg:$0x1]  }
0x3: {  	s1 =	rddreg [dreg:$0x2]  }
0x4: {  	s2 =	srdreg.scid;
	s0 =	rddreg [dreg:$0x3];
	s3 =	simm.s32 $0x0  }
0x5: {  	s16 =	simm.s32 $0x80;
	s17 =	simm.s32 $0x2800;
	s18 =	simm.s32 $0x6800  }
0x6: {  	s19 =	simm.s32 $0x1;
	s20 =	simm.s32 $0x100;
	s21 =	simm.s32 $0x2  }
0x7: {  	s22 =	simm.s32 $0x1480;
	s23 =	simm.s32 $0x3;
	s28 =	simm.s32 $0x0  }
0x8: {  	s6 =	sand.u32 $0x1, s2;
	s2 =	stileid.u32;
	[smem:$0x7FF] =	sst s3  }
0x9: {  	s4 =	sadd.s32 $0x34C00, s5;
	s10 =	sadd.s32 $0x2C00, s5;
	s8 =	smul.u32 $0x140000, s6  }
0xa: {  	s11 =	sadd.s32 $0xCC00, s5;
	s9 =	smul.u32 $0x14000, s2;
	_ =	strace $0x8000004D  }
0xb: {  	s24 =	sshll.u32 s2, $0x1;
	s12 =	ssub.s32 $0x2, s6;
	s13 =	smul.u32 $0x50000, s2  }
0xc: {  	p0 =	seq.s32 s6, $0x0;
	s15 =	smul.u32 $0x2800, s2;
	s31 =	sshll.u32 s2, $0x6  }
0xd: {  	s25 =	sshrl.u32 s12, $0x1;
	s11 =	smov.u32 @p0 s4;
	s8 =	sadd.s32 s9, s8  }
0xe: {  	s9 =	sor.u32 s6, s24;
	s12 =	ssub.s32 s12, s25;
	s29 =	sshrl.u32 s13, $0x2  }
0xf: {  	s11 =	sadd.s32 s11, s15;
	s15 =	simm.s32 $0x1400;
	s26 =	smul.u32 $0x2800, s9  }
0x10: {  	s24 =	simm.s32 $0x1380;
	s8 =	sshrl.u32 s8, $0x3;
	s9 =	smul.u32 $0x500, s9  }
0x11: {  	s25 =	simm.s32 $0x2700;
	s13 =	sadd.s32 s29, s1;
	s14 =	sadd.s32 s8, s5  }
0x12: {  	s13 =	sshrl.u32 s13, $0x3;
	s30 =	sshrl.u32 s26, $0x3;
	s5 =	sadd.s32 s7, s9  }
0x13: {  	s6 =	sadd.s32 s10, s9;
	s9 =	sadd.s32 $0x5CC00, s14;
	s8 =	sadd.s32 $0x280, s30  }
0x14: {  	s14 =	simm.s32 $0x4;
	s26 =	simm.s32 $0x2780;
	s7 =	sadd.s32 s7, s8  }
0x15: {  	s8 =	sadd.s32 s10, s8;
	s10 =	smax.u32 s12, $0x1;
	s12 =	sor.u32 $0x1C04, s31  }
.LBB2_1:
0x16: {  	[spmem:s13], [sflag:s12] =	dma.local [hbm:s11], $0x2800  }
0x17: {  	_ =	swait.ge [sflag:s14], $0x2800  }
0x18: {  	[sflag:s14] =	ssyncset.done $0x0  }
0x19: {  	[sflag:s14] =	ssyncadd.s32 $0xFFFFD800  }
0x1a: {  	[bflag:$0x0] =	sbarrier.arrive $0xFFFF  }
0x1b: {  	[tilespmem:s3], [sflag:$0x4] =	stream.linear.gather [hbm4b:s5+s3], $0x1400, $0x38;
	[tilespmem:$0x1E800] =	vst v63  }
0x1c: {  	_ =	swait.ge [sflag:s14], $0x1400  }
0x1d: {  	[sflag:s14] =	ssyncset.done $0x0  }
0x1e: {  	[sflag:s14] =	ssyncadd.s32 $0xFFFFEC00  }
0x1f: {  	[tilespmem:s15], [sflag:$0x4] =	stream.linear.gather [hbm4b:s6+s3], $0x1400, $0x38;
	[tilespmem:$0x1E800] =	vst v63  }
0x20: {  	_ =	swait.ge [sflag:s14], $0x1400  }
0x21: {  	[sflag:s14] =	ssyncset.done $0x0  }
0x22: {  	[sflag:s14] =	ssyncadd.s32 $0xFFFFEC00  }
0x23: {  	[tilespmem:s17], [sflag:$0x1] =	stream.indirect.gather [hbm4b:s4+s16], $0x80, s3, s16, $0xb8;
	[tilespmem:$0x1E800] =	vst v63  }
0x24: {  	_ = 	snop  }
0x25: {  	[tilespmem:s18], [sflag:$0x2] =	stream.indirect.gather [hbm4b:s4+s16], $0x80, s16, s16, $0xb8;
	[tilespmem:$0x1E800] =	vst v63  }
0x26: {  	_ =	swait.ge [sflag:s19], $0x4000  }
0x27: {  	[sflag:s19] =	ssyncset.done $0x0  }
0x28: {  	[sflag:s19] =	ssyncadd.s32 $0xFFFFC000  }
0x29: {  	[spmem:s1] =	stream.indirect.scatter.add.f32 [tilespmem:s17], [sflag:$0x4], $0x80, s15, s16, $0xb8;
	[tilespmem:$0x1E800] =	vst v63  }
0x2a: {  	_ =	swait.ge [sflag:s14], $0x4000  }
0x2b: {  	[sflag:s14] =	ssyncset.done $0x0  }
0x2c: {  	[sflag:s14] =	ssyncadd.s32 $0xFFFFC000  }
0x2d: {  	[tilespmem:s17], [sflag:$0x1] =	stream.indirect.gather [hbm4b:s4+s16], $0x80, s20, s16, $0xb8;
	[tilespmem:$0x1E800] =	vst v63  }
0x2e: {  	_ =	swait.ge [sflag:s21], $0x4000  }
0x2f: {  	[sflag:s21] =	ssyncset.done $0x0  }
0x30: {  	[sflag:s21] =	ssyncadd.s32 $0xFFFFC000  }
0x31: {  	[spmem:s1] =	stream.indirect.scatter.add.f32 [tilespmem:s18], [sflag:$0x3], $0x80, s22, s16, $0xb8;
	[tilespmem:$0x1E800] =	vst v63  }
0x32: {  	_ =	swait.ge [sflag:s23], $0x4000  }
0x33: {  	[sflag:s23] =	ssyncset.done $0x0  }
0x34: {  	s29 =	simm.s32 $0x180;
	[sflag:s23] =	ssyncadd.s32 $0xFFFFC000  }
0x35: {  	[tilespmem:s18], [sflag:$0x2] =	stream.indirect.gather [hbm4b:s4+s16], $0x80, s29, s16, $0xb8;
	[tilespmem:$0x1E800] =	vst v63  }
0x36: {  	_ =	swait.ge [sflag:s19], $0x4000  }
0x37: {  	[sflag:s19] =	ssyncset.done $0x0  }
0x38: {  	s29 =	simm.s32 $0x1500;
	[sflag:s19] =	ssyncadd.s32 $0xFFFFC000  }
0x39: {  	[spmem:s1] =	stream.indirect.scatter.add.f32 [tilespmem:s17], [sflag:$0x4], $0x80, s29, s16, $0xb8;
	[tilespmem:$0x1E800] =	vst v63  }
0x3a: {  	_ =	swait.ge [sflag:s14], $0x4000  }
0x3b: {  	[sflag:s14] =	ssyncset.done $0x0  }
0x3c: {  	s29 =	simm.s32 $0x200;
	[sflag:s14] =	ssyncadd.s32 $0xFFFFC000  }
0x3d: {  	[tilespmem:s17], [sflag:$0x1] =	stream.indirect.gather [hbm4b:s4+s16], $0x80, s29, s16, $0xb8;
	[tilespmem:$0x1E800] =	vst v63  }
0x3e: {  	_ =	swait.ge [sflag:s21], $0x4000  }
0x3f: {  	[sflag:s21] =	ssyncset.done $0x0  }
0x40: {  	s30 =	simm.s32 $0x1580;
	s29 =	simm.s32 $0xFFFFBC00;
	[sflag:s21] =	ssyncadd.s32 $0xFFFFC000  }
.LBB2_2:
0x41: {  	[spmem:s1] =	stream.indirect.scatter.add.f32 [tilespmem:s18], [sflag:$0x3], $0x80, s30, s16, $0xb8;
	[tilespmem:$0x1E800] =	vst v63  }
0x42: {  	s30 =	smov.u32 s29  }
0x43: {  	p0 =	sne.s32 s29, $0xFFFFFC00;
	s29 =	sadd.s32 $0x400, s29;
	_ =	swait.ge [sflag:s23], $0x4000  }
0x44: {  	s30 =	sshra.s32 s30, $0x2;
	[sflag:s23] =	ssyncset.done $0x0  }
0x45: {  	s31 =	sadd.s32 $0x1380, s30;
	[sflag:s23] =	ssyncadd.s32 $0xFFFFC000  }
0x46: {  	[tilespmem:s18], [sflag:$0x2] =	stream.indirect.gather [hbm4b:s4+s16], $0x80, s31, s16, $0xb8;
	[tilespmem:$0x1E800] =	vst v63  }
0x47: {  	_ =	swait.ge [sflag:s19], $0x4000  }
0x48: {  	[sflag:s19] =	ssyncset.done $0x0  }
0x49: {  	s31 =	sadd.s32 $0x2700, s30;
	[sflag:s19] =	ssyncadd.s32 $0xFFFFC000  }
0x4a: {  	[spmem:s1] =	stream.indirect.scatter.add.f32 [tilespmem:s17], [sflag:$0x4], $0x80, s31, s16, $0xb8;
	[tilespmem:$0x1E800] =	vst v63  }
0x4b: {  	_ =	swait.ge [sflag:s14], $0x4000  }
0x4c: {  	[sflag:s14] =	ssyncset.done $0x0  }
.Ltmp0:
0x4d: {  	s31 =	sadd.s32 $0x1400, s30;
	[sflag:s14] =	ssyncadd.s32 $0xFFFFC000;
	(pc) =	sbr.rel @p0 .LBB2_2-.Ltmp0, $4  }
0x4e: {  	[tilespmem:s17], [sflag:$0x1] =	stream.indirect.gather [hbm4b:s4+s16], $0x80, s31, s16, $0xb8;
	[tilespmem:$0x1E800] =	vst v63  }
0x4f: {  	_ =	swait.ge [sflag:s21], $0x4000  }
0x50: {  	[sflag:s21] =	ssyncset.done $0x0  }
0x51: {  	s30 =	sadd.s32 $0x2780, s30;
	[sflag:s21] =	ssyncadd.s32 $0xFFFFC000  }
0x52: {  	[spmem:s1] =	stream.indirect.scatter.add.f32 [tilespmem:s18], [sflag:$0x3], $0x80, s30, s16, $0xb8;
	[tilespmem:$0x1E800] =	vst v63  }
0x53: {  	_ =	swait.ge [sflag:s23], $0x4000  }
0x54: {  	[sflag:s23] =	ssyncset.done $0x0  }
0x55: {  	[sflag:s23] =	ssyncadd.s32 $0xFFFFC000  }
0x56: {  	[tilespmem:s18], [sflag:$0x2] =	stream.indirect.gather [hbm4b:s4+s16], $0x80, s24, s16, $0xb8;
	[tilespmem:$0x1E800] =	vst v63  }
0x57: {  	_ =	swait.ge [sflag:s19], $0x4000  }
0x58: {  	[sflag:s19] =	ssyncset.done $0x0  }
0x59: {  	[sflag:s19] =	ssyncadd.s32 $0xFFFFC000  }
0x5a: {  	[spmem:s1] =	stream.indirect.scatter.add.f32 [tilespmem:s17], [sflag:$0x4], $0x80, s25, s16, $0xb8;
	[tilespmem:$0x1E800] =	vst v63  }
0x5b: {  	_ =	swait.ge [sflag:s14], $0x4000  }
0x5c: {  	[sflag:s14] =	ssyncset.done $0x0  }
0x5d: {  	[sflag:s14] =	ssyncadd.s32 $0xFFFFC000  }
0x5e: {  	_ =	swait.ge [sflag:s21], $0x4000  }
0x5f: {  	[sflag:s21] =	ssyncset.done $0x0  }
0x60: {  	[sflag:s21] =	ssyncadd.s32 $0xFFFFC000  }
0x61: {  	[spmem:s1] =	stream.indirect.scatter.add.f32 [tilespmem:s18], [sflag:$0x3], $0x80, s26, s16, $0xb8;
	[tilespmem:$0x1E800] =	vst v63  }
0x62: {  	_ =	swait.ge [sflag:s23], $0x4000  }
0x63: {  	[sflag:s23] =	ssyncset.done $0x0  }
0x64: {  	[sflag:s23] =	ssyncadd.s32 $0xFFFFC000  }
0x65: {  	[tilespmem:s3], [sflag:$0x4] =	stream.linear.gather [hbm4b:s7+s3], $0x1400, $0x38;
	[tilespmem:$0x1E800] =	vst v63  }
0x66: {  	_ =	swait.ge [sflag:s14], $0x1400  }
0x67: {  	[sflag:s14] =	ssyncset.done $0x0  }
0x68: {  	[sflag:s14] =	ssyncadd.s32 $0xFFFFEC00  }
0x69: {  	[tilespmem:s15], [sflag:$0x4] =	stream.linear.gather [hbm4b:s8+s3], $0x1400, $0x38;
	[tilespmem:$0x1E800] =	vst v63  }
0x6a: {  	_ =	swait.ge [sflag:s14], $0x1400  }
0x6b: {  	[sflag:s14] =	ssyncset.done $0x0  }
0x6c: {  	[sflag:s14] =	ssyncadd.s32 $0xFFFFEC00  }
0x6d: {  	[tilespmem:s17], [sflag:$0x1] =	stream.indirect.gather [hbm4b:s4+s16], $0x80, s3, s16, $0xb8;
	[tilespmem:$0x1E800] =	vst v63  }
0x6e: {  	_ = 	snop  }
0x6f: {  	[tilespmem:s18], [sflag:$0x2] =	stream.indirect.gather [hbm4b:s4+s16], $0x80, s16, s16, $0xb8;
	[tilespmem:$0x1E800] =	vst v63  }
0x70: {  	_ =	swait.ge [sflag:s19], $0x4000  }
0x71: {  	[sflag:s19] =	ssyncset.done $0x0  }
0x72: {  	[sflag:s19] =	ssyncadd.s32 $0xFFFFC000  }
0x73: {  	[spmem:s1] =	stream.indirect.scatter.add.f32 [tilespmem:s17], [sflag:$0x4], $0x80, s15, s16, $0xb8;
	[tilespmem:$0x1E800] =	vst v63  }
0x74: {  	_ =	swait.ge [sflag:s14], $0x4000  }
0x75: {  	[sflag:s14] =	ssyncset.done $0x0  }
0x76: {  	[sflag:s14] =	ssyncadd.s32 $0xFFFFC000  }
0x77: {  	[tilespmem:s17], [sflag:$0x1] =	stream.indirect.gather [hbm4b:s4+s16], $0x80, s20, s16, $0xb8;
	[tilespmem:$0x1E800] =	vst v63  }
0x78: {  	_ =	swait.ge [sflag:s21], $0x4000  }
0x79: {  	[sflag:s21] =	ssyncset.done $0x0  }
0x7a: {  	[sflag:s21] =	ssyncadd.s32 $0xFFFFC000  }
0x7b: {  	[spmem:s1] =	stream.indirect.scatter.add.f32 [tilespmem:s18], [sflag:$0x3], $0x80, s22, s16, $0xb8;
	[tilespmem:$0x1E800] =	vst v63  }
0x7c: {  	_ =	swait.ge [sflag:s23], $0x4000  }
0x7d: {  	[sflag:s23] =	ssyncset.done $0x0  }
0x7e: {  	s29 =	simm.s32 $0x180;
	[sflag:s23] =	ssyncadd.s32 $0xFFFFC000  }
0x7f: {  	[tilespmem:s18], [sflag:$0x2] =	stream.indirect.gather [hbm4b:s4+s16], $0x80, s29, s16, $0xb8;
	[tilespmem:$0x1E800] =	vst v63  }
0x80: {  	_ =	swait.ge [sflag:s19], $0x4000  }
0x81: {  	[sflag:s19] =	ssyncset.done $0x0  }
0x82: {  	s29 =	simm.s32 $0x1500;
	[sflag:s19] =	ssyncadd.s32 $0xFFFFC000  }
0x83: {  	[spmem:s1] =	stream.indirect.scatter.add.f32 [tilespmem:s17], [sflag:$0x4], $0x80, s29, s16, $0xb8;
	[tilespmem:$0x1E800] =	vst v63  }
0x84: {  	_ =	swait.ge [sflag:s14], $0x4000  }
0x85: {  	[sflag:s14] =	ssyncset.done $0x0  }
0x86: {  	s29 =	simm.s32 $0x200;
	[sflag:s14] =	ssyncadd.s32 $0xFFFFC000  }
0x87: {  	[tilespmem:s17], [sflag:$0x1] =	stream.indirect.gather [hbm4b:s4+s16], $0x80, s29, s16, $0xb8;
	[tilespmem:$0x1E800] =	vst v63  }
0x88: {  	_ =	swait.ge [sflag:s21], $0x4000  }
0x89: {  	[sflag:s21] =	ssyncset.done $0x0  }
0x8a: {  	s30 =	simm.s32 $0x1580;
	s29 =	simm.s32 $0xFFFFBC00;
	[sflag:s21] =	ssyncadd.s32 $0xFFFFC000  }
.LBB2_4:
0x8b: {  	[spmem:s1] =	stream.indirect.scatter.add.f32 [tilespmem:s18], [sflag:$0x3], $0x80, s30, s16, $0xb8;
	[tilespmem:$0x1E800] =	vst v63  }
0x8c: {  	s30 =	smov.u32 s29  }
0x8d: {  	p0 =	sne.s32 s29, $0xFFFFFC00;
	s29 =	sadd.s32 $0x400, s29;
	_ =	swait.ge [sflag:s23], $0x4000  }
0x8e: {  	s30 =	sshra.s32 s30, $0x2;
	[sflag:s23] =	ssyncset.done $0x0  }
0x8f: {  	s31 =	sadd.s32 $0x1380, s30;
	[sflag:s23] =	ssyncadd.s32 $0xFFFFC000  }
0x90: {  	[tilespmem:s18], [sflag:$0x2] =	stream.indirect.gather [hbm4b:s4+s16], $0x80, s31, s16, $0xb8;
	[tilespmem:$0x1E800] =	vst v63  }
0x91: {  	_ =	swait.ge [sflag:s19], $0x4000  }
0x92: {  	[sflag:s19] =	ssyncset.done $0x0  }
0x93: {  	s31 =	sadd.s32 $0x2700, s30;
	[sflag:s19] =	ssyncadd.s32 $0xFFFFC000  }
0x94: {  	[spmem:s1] =	stream.indirect.scatter.add.f32 [tilespmem:s17], [sflag:$0x4], $0x80, s31, s16, $0xb8;
	[tilespmem:$0x1E800] =	vst v63  }
0x95: {  	_ =	swait.ge [sflag:s14], $0x4000  }
0x96: {  	[sflag:s14] =	ssyncset.done $0x0  }
.Ltmp1:
0x97: {  	s31 =	sadd.s32 $0x1400, s30;
	[sflag:s14] =	ssyncadd.s32 $0xFFFFC000;
	(pc) =	sbr.rel @p0 .LBB2_4-.Ltmp1, $4  }
0x98: {  	[tilespmem:s17], [sflag:$0x1] =	stream.indirect.gather [hbm4b:s4+s16], $0x80, s31, s16, $0xb8;
	[tilespmem:$0x1E800] =	vst v63  }
0x99: {  	_ =	swait.ge [sflag:s21], $0x4000  }
0x9a: {  	[sflag:s21] =	ssyncset.done $0x0  }
0x9b: {  	s30 =	sadd.s32 $0x2780, s30;
	[sflag:s21] =	ssyncadd.s32 $0xFFFFC000  }
0x9c: {  	[spmem:s1] =	stream.indirect.scatter.add.f32 [tilespmem:s18], [sflag:$0x3], $0x80, s30, s16, $0xb8;
	[tilespmem:$0x1E800] =	vst v63  }
0x9d: {  	_ =	swait.ge [sflag:s23], $0x4000  }
0x9e: {  	[sflag:s23] =	ssyncset.done $0x0  }
0x9f: {  	[sflag:s23] =	ssyncadd.s32 $0xFFFFC000  }
0xa0: {  	[tilespmem:s18], [sflag:$0x2] =	stream.indirect.gather [hbm4b:s4+s16], $0x80, s24, s16, $0xb8;
	[tilespmem:$0x1E800] =	vst v63  }
0xa1: {  	_ =	swait.ge [sflag:s19], $0x4000  }
0xa2: {  	[sflag:s19] =	ssyncset.done $0x0  }
0xa3: {  	[sflag:s19] =	ssyncadd.s32 $0xFFFFC000  }
0xa4: {  	[spmem:s1] =	stream.indirect.scatter.add.f32 [tilespmem:s17], [sflag:$0x4], $0x80, s25, s16, $0xb8;
	[tilespmem:$0x1E800] =	vst v63  }
0xa5: {  	_ =	swait.ge [sflag:s14], $0x4000  }
0xa6: {  	[sflag:s14] =	ssyncset.done $0x0  }
0xa7: {  	[sflag:s14] =	ssyncadd.s32 $0xFFFFC000  }
0xa8: {  	_ =	swait.ge [sflag:s21], $0x4000  }
0xa9: {  	[sflag:s21] =	ssyncset.done $0x0  }
0xaa: {  	[sflag:s21] =	ssyncadd.s32 $0xFFFFC000  }
0xab: {  	[spmem:s1] =	stream.indirect.scatter.add.f32 [tilespmem:s18], [sflag:$0x3], $0x80, s26, s16, $0xb8;
	[tilespmem:$0x1E800] =	vst v63  }
0xac: {  	_ =	swait.ge [sflag:s23], $0x4000  }
0xad: {  	s28 =	sadd.s32 $0x1, s28;
	[sflag:s23] =	ssyncset.done $0x0  }
0xae: {  	p0 =	sne.s32 s28, s10;
	[sflag:s23] =	ssyncadd.s32 $0xFFFFC000  }
.Ltmp2:
0xaf: {  	[bflag:$0x0] =	sbarrier.arrive $0xFFFF;
	(pc) =	sbr.rel @p0 .LBB2_1-.Ltmp2, $4  }
0xb0: {  	[hbm:s9], [sflag:s12] =	dma.local [spmem:s13], $0x2800  }
0xb1: {  	_ =	swait.ge [sflag:s14], $0x2800  }
0xb2: {  	[sflag:s14] =	ssyncset.done $0x0  }
0xb3: {  	[sflag:s14] =	ssyncadd.s32 $0xFFFFD800  }
0xb4: {  	_ =	sfence.sel $0x180000  }
0xb5: {  	[bflag:$0x0] =	sbarrier.arrive $0xFFFF  }
0xb6: {  	p0 =	sne.s32 s2, $0x0;
	_ =	strace $0x9000004D  }
0xb7: {  	s0 =	sadd.s32 @!p0 $0x100000, s0;
	[bflag:$0x2] =	sbarrier.arrive $0xFFFF  }
0xb8: {  	[sflag:s0] =	ssyncadd.tile.s32 @!p0 $0x1;
	_ =	shalt  }
.Lfunc_end2:
_tile_overlayer_lowered:
.L_overlay_start_2:
0xb9: {  	(tag) =	ssettag $0x2  }
0xba: {  	s0 =	rddreg [dreg:$0x0];
	s2 =	stileid.u32  }
0xbb: {  	s1 =	rddreg [dreg:$0x1];
	p0 =	sne.s32 s2, $0x0  }
0xbc: {  	s3 =	rddreg [dreg:$0x2];
	[bflag:$0x3] =	sbarrier.arrive $0xFFFF;
	s2 =	simm.s32 @!p0 $0x1C04  }
0xbd: {  	[timem:s3], [sflag:s2] =	dma.local @!p0 [hbm:s0], s1  }
0xbe: {  	s0 =	simm.s32 @!p0 $0x4  }
0xbf: {  	_ =	swait.ge @!p0 [sflag:s0], s1  }
0xc0: {  	s1 =	ssub.s32 @!p0 $0x0, s1;
	[sflag:s0] =	ssyncset.done @!p0 $0x0  }
0xc1: {  	[sflag:s0] =	ssyncadd.s32 @!p0 s1  }
0xc2: {  	[bflag:$0x3] =	sbarrier.arrive $0xFFFF  }
0xc3: {  	_ =	shalt  }

// kernel: kernel.8.cloned.1.call-start
scs
__scs_entry_jumppad:
0x0: {  	(pc) =	sbr.rel $0x88, $3  }
0x1: {  	(tag) =	ssettag $0x0;
	lr =	simm.s32 $0x1  }
0x2: {  	[smem:$0x3F96] =	sst lr;
	_ =	strace $0xD0000000  }
0x3: {  	_ = 	snop  }
0x4: {  	_ = 	snop  }
0x5: {  	_ = 	snop  }
0x6: {  	_ = 	snop  }
0x7: {  	_ = 	snop  }
__scs_overlays_trampoline_lowered:
0x8: {  	[smem:$0x3FA5] =	sst s0  }
0x9: {  	[smem:$0x3FA6] =	sst s1  }
0xa: {  	[smem:$0x3FA7] =	sst s2  }
0xb: {  	[smem:$0x3FA8] =	sst s3  }
0xc: {  	[smem:$0x3FA9] =	sst s4  }
0xd: {  	[smem:$0x3FAA] =	sst s5  }
0xe: {  	[smem:$0x3FAB] =	sst s6  }
0xf: {  	[smem:$0x3FAC] =	sst s7  }
0x10: {  	[smem:$0x3FAD] =	sst s8  }
0x11: {  	[smem:$0x3FAE] =	sst s9;
	s0 =	simm.s32 @!p0 $0x0  }
0x12: {  	s1 =	sld [smem:$0x3F94];
	s0 =	simm.s32 @p0 $0x1  }
0x13: {  	[smem:$0x3FAF] =	sst s0;
	s0 =	simm.s32 @!p1 $0x0  }
0x14: {  	s2 =	sld [smem:$0x3F93];
	s0 =	simm.s32 @p1 $0x1  }
0x15: {  	[smem:$0x3FB0] =	sst s0;
	s0 =	simm.s32 @!p2 $0x0  }
0x16: {  	s3 =	sld [smem:$0x3FDB];
	s0 =	simm.s32 @p2 $0x1  }
0x17: {  	s4 =	simm.s32 $0x1BF5;
	[smem:$0x3FB2] =	sst s0  }
0x18: {  	s0 =	sld [smem:$0x3F95];
	_ =	swait.ge [sflag:s4], $0x0  }
0x19: {  	s7 =	sld [smem:$0x3F96]  }
0x1a: {  	s8 =	sadd.s32 $0xFFFFE003, lr  }
0x1b: {  	s9 =	sadd.s32 $0xFFFFFEF7, lr;
	s5 =	simm.s32 $0xFFFFFFFF;
	p2 =	slt.u32 s8, $0xFFFFF086  }
0x1c: {  	p1 =	slt.u32 s9, $0xF7A;
	s5 =	simm.s32 @!p2 $0x0  }
0x1d: {  	s5 =	simm.s32 @p1 $0x1;
	p0 =	seq.s32 s7, s2  }
0x1e: {  	s7 =	smul.u32 @!p0 $0xF7A, s2;
	p2 =	seq.s32 @!p0 s5, $0x0  }
0x1f: {  	s9 =	smul.u32 $0xF7A, s1;
	s8 =	simm.s32 @!p0 $0x1BF5;
	p2 =	por !p2, p0  }
0x20: {  	[sflag:s8] =	ssyncset.s32 @!p0 $0xFFFFF086;
	s6 =	sadd.s32 @!p0 s3, s7;
	s7 =	simm.s32 @!p0 $0x108  }
0x21: {  	s3 =	sadd.s32 s3, s9;
	s6 =	sadd.s32 @!p0 $0x88, s6;
	s7 =	simm.s32 @p2 $0x1082  }
0x22: {  	[simem:s7], [sflag:s8] =	dma.local @!p0 [hbm:s6], $0xF7A  }
0x23: {  	s9 =	sor.u32 $0xD0000000, s2;
	s6 =	simm.s32 $0x108;
	_ =	swait.ge @!p0 [sflag:s8], $0x0  }
0x24: {  	s3 =	sadd.s32 $0x88, s3;
	s6 =	simm.s32 @!p1 $0x1082;
	[sflag:s4] =	ssyncset.s32 $0xFFFFF086  }
0x25: {  	[simem:s6], [sflag:s4] =	dma.local [hbm:s3], $0xF7A  }
0x26: {  	[smem:$0x3F96] =	sst s1;
	(tag) =	ssettag s2;
	_ =	strace s9  }
0x27: {  	s1 =	sld [smem:$0x3FA6]  }
0x28: {  	s2 =	sld [smem:$0x3FA7]  }
0x29: {  	s4 =	sld [smem:$0x3FA9]  }
0x2a: {  	p0 =	seq.s32 s5, $0x0;
	s5 =	sld [smem:$0x3FAA]  }
0x2b: {  	s6 =	sld [smem:$0x3FAB]  }
0x2c: {  	s7 =	sld [smem:$0x3FAC]  }
0x2d: {  	s3 =	simm.s32 $0x108;
	s8 =	sld [smem:$0x3FAD]  }
0x2e: {  	s3 =	simm.s32 @!p0 $0x1082;
	s9 =	sld [smem:$0x3FAE]  }
0x2f: {  	lr =	sadd.s32 s0, s3;
	s0 =	sld [smem:$0x3FA5]  }
0x30: {  	s3 =	sld [smem:$0x3FA8]  }
0x31: {  	[smem:$0x3FB1] =	sst s10  }
0x32: {  	s10 =	sld [smem:$0x3FAF];
	_ =	sdelay $0x3  }
0x33: {  	p0 =	seq.s32 s10, $0x1;
	s10 =	sld [smem:$0x3FB1];
	_ =	sdelay $0x3  }
0x34: {  	[smem:$0x3FB1] =	sst s10  }
0x35: {  	s10 =	sld [smem:$0x3FB0];
	_ =	sdelay $0x3  }
0x36: {  	p1 =	seq.s32 s10, $0x1;
	s10 =	sld [smem:$0x3FB1];
	_ =	sdelay $0x3  }
0x37: {  	[smem:$0x3FB1] =	sst s10  }
0x38: {  	s10 =	sld [smem:$0x3FB2]  }
0x39: {  	_ = 	snop;
	(pc) =	sbr.ind lr, $3  }
0x3a: {  	_ = 	snop  }
0x3b: {  	_ = 	snop  }
0x3c: {  	p2 =	seq.s32 s10, $0x1;
	s10 =	sld [smem:$0x3FB1]  }
0x3d: {  	_ =	shalt  }
0x3e: {  	_ =	shalt  }
0x3f: {  	_ =	shalt  }
0x40: {  	_ =	shalt  }
0x41: {  	_ =	shalt  }
0x42: {  	_ =	shalt  }
0x43: {  	_ =	shalt  }
0x44: {  	_ =	shalt  }
0x45: {  	_ =	shalt  }
0x46: {  	_ =	shalt  }
0x47: {  	_ =	shalt  }
0x48: {  	_ =	shalt  }
0x49: {  	_ =	shalt  }
0x4a: {  	_ =	shalt  }
0x4b: {  	_ =	shalt  }
0x4c: {  	_ =	shalt  }
0x4d: {  	_ =	shalt  }
0x4e: {  	_ =	shalt  }
0x4f: {  	_ =	shalt  }
0x50: {  	_ =	shalt  }
0x51: {  	_ =	shalt  }
0x52: {  	_ =	shalt  }
0x53: {  	_ =	shalt  }
0x54: {  	_ =	shalt  }
0x55: {  	_ =	shalt  }
0x56: {  	_ =	shalt  }
0x57: {  	_ =	shalt  }
0x58: {  	_ =	shalt  }
0x59: {  	_ =	shalt  }
0x5a: {  	_ =	shalt  }
0x5b: {  	_ =	shalt  }
0x5c: {  	_ =	shalt  }
0x5d: {  	_ =	shalt  }
0x5e: {  	_ =	shalt  }
0x5f: {  	_ =	shalt  }
0x60: {  	_ =	shalt  }
0x61: {  	_ =	shalt  }
0x62: {  	_ =	shalt  }
0x63: {  	_ =	shalt  }
0x64: {  	_ =	shalt  }
0x65: {  	_ =	shalt  }
0x66: {  	_ =	shalt  }
0x67: {  	_ =	shalt  }
0x68: {  	_ =	shalt  }
0x69: {  	_ =	shalt  }
0x6a: {  	_ =	shalt  }
0x6b: {  	_ =	shalt  }
0x6c: {  	_ =	shalt  }
0x6d: {  	_ =	shalt  }
0x6e: {  	_ =	shalt  }
0x6f: {  	_ =	shalt  }
0x70: {  	_ =	shalt  }
0x71: {  	_ =	shalt  }
0x72: {  	_ =	shalt  }
0x73: {  	_ =	shalt  }
0x74: {  	_ =	shalt  }
0x75: {  	_ =	shalt  }
0x76: {  	_ =	shalt  }
0x77: {  	_ =	shalt  }
0x78: {  	_ =	shalt  }
0x79: {  	_ =	shalt  }
0x7a: {  	_ =	shalt  }
0x7b: {  	_ =	shalt  }
0x7c: {  	_ =	shalt  }
0x7d: {  	_ =	shalt  }
0x7e: {  	_ =	shalt  }
0x7f: {  	_ =	shalt  }
0x80: {  	_ =	shalt  }
0x81: {  	_ =	shalt  }
0x82: {  	_ =	shalt  }
0x83: {  	_ =	shalt  }
0x84: {  	_ =	shalt  }
0x85: {  	_ =	shalt  }
0x86: {  	_ =	shalt  }
0x87: {  	_ =	shalt  }
.Lfunc_end0:
.L_simem_size_0:
called_computation_lowered:
.L_overlay_start_0:
0x88: {  	s2 =	sld [smem:$0x3FD9]  }
0x89: {  	s3 =	sld [smem:$0x3FFE];
	_ =	sdelay $0x1  }
0x8a: {  	s1 =	srdreg.scid  }
0x8b: {  	s0 =	sand.u32 $0x1, s1  }
0x8c: {  	s14 =	sshll.u32 s0, $0xA;
	s2 =	sadd.s32 s3, s2  }
0x8d: {  	s2 =	sadd.s32 s2, s14  }
0x8e: {  	[smem:$0x3FBD] =	sst s2  }
0x8f: {  	_ = 	snop  }
0x90: {  	s2 =	sld [smem:$0x3FD0];
	_ =	sdelay $0x2  }
0x91: {  	s15 =	simm.s32 $0xA;
	s4 =	simm.s32 $0x10  }
0x92: {  	[smem:s4], [sflag:s15] =	dma.local [hbm:s2], $0x1  }
0x93: {  	_ =	swait.eq [sflag:s15], $0x1  }
0x94: {  	[sflag:s15] =	ssyncset.done $0x0  }
0x95: {  	[sflag:s15] =	ssyncadd.s32 $0xFFFFFFFF  }
0x96: {  	s16 =	sld [smem:$0x11];
	(tm) =	ssettm $0x1  }
0x97: {  	s17 =	sld [smem:$0x3FFB];
	_ =	sdelay $0x3  }
0x98: {  	_ =	strace s17  }
0x99: {  	s3 =	sld [smem:$0x3FFC];
	_ =	sdelay $0x3  }
0x9a: {  	_ =	strace s3  }
0x9b: {  	s3 =	sld [smem:$0x3FFD];
	_ =	sdelay $0x3  }
0x9c: {  	_ =	strace s3  }
0x9d: {  	_ =	strace $0x8FFFFFFF  }
0x9e: {  	s18 =	sld [smem:$0x3FDB];
	_ =	sdelay $0x1  }
0x9f: {  	s19 =	simm.s32 $_scs_section_size  }
0xa0: {  	s5 =	simm.s32 $_size__tile_overlayer_lowered;
	s6 =	simm.s32 $_tile_overlayer_lowered  }
0xa1: {  	s22 =	simm.s32 $0x1BFF;
	s21 =	sshll.u32 s6, $0x1;
	s3 =	sadd.s32 s19, s18  }
0xa2: {  	s7 =	simm.s32 $0x0;
	s20 =	sshll.u32 s5, $0x1;
	s5 =	sadd.s32 s21, s3  }
0xa3: {  	[timem:s7], [sflag:s22] =	dma.local [hbm:s5], s20  }
0xa4: {  	_ =	swait.ge [sflag:s22], s20  }
0xa5: {  	s4 =	ssub.s32 $0x0, s20;
	[sflag:s22] =	ssyncset.done $0x0  }
0xa6: {  	[sflag:s22] =	ssyncadd.s32 s4;
	_ =	sdelay $0x1  }
0xa7: {  	s23 =	simm.s32 $0x1B8B  }
0xa8: {  	_ =	swait.ge [sflag:s23], $0x1  }
0xa9: {  	[sflag:s23] =	ssyncset.done $0x0  }
0xaa: {  	s25 =	simm.s32 $0x1B8E;
	s24 =	sld [smem:$0x3FFE];
	[sflag:s23] =	ssyncadd.s32 $0xFFFFFFFF  }
0xab: {  	s26 =	simm.s32 $execute0_lowered;
	[smem:$0x3FD2] =	sst s25  }
0xac: {  	s5 =	sshll.u32 s26, $0x1;
	_ =	strace $0x80000046;
	[dreg:$0x1] =	wrdreg $0xFFFFFFFF  }
0xad: {  	s28 =	simm.s32 $_size_execute0_lowered;
	s3 =	sadd.s32 s3, s5;
	[dreg:$0x0] =	wrdreg $0x0  }
0xae: {  	s5 =	sshll.u32 s28, $0x1;
	[dreg:$0x2] =	wrdreg s3  }
0xaf: {  	[dreg:$0x3] =	wrdreg s5  }
0xb0: {  	[dreg:$0x4] =	wrdreg $0xC0  }
0xb1: {  	_ =	task [dreg:s7], $0x5FFFF  }
0xb2: {  	[dreg:$0x1] =	wrdreg $0xFFFFFFFF  }
0xb3: {  	[dreg:$0x0] =	wrdreg $0x60  }
0xb4: {  	[dreg:$0x2] =	wrdreg s24  }
0xb5: {  	[dreg:$0x3] =	wrdreg s16  }
0xb6: {  	[dreg:$0x4] =	wrdreg $0x50800  }
0xb7: {  	[dreg:$0x5] =	wrdreg $0x9  }
0xb8: {  	_ =	task.clear_ibuf [dreg:s7], $0x6FFFF;
	_ =	strace $0x90000046  }
0xb9: {  	s29 =	simm.s32 $0x9;
	_ =	strace $0x80000048  }
0xba: {  	_ =	swait.ge [sflag:s29], $0x1  }
0xbb: {  	[sflag:s29] =	ssyncadd.s32 $0xFFFFFFFF  }
0xbc: {  	_ =	strace $0x90000048  }
0xbd: {  	_ =	sfence  }
0xbe: {  	s30 =	sld [smem:$0x0];
	_ =	sdelay $0x2  }
0xbf: {  	s31 =	sshll.u32 s1, $0xD;
	s1 =	sshrl.u32 s1, $0x2  }
0xc0: {  	s3 =	sand.u32 $0x4000, s31;
	s1 =	sadd.s32 s1, s30  }
0xc1: {  	s0 =	sor.u32 s3, s0;
	s1 =	sshll.u32 s1, $0x11  }
0xc2: {  	s0 =	sor.u32 s1, s0  }
0xc3: {  	s0 =	sadd.s32 $0x8F2B, s0  }
0xc4: {  	[sflag:s0] =	ssyncadd.remote.s32 $0x1  }
0xc5: {  	_ =	sfence.sel $0xFFFF  }
0xc6: {  	[dreg:$0x0] =	wrdreg $0xFFFFFFFF;
	(pc) =	sbr.abs _section_cstart, $3  }
0xc7: {  	[dreg:$0x1] =	wrdreg $0xFFFFFFFF  }
0xc8: {  	_ =	task.clear_ibuf [dreg:s7], $0x2FFFF;
	_ =	strace $0x9FFFFFFF  }
0xc9: {  	(tm) =	ssettm $0x7FFFFFFF  }
tec
execute0_lowered:
.L_overlay_start_1:
0x0: {  	(tag) =	ssettag $0x1  }
0x1: {  	s5 =	rddreg [dreg:$0x0]  }
0x2: {  	s1 =	rddreg [dreg:$0x1]  }
0x3: {  	s2 =	rddreg [dreg:$0x2]  }
0x4: {  	s3 =	srdreg.scid;
	s13 =	stileid.u32  }
0x5: {  	s0 =	rddreg [dreg:$0x3];
	s12 =	simm.s32 $0x50;
	s15 =	simm.s32 $0x0  }
0x6: {  	s4 =	sand.u32 $0x1, s3;
	s6 =	sshll.u32 s13, $0x1;
	s3 =	simm.s32 $0x0  }
0x7: {  	s8 =	sshll.u32 s13, $0xA;
	p0 =	sne.s32 s13, $0x0;
	p1 =	sgt.u32 s13, $0x9  }
0x8: {  	s6 =	sor.u32 s4, s6;
	s7 =	smul.u32 $0x2800, s4;
	[smem:$0x7FF] =	sst s3  }
0x9: {  	s9 =	ssub.s32 $0x2, s4;
	s4 =	sadd.s32 $0xCC00, s5;
	s14 =	sadd.s32 s8, s2  }
0xa: {  	s11 =	sshrl.u32 @!p0 s2, $0x3;
	s13 =	sshll.u32 @!p1 s13, $0x6;
	s6 =	smul.u32 $0x500, s6  }
0xb: {  	_ =	strace $0x80000047;
	s10 =	sshrl.u32 s9, $0x1;
	s13 =	sor.u32 @!p1 $0x1C01, s13  }
0xc: {  	s14 =	sshrl.u32 @!p1 s14, $0x3;
	s7 =	sadd.s32 s8, s7;
	s9 =	ssub.s32 s9, s10  }
0xd: {  	s8 =	simm.s32 $0x1;
	s6 =	sadd.s32 s6, s5;
	s7 =	sshrl.u32 s7, $0x3  }
0xe: {  	s10 =	simm.s32 $0x2800;
	s7 =	sadd.s32 s7, s5;
	s5 =	sadd.s32 $0x2C00, s6  }
0xf: {  	v0 =	vimm.f32 $1.000000000e+00;
	s6 =	sadd.s32 $0x34C00, s7;
	s7 =	smax.u32 s9, $0x1;
	s9 =	simm.s32 $0x5000  }
.LBB2_1:
0x10: {  	[tilespmem:s3], [sflag:$0x1] =	stream.linear.gather [hbm4b:s5+s3], $0x2800, $0x38;
	[tilespmem:$0x5300] =	vst v63  }
0x11: {  	_ =	swait.ge [sflag:s8], $0x2800  }
0x12: {  	[sflag:s8] =	ssyncset.done $0x0  }
0x13: {  	[sflag:s8] =	ssyncadd.s32 $0xFFFFD800  }
0x14: {  	[tilespmem:s9], [sflag:$0x1] =	stream.linear.gather [hbm4b:s1+s3], $0x80, $0x38;
	[tilespmem:$0x5300] =	vst v63  }
0x15: {  	_ =	swait.ge [sflag:s8], $0x80  }
0x16: {  	[sflag:s8] =	ssyncset.done $0x0  }
0x17: {  	[sflag:s8] =	ssyncadd.s32 $0xFFFFFF80  }
0x18: {  	[tilespmem:s10], [sflag:$0x1] =	stream.linear.gather [hbm4b:s4+s3], $0x2800, $0x38;
	[tilespmem:$0x5300] =	vst v63  }
0x19: {  	_ =	swait.ge [sflag:s8], $0x2800  }
0x1a: {  	[sflag:s8] =	ssyncset.done $0x0  }
0x1b: {  	s16 =	simm.s32 @!p0 $0x1C01;
	[sflag:s8] =	ssyncadd.s32 $0xFFFFD800  }
0x1c: {  	[spmem:s11], [sflag:s16] =	dma.local @!p0 [hbm:s4], $0x500  }
0x1d: {  	s16 =	simm.s32 @!p0 $0x1  }
0x1e: {  	s17 =	sand.u32 $0xFE00, s3;
	_ =	swait.ge @!p0 [sflag:s16], $0x500  }
0x1f: {  	s18 =	sand.u32 $0x70, s3;
	s17 =	sshrl.u32 s17, $0x2;
	[sflag:s16] =	ssyncset.done @!p0 $0x0  }
0x20: {  	s17 =	sor.u32 s18, s17;
	[sflag:s16] =	ssyncadd.s32 @!p0 $0xFFFFFB00  }
0x21: {  	v1 =	vld [tilespmem:s17+$0x0];
	_ =	sdelay $0x4  }
0x22: {  	s31 =	simm.s32 $0x40  }
0x23: {  	s18 =	sand.u32 $0xFE00, s31;
	s16 =	simm.s32 $0x10;
	s17 =	simm.s32 $0x80  }
.LBB2_2:
0x24: {  	p2 =	sne.s32 s17, $0x9FC0;
	s19 =	sand.u32 $0x70, s16;
	s18 =	sshrl.u32 s18, $0x2  }
0x25: {  	s18 =	sor.u32 s19, s18;
	[tilespmem:v1+s10+$0x0] =	vst.idx.add.f32.msk $0xffff, v0  }
0x26: {  	v1 =	vld [tilespmem:s18+$0x0];
	_ =	sdelay $0x1  }
.Ltmp0:
0x27: {  	(pc) =	sbr.rel @p2 .LBB2_2-.Ltmp0, $2  }
0x28: {  	_ =	sdelay $0x2  }
0x29: {  	s16 =	sadd.s32 $0x10, s16;
	s18 =	sand.u32 $0xFE00, s17;
	s17 =	sadd.s32 $0x40, s17  }
0x2a: {  	_ =	sdelay $0x2  }
0x2b: {  	s16 =	sand.u32 $0x70, s16;
	s17 =	sshrl.u32 s18, $0x2  }
0x2c: {  	[tilespmem:v1+s10+$0x0] =	vst.idx.add.f32.msk $0xffff, v0;
	s16 =	sor.u32 s16, s17  }
0x2d: {  	v1 =	vld [tilespmem:s16+$0x0];
	_ =	sdelay $0x7  }
0x2e: {  	[tilespmem:v1+s10+$0x0] =	vst.idx.add.f32.msk $0xffff, v0  }
0x2f: {  	[bflag:$0x0] =	sbarrier.arrive $0xFFFF  }
0x30: {  	[spmem:s2] =	stream.indirect.scatter.add.f32 [tilespmem:s10], [sflag:$0x1], $0x80, s9, s12, $0xb8;
	[tilespmem:$0x5300] =	vst v63  }
0x31: {  	_ =	swait.ge [sflag:s8], $0x2800  }
0x32: {  	s15 =	sadd.s32 $0x1, s15;
	[sflag:s8] =	ssyncset.done $0x0  }
0x33: {  	p2 =	sne.s32 s15, s7;
	[sflag:s8] =	ssyncadd.s32 $0xFFFFD800  }
.Ltmp1:
0x34: {  	s16 =	simm.s32 @!p1 $0x1;
	[bflag:$0x0] =	sbarrier.arrive $0xFFFF;
	(pc) =	sbr.rel @p2 .LBB2_1-.Ltmp1, $4  }
0x35: {  	[hbm:s6], [sflag:s13] =	dma.local @!p1 [spmem:s14], $0x80  }
0x36: {  	_ =	swait.ge @!p1 [sflag:s16], $0x80  }
0x37: {  	[sflag:s16] =	ssyncset.done @!p1 $0x0  }
0x38: {  	[sflag:s16] =	ssyncadd.s32 @!p1 $0xFFFFFF80  }
0x39: {  	_ =	sfence.sel $0x180000  }
0x3a: {  	[bflag:$0x0] =	sbarrier.arrive $0xFFFF  }
0x3b: {  	_ =	strace $0x90000047  }
0x3c: {  	s0 =	sadd.s32 @!p0 $0x100000, s0;
	[bflag:$0x2] =	sbarrier.arrive $0xFFFF  }
0x3d: {  	[sflag:s0] =	ssyncadd.tile.s32 @!p0 $0x1;
	_ =	shalt  }
.Lfunc_end2:
_tile_overlayer_lowered:
.L_overlay_start_2:
0x3e: {  	(tag) =	ssettag $0x2  }
0x3f: {  	s0 =	rddreg [dreg:$0x0];
	s2 =	stileid.u32  }
0x40: {  	s1 =	rddreg [dreg:$0x1];
	p0 =	sne.s32 s2, $0x0  }
0x41: {  	s3 =	rddreg [dreg:$0x2];
	[bflag:$0x3] =	sbarrier.arrive $0xFFFF;
	s2 =	simm.s32 @!p0 $0x1C01  }
0x42: {  	[timem:s3], [sflag:s2] =	dma.local @!p0 [hbm:s0], s1  }
0x43: {  	s0 =	simm.s32 @!p0 $0x1  }
0x44: {  	_ =	swait.ge @!p0 [sflag:s0], s1  }
0x45: {  	s1 =	ssub.s32 @!p0 $0x0, s1;
	[sflag:s0] =	ssyncset.done @!p0 $0x0  }
0x46: {  	[sflag:s0] =	ssyncadd.s32 @!p0 s1  }
0x47: {  	[bflag:$0x3] =	sbarrier.arrive $0xFFFF  }
0x48: {  	_ =	shalt  }

</sc_bundles>
